<compile_context>
chip_gen: v7x
topology: tpu7x:2x2x1
jax: 0.10.2.dev20260603
libtpu: 0.0.44.dev20260713+nightly
codegen_flags: <defaults>
</compile_context>

<pallas_src>
import functools

import jax
import jax.numpy as jnp
from jax import lax
from jax.experimental import pallas as pl
from jax.experimental.pallas import tpu as pltpu
from jax.experimental.pallas import tpu_sc as plsc


def _proj_body(emb_ref, w_ref, b_ref, out_ref):
    out_ref[...] = lax.dot_general(
        emb_ref[...], w_ref[...],
        dimension_numbers=(((1,), (1,)), ((), ())),
        preferred_element_type=jnp.float32,
    ) + b_ref[...]


def _project_table(emb_table, W1, b1):
    V, D = emb_table.shape
    return pl.pallas_call(
        _proj_body,
        out_shape=jax.ShapeDtypeStruct((V, D), jnp.float32),
    )(emb_table, W1, b1.reshape(1, D))


_P = 128
_CHUNK = 64
_SECT_ROWS = 32
_PROJ_ROWS = 4096
_IMG_HALF = 8192


def _make_sc_gather(num_rows, L):
    info = plsc.get_sparse_core_info()
    NC, NS = info.num_cores, info.num_subcores
    NW = NC * NS
    rows_per_w = num_rows // NW
    chunks_per_w = rows_per_w // _CHUNK
    chunks_per_l = chunks_per_w // L
    sections = chunks_per_w // (2 * _SECT_ROWS)
    rows_per_l = num_rows // L
    tab_rows = _PROJ_ROWS + _IMG_HALF
    mesh = plsc.VectorSubcoreMesh(core_axis_name="c", subcore_axis_name="s")

    @functools.partial(
        pl.kernel,
        mesh=mesh,
        out_type=jax.ShapeDtypeStruct((num_rows, _P), jnp.float32),
        scratch_types=[
            pltpu.VMEM((_SECT_ROWS, _P), jnp.int32),
            pltpu.VMEM((_SECT_ROWS, _P), jnp.int32),
            pltpu.VMEM((_CHUNK, _P), jnp.float32),
            pltpu.VMEM((_CHUNK, _P), jnp.float32),
            pltpu.VMEM_SHARED((tab_rows, _P), jnp.float32),
            pltpu.SemaphoreType.DMA,
            pltpu.SemaphoreType.DMA,
            pltpu.SemaphoreType.DMA,
            pltpu.SemaphoreType.DMA,
            pltpu.SemaphoreType.DMA,
        ],
    )
    def sc_kernel(tab_hbm, idx_hbm, out_hbm,
                  sb0, sb1, buf0, buf1, tab_sh, gs0, gs1, os0, os1, ssem):
        scid = lax.axis_index("c")
        sid = lax.axis_index("s")
        wid = scid * NS + sid
        sbufs = (sb0, sb1)
        bufs = (buf0, buf1)
        gsems = (gs0, gs1)
        osems = (os0, os1)

        pp = _PROJ_ROWS // NS
        ip = _IMG_HALF // NS
        pltpu.sync_copy(tab_hbm.at[pl.ds(pp * sid, pp)],
                        tab_sh.at[pl.ds(pp * sid, pp)])
        pltpu.sync_copy(
            tab_hbm.at[pl.ds(_PROJ_ROWS + _IMG_HALF * scid + ip * sid, ip)],
            tab_sh.at[pl.ds(_PROJ_ROWS + ip * sid, ip)])
        pltpu.sync_copy(idx_hbm.at[wid, pl.ds(0, _SECT_ROWS)], sb0)
        plsc.subcore_barrier()

        def out_slice(j):
            o = (j // chunks_per_l) * rows_per_l \
                + wid * (chunks_per_l * _CHUNK) \
                + (j % chunks_per_l) * _CHUNK
            return out_hbm.at[pl.ds(pl.multiple_of(o, _CHUNK), _CHUNK)]

        def idx_ref(sb, j):
            loc = j % (2 * _SECT_ROWS)
            return sb.at[loc // 2, pl.ds((loc % 2) * _CHUNK, _CHUNK)]

        def fire_gather(sb, j, k):
            return pltpu.async_copy(tab_sh.at[idx_ref(sb, j)], bufs[k],
                                    gsems[k])

        def wait_gather(sb, j, k):
            pltpu.make_async_copy(tab_sh.at[idx_ref(sb, j)], bufs[k],
                                  gsems[k]).wait()

        def fire_write(j, k):
            return pltpu.async_copy(bufs[k], out_slice(j), osems[k])

        def wait_write(j, k):
            pltpu.make_async_copy(bufs[k], out_slice(j), osems[k]).wait()

        fire_gather(sb0, 0, 0)
        fire_gather(sb0, 1, 1)

        def stage_src(s):
            return idx_hbm.at[wid, pl.ds(s * _SECT_ROWS, _SECT_ROWS)]

        for sect in range(sections):
            sb = sbufs[sect & 1]
            sb_next = sbufs[(sect + 1) & 1]
            base = sect * 2 * _SECT_ROWS
            if sect + 1 < sections:
                pltpu.async_copy(stage_src(sect + 1), sb_next, ssem)

            def pair(g, carry, sb=sb, base=base):
                j0 = base + 2 * g
                wait_gather(sb, j0, 0)
                fire_write(j0, 0)
                wait_gather(sb, j0 + 1, 1)
                fire_write(j0 + 1, 1)
                wait_write(j0, 0)
                fire_gather(sb, j0 + 2, 0)
                wait_write(j0 + 1, 1)
                fire_gather(sb, j0 + 3, 1)
                return carry

            lax.fori_loop(0, _SECT_ROWS - 1, pair, 0)

            j0 = base + 2 * (_SECT_ROWS - 1)
            wait_gather(sb, j0, 0)
            fire_write(j0, 0)
            wait_gather(sb, j0 + 1, 1)
            fire_write(j0 + 1, 1)
            wait_write(j0, 0)
            if sect + 1 < sections:
                pltpu.make_async_copy(stage_src(sect + 1), sb_next,
                                      ssem).wait()
                fire_gather(sb_next, j0 + 2, 0)
            wait_write(j0 + 1, 1)
            if sect + 1 < sections:
                fire_gather(sb_next, j0 + 3, 1)

    return sc_kernel


def kernel(caption_tknID, img_fc, emb_table, W1, b1):
    B, L = caption_tknID.shape
    D = img_fc.shape[1]
    num_tokens = B * L
    pieces = D // _P
    num_rows = num_tokens * 2 * pieces

    proj = _project_table(emb_table, W1, b1)

    tab = jnp.concatenate([
        proj.reshape(emb_table.shape[0] * pieces, _P),
        jnp.zeros((_PROJ_ROWS - emb_table.shape[0] * pieces, _P), jnp.float32),
        img_fc.reshape(B * pieces, _P),
    ], axis=0)

    info = plsc.get_sparse_core_info()
    nw = info.num_cores * info.num_subcores
    ns = info.num_subcores
    tokP = (caption_tknID.astype(jnp.int32)
            .reshape(nw, 16, 8, L).transpose(0, 3, 1, 2))
    cc = jnp.arange(pieces, dtype=jnp.int32).reshape(1, 1, 1, pieces, 1)
    sh = (nw, L, 16, 1, 8)
    cap_loc = ((jax.lax.broadcasted_iota(jnp.int32, sh, 0) % ns) * 128
               + jax.lax.broadcasted_iota(jnp.int32, sh, 2) * 8
               + jax.lax.broadcasted_iota(jnp.int32, sh, 4))
    word_idx = jnp.broadcast_to(tokP[:, :, :, None, :] * pieces + cc,
                                (nw, L, 16, pieces, 8))
    img_idx = jnp.broadcast_to(_PROJ_ROWS + cap_loc * pieces + cc,
                               (nw, L, 16, pieces, 8))
    idx_full = jnp.concatenate([word_idx, img_idx], axis=3)
    idx3d = idx_full.reshape(nw, num_rows // (nw * _P), _P)

    out_flat = _make_sc_gather(num_rows, L)(tab, idx3d)
    x = out_flat.reshape(L, B // 8, 2 * pieces, 8, _P)
    return x.transpose(1, 3, 0, 2, 4).reshape(B, L, 2 * D)

# --- scband reference (transcript-rebuilt; emitter-appended) ---
"""Pipeline reference for scband-conv-captioning-46875273068696 (READ-ONLY COPY).

The authoritative reference and input builder live on the scoring server;
editing this copy changes nothing except your own understanding.
"""

import jax, jax.numpy as jnp
import numpy as np


def setup_inputs(seed: int = 0) -> dict:
    key = jax.random.key(seed)
    k1, k2, k3, k4 = jax.random.split(key, 4)
    caption_tknID = jax.random.randint(k1, (4096, 20), 0, 1000)
    img_fc = jax.random.normal(k2, (4096, 512), dtype=jnp.float32)
    emb_table = jax.random.normal(k3, (1000, 512), dtype=jnp.float32) * 0.02
    W1 = jax.random.normal(k4, (512, 512), dtype=jnp.float32) * 0.02
    b1 = jnp.zeros((512,), dtype=jnp.float32)
    return {"caption_tknID": caption_tknID, "img_fc": img_fc, "emb_table": emb_table, "W1": W1, "b1": b1}


def reference(caption_tknID, img_fc, emb_table, W1, b1):
    # word_embedding0: embedding gather
    word_embed = jnp.take(emb_table, caption_tknID, axis=0)  # [B, L, 512]
    # word_embedding1: Linear(512, 512), torch convention y = x @ W.T + b
    word_embed = jnp.dot(word_embed, W1.T) + b1  # [B, L, 512]
    # img_fc.unsqueeze(1).expand(-1, L, -1)
    B, L = word_embed.shape[0], word_embed.shape[1]
    img_embed = jnp.broadcast_to(img_fc[:, None, :], (B, L, img_fc.shape[1]))
    input_embed = jnp.concatenate((word_embed, img_embed), axis=2)  # [B, L, 1024]
    # NOTE: original torch forward returns literal 0 (dead code); we return the
    # computed input_embed so the op graph is observable/benchmarkable.
    return input_embed

if __name__ == "__main__":
    import jax
    _d = setup_inputs()
    print(jax.jit(kernel)(*tuple(_d.values())))

</pallas_src>

<mosaic_0001>
#map = affine_map<(d0, d1) -> (0, 0)>
#map1 = affine_map<(d0, d1) -> (0, 0, 0)>
module attributes {stable_mosaic.version = 14 : i64} {
  func.func @sc_kernel(%arg0: i32, %arg1: i32, %arg2: memref<20480x128xf32, #tpu.memory_space<hbm>>, %arg3: memref<32x160x128xi32, #tpu.memory_space<hbm>>, %arg4: memref<655360x128xf32, #tpu.memory_space<hbm>>, %arg5: memref<32x128xi32, #tpu.memory_space<vmem>>, %arg6: memref<32x128xi32, #tpu.memory_space<vmem>>, %arg7: memref<64x128xf32, #tpu.memory_space<vmem>>, %arg8: memref<64x128xf32, #tpu.memory_space<vmem>>, %arg9: memref<12288x128xf32, #tpu.memory_space<vmem_shared>>, %arg10: memref<!tpu.dma_semaphore, #tpu.memory_space<semaphore_mem>>, %arg11: memref<!tpu.dma_semaphore, #tpu.memory_space<semaphore_mem>>, %arg12: memref<!tpu.dma_semaphore, #tpu.memory_space<semaphore_mem>>, %arg13: memref<!tpu.dma_semaphore, #tpu.memory_space<semaphore_mem>>, %arg14: memref<!tpu.dma_semaphore, #tpu.memory_space<semaphore_mem>>) attributes {dimension_semantics = [#tpu.dimension_semantics<core_parallel>, #tpu.dimension_semantics<subcore_parallel>], iteration_bounds = array<i64: 2, 16>, scalar_prefetch = 0 : i64, scratch_operands = 10 : i64, tpu.core_type = #tpu.core_type<sc_vector_subcore>, window_params = [{transform_indices = #map}, {transform_indices = #map1}, {transform_indices = #map}]} {
    %mul3A = arith.constant 16 : i32
    %mul3A_0 = arith.muli %arg0, %mul3A : i32
    %add3A = arith.addi %mul3A_0, %arg1 : i32
    %mul3A_1 = arith.constant 256 : i32
    %mul3A_2 = arith.muli %mul3A_1, %arg1 : i32
    %mul3A_3 = arith.constant 256 : i32
    %mul3A_4 = arith.muli %mul3A_3, %arg1 : i32
    "tpu.region"() ({
      %run_scoped3A = tpu.sem_alloc : memref<!tpu.dma_semaphore, #tpu.memory_space<semaphore_mem>>
      %dma_start3A_466 = arith.constant 0 : i32
      %dma_start3A_467 = tpu.memref_slice %arg9[%mul3A_4, %dma_start3A_466] : memref<12288x128xf32, #tpu.memory_space<vmem_shared>> -> memref<256x128xf32, #tpu.memory_space<vmem_shared>>
      %dma_start3A_468 = arith.constant 0 : i32
      %dma_start3A_469 = tpu.memref_slice %arg2[%mul3A_2, %dma_start3A_468] : memref<20480x128xf32, #tpu.memory_space<hbm>> -> memref<256x128xf32, #tpu.memory_space<hbm>>
      tpu.enqueue_dma source(%dma_start3A_469 : memref<256x128xf32, #tpu.memory_space<hbm>>) target(%dma_start3A_467 : memref<256x128xf32, #tpu.memory_space<vmem_shared>>) target_semaphore(%run_scoped3A : memref<!tpu.dma_semaphore, #tpu.memory_space<semaphore_mem>>)
      %dma_wait3A_470 = arith.constant 0 : i32
      %dma_wait3A_471 = tpu.memref_slice %arg9[%mul3A_4, %dma_wait3A_470] : memref<12288x128xf32, #tpu.memory_space<vmem_shared>> -> memref<256x128xf32, #tpu.memory_space<vmem_shared>>
      %dma_wait3A_472 = arith.constant 0 : i32
      %dma_wait3A_473 = tpu.memref_slice %arg2[%mul3A_2, %dma_wait3A_472] : memref<20480x128xf32, #tpu.memory_space<hbm>> -> memref<256x128xf32, #tpu.memory_space<hbm>>
      tpu.wait_dma2 semaphore(%run_scoped3A : memref<!tpu.dma_semaphore, #tpu.memory_space<semaphore_mem>>) src(%dma_wait3A_473 : memref<256x128xf32, #tpu.memory_space<hbm>>) dst(%dma_wait3A_471 : memref<256x128xf32, #tpu.memory_space<vmem_shared>>)
      tpu.yield
    }) : () -> ()
    %mul3A_5 = arith.constant 8192 : i32
    %mul3A_6 = arith.muli %mul3A_5, %arg0 : i32
    %add3A_7 = arith.constant 4096 : i32
    %add3A_8 = arith.addi %add3A_7, %mul3A_6 : i32
    %mul3A_9 = arith.constant 512 : i32
    %mul3A_10 = arith.muli %mul3A_9, %arg1 : i32
    %add3A_11 = arith.addi %add3A_8, %mul3A_10 : i32
    %mul3A_12 = arith.constant 512 : i32
    %mul3A_13 = arith.muli %mul3A_12, %arg1 : i32
    %add3A_14 = arith.constant 4096 : i32
    %add3A_15 = arith.addi %add3A_14, %mul3A_13 : i32
    "tpu.region"() ({
      %run_scoped3A = tpu.sem_alloc : memref<!tpu.dma_semaphore, #tpu.memory_space<semaphore_mem>>
      %dma_start3A_466 = arith.constant 0 : i32
      %dma_start3A_467 = tpu.memref_slice %arg9[%add3A_15, %dma_start3A_466] : memref<12288x128xf32, #tpu.memory_space<vmem_shared>> -> memref<512x128xf32, #tpu.memory_space<vmem_shared>>
      %dma_start3A_468 = arith.constant 0 : i32
      %dma_start3A_469 = tpu.memref_slice %arg2[%add3A_11, %dma_start3A_468] : memref<20480x128xf32, #tpu.memory_space<hbm>> -> memref<512x128xf32, #tpu.memory_space<hbm>>
      tpu.enqueue_dma source(%dma_start3A_469 : memref<512x128xf32, #tpu.memory_space<hbm>>) target(%dma_start3A_467 : memref<512x128xf32, #tpu.memory_space<vmem_shared>>) target_semaphore(%run_scoped3A : memref<!tpu.dma_semaphore, #tpu.memory_space<semaphore_mem>>)
      %dma_wait3A_470 = arith.constant 0 : i32
      %dma_wait3A_471 = tpu.memref_slice %arg9[%add3A_15, %dma_wait3A_470] : memref<12288x128xf32, #tpu.memory_space<vmem_shared>> -> memref<512x128xf32, #tpu.memory_space<vmem_shared>>
      %dma_wait3A_472 = arith.constant 0 : i32
      %dma_wait3A_473 = tpu.memref_slice %arg2[%add3A_11, %dma_wait3A_472] : memref<20480x128xf32, #tpu.memory_space<hbm>> -> memref<512x128xf32, #tpu.memory_space<hbm>>
      tpu.wait_dma2 semaphore(%run_scoped3A : memref<!tpu.dma_semaphore, #tpu.memory_space<semaphore_mem>>) src(%dma_wait3A_473 : memref<512x128xf32, #tpu.memory_space<hbm>>) dst(%dma_wait3A_471 : memref<512x128xf32, #tpu.memory_space<vmem_shared>>)
      tpu.yield
    }) : () -> ()
    "tpu.region"() ({
      %run_scoped3A = tpu.sem_alloc : memref<!tpu.dma_semaphore, #tpu.memory_space<semaphore_mem>>
      %dma_start3A_466 = arith.constant 0 : i32
      %dma_start3A_467 = arith.constant 0 : i32
      %dma_start3A_468 = tpu.memref_slice %arg3[%add3A, %dma_start3A_466, %dma_start3A_467] : memref<32x160x128xi32, #tpu.memory_space<hbm>> -> memref<1x32x128xi32, #tpu.memory_space<hbm>>
      %dma_start3A_469 = tpu.memref_squeeze %dma_start3A_468 : memref<1x32x128xi32, #tpu.memory_space<hbm>> -> memref<32x128xi32, #tpu.memory_space<hbm>>
      %dma_start3A_470 = arith.constant 0 : i32
      %dma_start3A_471 = arith.constant 0 : i32
      %dma_start3A_472 = tpu.memref_slice %arg3[%add3A, %dma_start3A_470, %dma_start3A_471] : memref<32x160x128xi32, #tpu.memory_space<hbm>> -> memref<1x32x128xi32, #tpu.memory_space<hbm>>
      %dma_start3A_473 = tpu.memref_squeeze %dma_start3A_472 : memref<1x32x128xi32, #tpu.memory_space<hbm>> -> memref<32x128xi32, #tpu.memory_space<hbm>>
      tpu.enqueue_dma source(%dma_start3A_473 : memref<32x128xi32, #tpu.memory_space<hbm>>) target(%arg5 : memref<32x128xi32, #tpu.memory_space<vmem>>) target_semaphore(%run_scoped3A : memref<!tpu.dma_semaphore, #tpu.memory_space<semaphore_mem>>)
      %dma_wait3A_474 = arith.constant 0 : i32
      %dma_wait3A_475 = arith.constant 0 : i32
      %dma_wait3A_476 = tpu.memref_slice %arg3[%add3A, %dma_wait3A_474, %dma_wait3A_475] : memref<32x160x128xi32, #tpu.memory_space<hbm>> -> memref<1x32x128xi32, #tpu.memory_space<hbm>>
      %dma_wait3A_477 = tpu.memref_squeeze %dma_wait3A_476 : memref<1x32x128xi32, #tpu.memory_space<hbm>> -> memref<32x128xi32, #tpu.memory_space<hbm>>
      %dma_wait3A_478 = arith.constant 0 : i32
      %dma_wait3A_479 = arith.constant 0 : i32
      %dma_wait3A_480 = tpu.memref_slice %arg3[%add3A, %dma_wait3A_478, %dma_wait3A_479] : memref<32x160x128xi32, #tpu.memory_space<hbm>> -> memref<1x32x128xi32, #tpu.memory_space<hbm>>
      %dma_wait3A_481 = tpu.memref_squeeze %dma_wait3A_480 : memref<1x32x128xi32, #tpu.memory_space<hbm>> -> memref<32x128xi32, #tpu.memory_space<hbm>>
      tpu.wait_dma2 semaphore(%run_scoped3A : memref<!tpu.dma_semaphore, #tpu.memory_space<semaphore_mem>>) src(%dma_wait3A_481 : memref<32x128xi32, #tpu.memory_space<hbm>>) dst(%arg5 : memref<32x128xi32, #tpu.memory_space<vmem>>)
      tpu.yield
    }) : () -> ()
    %barrier3A = arith.constant 0 : index
    tpu.barrier barrier_id(%barrier3A)
    %dma_start3A = arith.constant 0 : i32
    %dma_start3A_16 = arith.constant 0 : i32
    %dma_start3A_17 = tpu.memref_slice %arg5[%dma_start3A, %dma_start3A_16] : memref<32x128xi32, #tpu.memory_space<vmem>> -> memref<1x64xi32, #tpu.memory_space<vmem>>
    %dma_start3A_18 = tpu.memref_squeeze %dma_start3A_17 : memref<1x64xi32, #tpu.memory_space<vmem>> -> memref<64xi32, #tpu.memory_space<vmem>>
    %dma_start3A_19 = arith.constant 0 : i32
    %dma_start3A_20 = arith.constant 0 : i32
    %dma_start3A_21 = tpu.memref_slice %arg9[%dma_start3A_19, %dma_start3A_20] : memref<12288x128xf32, #tpu.memory_space<vmem_shared>> -> memref<12288x128xf32, #tpu.memory_space<vmem_shared>>
    tpu.enqueue_indirect_dma source(%dma_start3A_21 : memref<12288x128xf32, #tpu.memory_space<vmem_shared>>) target(%arg7 : memref<64x128xf32, #tpu.memory_space<vmem>>) offsets(%dma_start3A_18 : memref<64xi32, #tpu.memory_space<vmem>>) semaphore(%arg10 : memref<!tpu.dma_semaphore, #tpu.memory_space<semaphore_mem>>)
    %dma_start3A_22 = arith.constant 0 : i32
    %dma_start3A_23 = arith.constant 64 : i32
    %dma_start3A_24 = tpu.memref_slice %arg5[%dma_start3A_22, %dma_start3A_23] : memref<32x128xi32, #tpu.memory_space<vmem>> -> memref<1x64xi32, #tpu.memory_space<vmem>>
    %dma_start3A_25 = tpu.memref_squeeze %dma_start3A_24 : memref<1x64xi32, #tpu.memory_space<vmem>> -> memref<64xi32, #tpu.memory_space<vmem>>
    %dma_start3A_26 = arith.constant 0 : i32
    %dma_start3A_27 = arith.constant 0 : i32
    %dma_start3A_28 = tpu.memref_slice %arg9[%dma_start3A_26, %dma_start3A_27] : memref<12288x128xf32, #tpu.memory_space<vmem_shared>> -> memref<12288x128xf32, #tpu.memory_space<vmem_shared>>
    tpu.enqueue_indirect_dma source(%dma_start3A_28 : memref<12288x128xf32, #tpu.memory_space<vmem_shared>>) target(%arg8 : memref<64x128xf32, #tpu.memory_space<vmem>>) offsets(%dma_start3A_25 : memref<64xi32, #tpu.memory_space<vmem>>) semaphore(%arg11 : memref<!tpu.dma_semaphore, #tpu.memory_space<semaphore_mem>>)
    %dma_start3A_29 = arith.constant 32 : i32
    %dma_start3A_30 = arith.constant 0 : i32
    %dma_start3A_31 = tpu.memref_slice %arg3[%add3A, %dma_start3A_29, %dma_start3A_30] : memref<32x160x128xi32, #tpu.memory_space<hbm>> -> memref<1x32x128xi32, #tpu.memory_space<hbm>>
    %dma_start3A_32 = tpu.memref_squeeze %dma_start3A_31 : memref<1x32x128xi32, #tpu.memory_space<hbm>> -> memref<32x128xi32, #tpu.memory_space<hbm>>
    %dma_start3A_33 = arith.constant 32 : i32
    %dma_start3A_34 = arith.constant 0 : i32
    %dma_start3A_35 = tpu.memref_slice %arg3[%add3A, %dma_start3A_33, %dma_start3A_34] : memref<32x160x128xi32, #tpu.memory_space<hbm>> -> memref<1x32x128xi32, #tpu.memory_space<hbm>>
    %dma_start3A_36 = tpu.memref_squeeze %dma_start3A_35 : memref<1x32x128xi32, #tpu.memory_space<hbm>> -> memref<32x128xi32, #tpu.memory_space<hbm>>
    tpu.enqueue_dma source(%dma_start3A_36 : memref<32x128xi32, #tpu.memory_space<hbm>>) target(%arg6 : memref<32x128xi32, #tpu.memory_space<vmem>>) target_semaphore(%arg14 : memref<!tpu.dma_semaphore, #tpu.memory_space<semaphore_mem>>)
    %scan3A = arith.constant 0 : i32
    %scan3A_37 = arith.constant 0 : i32
    %scan3A_38 = arith.constant 31 : i32
    %scan3A_39 = arith.addi %scan3A_37, %scan3A_38 : i32
    %scan3A_40 = arith.constant 1 : i32
    scf.for %scan3A_466 = %scan3A_37 to %scan3A_39 step %scan3A_40  : i32 {
      %mul3A_467 = arith.constant 2 : i32
      %mul3A_468 = arith.muli %mul3A_467, %scan3A_466 : i32
      %add3A_469 = arith.constant 0 : i32
      %add3A_470 = arith.addi %add3A_469, %mul3A_468 : i32
      %jit3A = arith.constant 64 : i32
      %eq3A = arith.constant 0 : i32
      %eq3A_471 = arith.cmpi eq, %jit3A, %eq3A : i32
      %jit3A_472 = arith.constant 1 : i32
      %select_n3A = arith.select %eq3A_471, %jit3A_472, %jit3A : i32
      %rem3A = arith.remsi %add3A_470, %select_n3A : i32
      %ne3A = arith.constant 0 : i32
      %ne3A_473 = arith.cmpi ne, %rem3A, %ne3A : i32
      %lt3A = arith.constant 0 : i32
      %lt3A_474 = arith.cmpi slt, %rem3A, %lt3A : i32
      %lt3A_475 = arith.constant 0 : i32
      %lt3A_476 = arith.cmpi slt, %select_n3A, %lt3A_475 : i32
      %ne3A_477 = arith.xori %lt3A_474, %lt3A_476 : i1
      %and3A = arith.andi %ne3A_477, %ne3A_473 : i1
      %add3A_478 = arith.addi %rem3A, %select_n3A : i32
      %select_n3A_479 = arith.select %and3A, %add3A_478, %rem3A : i32
      %jit3A_480 = arith.constant 2 : i32
      %div3A = arith.divsi %select_n3A_479, %jit3A_480 : i32
      %sign3A = arith.constant 0 : i32
      %sign3A_481 = arith.cmpi sgt, %select_n3A_479, %sign3A : i32
      %sign3A_482 = arith.extui %sign3A_481 : i1 to i32
      %sign3A_483 = arith.constant 0 : i32
      %sign3A_484 = arith.cmpi slt, %select_n3A_479, %sign3A_483 : i32
      %sign3A_485 = arith.extui %sign3A_484 : i1 to i32
      %sign3A_486 = arith.subi %sign3A_482, %sign3A_485 : i32
      %sign3A_487 = arith.constant 0 : i32
      %sign3A_488 = arith.cmpi sgt, %jit3A_480, %sign3A_487 : i32
      %sign3A_489 = arith.extui %sign3A_488 : i1 to i32
      %sign3A_490 = arith.constant 0 : i32
      %sign3A_491 = arith.cmpi slt, %jit3A_480, %sign3A_490 : i32
      %sign3A_492 = arith.extui %sign3A_491 : i1 to i32
      %sign3A_493 = arith.subi %sign3A_489, %sign3A_492 : i32
      %ne3A_494 = arith.cmpi ne, %sign3A_486, %sign3A_493 : i32
      %rem3A_495 = arith.remsi %select_n3A_479, %jit3A_480 : i32
      %ne3A_496 = arith.constant 0 : i32
      %ne3A_497 = arith.cmpi ne, %rem3A_495, %ne3A_496 : i32
      %and3A_498 = arith.andi %ne3A_494, %ne3A_497 : i1
      %sub3A = arith.constant 1 : i32
      %sub3A_499 = arith.subi %div3A, %sub3A : i32
      %select_n3A_500 = arith.select %and3A_498, %sub3A_499, %div3A : i32
      %jit3A_501 = arith.constant 2 : i32
      %eq3A_502 = arith.constant 0 : i32
      %eq3A_503 = arith.cmpi eq, %jit3A_501, %eq3A_502 : i32
      %jit3A_504 = arith.constant 1 : i32
      %select_n3A_505 = arith.select %eq3A_503, %jit3A_504, %jit3A_501 : i32
      %rem3A_506 = arith.remsi %select_n3A_479, %select_n3A_505 : i32
      %ne3A_507 = arith.constant 0 : i32
      %ne3A_508 = arith.cmpi ne, %rem3A_506, %ne3A_507 : i32
      %lt3A_509 = arith.constant 0 : i32
      %lt3A_510 = arith.cmpi slt, %rem3A_506, %lt3A_509 : i32
      %lt3A_511 = arith.constant 0 : i32
      %lt3A_512 = arith.cmpi slt, %select_n3A_505, %lt3A_511 : i32
      %ne3A_513 = arith.xori %lt3A_510, %lt3A_512 : i1
      %and3A_514 = arith.andi %ne3A_513, %ne3A_508 : i1
      %add3A_515 = arith.addi %rem3A_506, %select_n3A_505 : i32
      %select_n3A_516 = arith.select %and3A_514, %add3A_515, %rem3A_506 : i32
      %mul3A_517 = arith.constant 64 : i32
      %mul3A_518 = arith.muli %select_n3A_516, %mul3A_517 : i32
      %dma_wait3A_519 = tpu.memref_slice %arg5[%select_n3A_500, %mul3A_518] : memref<32x128xi32, #tpu.memory_space<vmem>> -> memref<1x64xi32, #tpu.memory_space<vmem>>
      %dma_wait3A_520 = tpu.memref_squeeze %dma_wait3A_519 : memref<1x64xi32, #tpu.memory_space<vmem>> -> memref<64xi32, #tpu.memory_space<vmem>>
      %dma_wait3A_521 = arith.constant 0 : i32
      %dma_wait3A_522 = arith.constant 0 : i32
      %dma_wait3A_523 = tpu.memref_slice %arg9[%dma_wait3A_521, %dma_wait3A_522] : memref<12288x128xf32, #tpu.memory_space<vmem_shared>> -> memref<12288x128xf32, #tpu.memory_space<vmem_shared>>
      tpu.wait_indirect_dma semaphore(%arg10 : memref<!tpu.dma_semaphore, #tpu.memory_space<semaphore_mem>>) src(%dma_wait3A_523 : memref<12288x128xf32, #tpu.memory_space<vmem_shared>>) dst(%arg7 : memref<64x128xf32, #tpu.memory_space<vmem>>)
      %jit3A_524 = arith.constant 16 : i32
      %div3A_525 = arith.divsi %add3A_470, %jit3A_524 : i32
      %sign3A_526 = arith.constant 0 : i32
      %sign3A_527 = arith.cmpi sgt, %add3A_470, %sign3A_526 : i32
      %sign3A_528 = arith.extui %sign3A_527 : i1 to i32
      %sign3A_529 = arith.constant 0 : i32
      %sign3A_530 = arith.cmpi slt, %add3A_470, %sign3A_529 : i32
      %sign3A_531 = arith.extui %sign3A_530 : i1 to i32
      %sign3A_532 = arith.subi %sign3A_528, %sign3A_531 : i32
      %sign3A_533 = arith.constant 0 : i32
      %sign3A_534 = arith.cmpi sgt, %jit3A_524, %sign3A_533 : i32
      %sign3A_535 = arith.extui %sign3A_534 : i1 to i32
      %sign3A_536 = arith.constant 0 : i32
      %sign3A_537 = arith.cmpi slt, %jit3A_524, %sign3A_536 : i32
      %sign3A_538 = arith.extui %sign3A_537 : i1 to i32
      %sign3A_539 = arith.subi %sign3A_535, %sign3A_538 : i32
      %ne3A_540 = arith.cmpi ne, %sign3A_532, %sign3A_539 : i32
      %rem3A_541 = arith.remsi %add3A_470, %jit3A_524 : i32
      %ne3A_542 = arith.constant 0 : i32
      %ne3A_543 = arith.cmpi ne, %rem3A_541, %ne3A_542 : i32
      %and3A_544 = arith.andi %ne3A_540, %ne3A_543 : i1
      %sub3A_545 = arith.constant 1 : i32
      %sub3A_546 = arith.subi %div3A_525, %sub3A_545 : i32
      %select_n3A_547 = arith.select %and3A_544, %sub3A_546, %div3A_525 : i32
      %mul3A_548 = arith.constant 32768 : i32
      %mul3A_549 = arith.muli %select_n3A_547, %mul3A_548 : i32
      %mul3A_550 = arith.constant 1024 : i32
      %mul3A_551 = arith.muli %add3A, %mul3A_550 : i32
      %add3A_552 = arith.addi %mul3A_549, %mul3A_551 : i32
      %jit3A_553 = arith.constant 16 : i32
      %eq3A_554 = arith.constant 0 : i32
      %eq3A_555 = arith.cmpi eq, %jit3A_553, %eq3A_554 : i32
      %jit3A_556 = arith.constant 1 : i32
      %select_n3A_557 = arith.select %eq3A_555, %jit3A_556, %jit3A_553 : i32
      %rem3A_558 = arith.remsi %add3A_470, %select_n3A_557 : i32
      %ne3A_559 = arith.constant 0 : i32
      %ne3A_560 = arith.cmpi ne, %rem3A_558, %ne3A_559 : i32
      %lt3A_561 = arith.constant 0 : i32
      %lt3A_562 = arith.cmpi slt, %rem3A_558, %lt3A_561 : i32
      %lt3A_563 = arith.constant 0 : i32
      %lt3A_564 = arith.cmpi slt, %select_n3A_557, %lt3A_563 : i32
      %ne3A_565 = arith.xori %lt3A_562, %lt3A_564 : i1
      %and3A_566 = arith.andi %ne3A_565, %ne3A_560 : i1
      %add3A_567 = arith.addi %rem3A_558, %select_n3A_557 : i32
      %select_n3A_568 = arith.select %and3A_566, %add3A_567, %rem3A_558 : i32
      %mul3A_569 = arith.constant 64 : i32
      %mul3A_570 = arith.muli %select_n3A_568, %mul3A_569 : i32
      %add3A_571 = arith.addi %add3A_552, %mul3A_570 : i32
      %multiple_of3A_572 = tpu.assume_multiple %add3A_571, 64 : i32
      %dma_start3A_573 = arith.constant 0 : i32
      %dma_start3A_574 = tpu.memref_slice %arg4[%multiple_of3A_572, %dma_start3A_573] : memref<655360x128xf32, #tpu.memory_space<hbm>> -> memref<64x128xf32, #tpu.memory_space<hbm>>
      %dma_start3A_575 = arith.constant 0 : i32
      %dma_start3A_576 = tpu.memref_slice %arg4[%multiple_of3A_572, %dma_start3A_575] : memref<655360x128xf32, #tpu.memory_space<hbm>> -> memref<64x128xf32, #tpu.memory_space<hbm>>
      tpu.enqueue_dma source(%arg7 : memref<64x128xf32, #tpu.memory_space<vmem>>) target(%dma_start3A_576 : memref<64x128xf32, #tpu.memory_space<hbm>>) target_semaphore(%arg12 : memref<!tpu.dma_semaphore, #tpu.memory_space<semaphore_mem>>)
      %add3A_577 = arith.constant 1 : i32
      %add3A_578 = arith.addi %add3A_470, %add3A_577 : i32
      %jit3A_579 = arith.constant 64 : i32
      %eq3A_580 = arith.constant 0 : i32
      %eq3A_581 = arith.cmpi eq, %jit3A_579, %eq3A_580 : i32
      %jit3A_582 = arith.constant 1 : i32
      %select_n3A_583 = arith.select %eq3A_581, %jit3A_582, %jit3A_579 : i32
      %rem3A_584 = arith.remsi %add3A_578, %select_n3A_583 : i32
      %ne3A_585 = arith.constant 0 : i32
      %ne3A_586 = arith.cmpi ne, %rem3A_584, %ne3A_585 : i32
      %lt3A_587 = arith.constant 0 : i32
      %lt3A_588 = arith.cmpi slt, %rem3A_584, %lt3A_587 : i32
      %lt3A_589 = arith.constant 0 : i32
      %lt3A_590 = arith.cmpi slt, %select_n3A_583, %lt3A_589 : i32
      %ne3A_591 = arith.xori %lt3A_588, %lt3A_590 : i1
      %and3A_592 = arith.andi %ne3A_591, %ne3A_586 : i1
      %add3A_593 = arith.addi %rem3A_584, %select_n3A_583 : i32
      %select_n3A_594 = arith.select %and3A_592, %add3A_593, %rem3A_584 : i32
      %jit3A_595 = arith.constant 2 : i32
      %div3A_596 = arith.divsi %select_n3A_594, %jit3A_595 : i32
      %sign3A_597 = arith.constant 0 : i32
      %sign3A_598 = arith.cmpi sgt, %select_n3A_594, %sign3A_597 : i32
      %sign3A_599 = arith.extui %sign3A_598 : i1 to i32
      %sign3A_600 = arith.constant 0 : i32
      %sign3A_601 = arith.cmpi slt, %select_n3A_594, %sign3A_600 : i32
      %sign3A_602 = arith.extui %sign3A_601 : i1 to i32
      %sign3A_603 = arith.subi %sign3A_599, %sign3A_602 : i32
      %sign3A_604 = arith.constant 0 : i32
      %sign3A_605 = arith.cmpi sgt, %jit3A_595, %sign3A_604 : i32
      %sign3A_606 = arith.extui %sign3A_605 : i1 to i32
      %sign3A_607 = arith.constant 0 : i32
      %sign3A_608 = arith.cmpi slt, %jit3A_595, %sign3A_607 : i32
      %sign3A_609 = arith.extui %sign3A_608 : i1 to i32
      %sign3A_610 = arith.subi %sign3A_606, %sign3A_609 : i32
      %ne3A_611 = arith.cmpi ne, %sign3A_603, %sign3A_610 : i32
      %rem3A_612 = arith.remsi %select_n3A_594, %jit3A_595 : i32
      %ne3A_613 = arith.constant 0 : i32
      %ne3A_614 = arith.cmpi ne, %rem3A_612, %ne3A_613 : i32
      %and3A_615 = arith.andi %ne3A_611, %ne3A_614 : i1
      %sub3A_616 = arith.constant 1 : i32
      %sub3A_617 = arith.subi %div3A_596, %sub3A_616 : i32
      %select_n3A_618 = arith.select %and3A_615, %sub3A_617, %div3A_596 : i32
      %jit3A_619 = arith.constant 2 : i32
      %eq3A_620 = arith.constant 0 : i32
      %eq3A_621 = arith.cmpi eq, %jit3A_619, %eq3A_620 : i32
      %jit3A_622 = arith.constant 1 : i32
      %select_n3A_623 = arith.select %eq3A_621, %jit3A_622, %jit3A_619 : i32
      %rem3A_624 = arith.remsi %select_n3A_594, %select_n3A_623 : i32
      %ne3A_625 = arith.constant 0 : i32
      %ne3A_626 = arith.cmpi ne, %rem3A_624, %ne3A_625 : i32
      %lt3A_627 = arith.constant 0 : i32
      %lt3A_628 = arith.cmpi slt, %rem3A_624, %lt3A_627 : i32
      %lt3A_629 = arith.constant 0 : i32
      %lt3A_630 = arith.cmpi slt, %select_n3A_623, %lt3A_629 : i32
      %ne3A_631 = arith.xori %lt3A_628, %lt3A_630 : i1
      %and3A_632 = arith.andi %ne3A_631, %ne3A_626 : i1
      %add3A_633 = arith.addi %rem3A_624, %select_n3A_623 : i32
      %select_n3A_634 = arith.select %and3A_632, %add3A_633, %rem3A_624 : i32
      %mul3A_635 = arith.constant 64 : i32
      %mul3A_636 = arith.muli %select_n3A_634, %mul3A_635 : i32
      %dma_wait3A_637 = tpu.memref_slice %arg5[%select_n3A_618, %mul3A_636] : memref<32x128xi32, #tpu.memory_space<vmem>> -> memref<1x64xi32, #tpu.memory_space<vmem>>
      %dma_wait3A_638 = tpu.memref_squeeze %dma_wait3A_637 : memref<1x64xi32, #tpu.memory_space<vmem>> -> memref<64xi32, #tpu.memory_space<vmem>>
      %dma_wait3A_639 = arith.constant 0 : i32
      %dma_wait3A_640 = arith.constant 0 : i32
      %dma_wait3A_641 = tpu.memref_slice %arg9[%dma_wait3A_639, %dma_wait3A_640] : memref<12288x128xf32, #tpu.memory_space<vmem_shared>> -> memref<12288x128xf32, #tpu.memory_space<vmem_shared>>
      tpu.wait_indirect_dma semaphore(%arg11 : memref<!tpu.dma_semaphore, #tpu.memory_space<semaphore_mem>>) src(%dma_wait3A_641 : memref<12288x128xf32, #tpu.memory_space<vmem_shared>>) dst(%arg8 : memref<64x128xf32, #tpu.memory_space<vmem>>)
      %add3A_642 = arith.constant 1 : i32
      %add3A_643 = arith.addi %add3A_470, %add3A_642 : i32
      %jit3A_644 = arith.constant 16 : i32
      %div3A_645 = arith.divsi %add3A_643, %jit3A_644 : i32
      %sign3A_646 = arith.constant 0 : i32
      %sign3A_647 = arith.cmpi sgt, %add3A_643, %sign3A_646 : i32
      %sign3A_648 = arith.extui %sign3A_647 : i1 to i32
      %sign3A_649 = arith.constant 0 : i32
      %sign3A_650 = arith.cmpi slt, %add3A_643, %sign3A_649 : i32
      %sign3A_651 = arith.extui %sign3A_650 : i1 to i32
      %sign3A_652 = arith.subi %sign3A_648, %sign3A_651 : i32
      %sign3A_653 = arith.constant 0 : i32
      %sign3A_654 = arith.cmpi sgt, %jit3A_644, %sign3A_653 : i32
      %sign3A_655 = arith.extui %sign3A_654 : i1 to i32
      %sign3A_656 = arith.constant 0 : i32
      %sign3A_657 = arith.cmpi slt, %jit3A_644, %sign3A_656 : i32
      %sign3A_658 = arith.extui %sign3A_657 : i1 to i32
      %sign3A_659 = arith.subi %sign3A_655, %sign3A_658 : i32
      %ne3A_660 = arith.cmpi ne, %sign3A_652, %sign3A_659 : i32
      %rem3A_661 = arith.remsi %add3A_643, %jit3A_644 : i32
      %ne3A_662 = arith.constant 0 : i32
      %ne3A_663 = arith.cmpi ne, %rem3A_661, %ne3A_662 : i32
      %and3A_664 = arith.andi %ne3A_660, %ne3A_663 : i1
      %sub3A_665 = arith.constant 1 : i32
      %sub3A_666 = arith.subi %div3A_645, %sub3A_665 : i32
      %select_n3A_667 = arith.select %and3A_664, %sub3A_666, %div3A_645 : i32
      %mul3A_668 = arith.constant 32768 : i32
      %mul3A_669 = arith.muli %select_n3A_667, %mul3A_668 : i32
      %mul3A_670 = arith.constant 1024 : i32
      %mul3A_671 = arith.muli %add3A, %mul3A_670 : i32
      %add3A_672 = arith.addi %mul3A_669, %mul3A_671 : i32
      %jit3A_673 = arith.constant 16 : i32
      %eq3A_674 = arith.constant 0 : i32
      %eq3A_675 = arith.cmpi eq, %jit3A_673, %eq3A_674 : i32
      %jit3A_676 = arith.constant 1 : i32
      %select_n3A_677 = arith.select %eq3A_675, %jit3A_676, %jit3A_673 : i32
      %rem3A_678 = arith.remsi %add3A_643, %select_n3A_677 : i32
      %ne3A_679 = arith.constant 0 : i32
      %ne3A_680 = arith.cmpi ne, %rem3A_678, %ne3A_679 : i32
      %lt3A_681 = arith.constant 0 : i32
      %lt3A_682 = arith.cmpi slt, %rem3A_678, %lt3A_681 : i32
      %lt3A_683 = arith.constant 0 : i32
      %lt3A_684 = arith.cmpi slt, %select_n3A_677, %lt3A_683 : i32
      %ne3A_685 = arith.xori %lt3A_682, %lt3A_684 : i1
      %and3A_686 = arith.andi %ne3A_685, %ne3A_680 : i1
      %add3A_687 = arith.addi %rem3A_678, %select_n3A_677 : i32
      %select_n3A_688 = arith.select %and3A_686, %add3A_687, %rem3A_678 : i32
      %mul3A_689 = arith.constant 64 : i32
      %mul3A_690 = arith.muli %select_n3A_688, %mul3A_689 : i32
      %add3A_691 = arith.addi %add3A_672, %mul3A_690 : i32
      %multiple_of3A_692 = tpu.assume_multiple %add3A_691, 64 : i32
      %dma_start3A_693 = arith.constant 0 : i32
      %dma_start3A_694 = tpu.memref_slice %arg4[%multiple_of3A_692, %dma_start3A_693] : memref<655360x128xf32, #tpu.memory_space<hbm>> -> memref<64x128xf32, #tpu.memory_space<hbm>>
      %dma_start3A_695 = arith.constant 0 : i32
      %dma_start3A_696 = tpu.memref_slice %arg4[%multiple_of3A_692, %dma_start3A_695] : memref<655360x128xf32, #tpu.memory_space<hbm>> -> memref<64x128xf32, #tpu.memory_space<hbm>>
      tpu.enqueue_dma source(%arg8 : memref<64x128xf32, #tpu.memory_space<vmem>>) target(%dma_start3A_696 : memref<64x128xf32, #tpu.memory_space<hbm>>) target_semaphore(%arg13 : memref<!tpu.dma_semaphore, #tpu.memory_space<semaphore_mem>>)
      %jit3A_697 = arith.constant 16 : i32
      %div3A_698 = arith.divsi %add3A_470, %jit3A_697 : i32
      %sign3A_699 = arith.constant 0 : i32
      %sign3A_700 = arith.cmpi sgt, %add3A_470, %sign3A_699 : i32
      %sign3A_701 = arith.extui %sign3A_700 : i1 to i32
      %sign3A_702 = arith.constant 0 : i32
      %sign3A_703 = arith.cmpi slt, %add3A_470, %sign3A_702 : i32
      %sign3A_704 = arith.extui %sign3A_703 : i1 to i32
      %sign3A_705 = arith.subi %sign3A_701, %sign3A_704 : i32
      %sign3A_706 = arith.constant 0 : i32
      %sign3A_707 = arith.cmpi sgt, %jit3A_697, %sign3A_706 : i32
      %sign3A_708 = arith.extui %sign3A_707 : i1 to i32
      %sign3A_709 = arith.constant 0 : i32
      %sign3A_710 = arith.cmpi slt, %jit3A_697, %sign3A_709 : i32
      %sign3A_711 = arith.extui %sign3A_710 : i1 to i32
      %sign3A_712 = arith.subi %sign3A_708, %sign3A_711 : i32
      %ne3A_713 = arith.cmpi ne, %sign3A_705, %sign3A_712 : i32
      %rem3A_714 = arith.remsi %add3A_470, %jit3A_697 : i32
      %ne3A_715 = arith.constant 0 : i32
      %ne3A_716 = arith.cmpi ne, %rem3A_714, %ne3A_715 : i32
      %and3A_717 = arith.andi %ne3A_713, %ne3A_716 : i1
      %sub3A_718 = arith.constant 1 : i32
      %sub3A_719 = arith.subi %div3A_698, %sub3A_718 : i32
      %select_n3A_720 = arith.select %and3A_717, %sub3A_719, %div3A_698 : i32
      %mul3A_721 = arith.constant 32768 : i32
      %mul3A_722 = arith.muli %select_n3A_720, %mul3A_721 : i32
      %mul3A_723 = arith.constant 1024 : i32
      %mul3A_724 = arith.muli %add3A, %mul3A_723 : i32
      %add3A_725 = arith.addi %mul3A_722, %mul3A_724 : i32
      %jit3A_726 = arith.constant 16 : i32
      %eq3A_727 = arith.constant 0 : i32
      %eq3A_728 = arith.cmpi eq, %jit3A_726, %eq3A_727 : i32
      %jit3A_729 = arith.constant 1 : i32
      %select_n3A_730 = arith.select %eq3A_728, %jit3A_729, %jit3A_726 : i32
      %rem3A_731 = arith.remsi %add3A_470, %select_n3A_730 : i32
      %ne3A_732 = arith.constant 0 : i32
      %ne3A_733 = arith.cmpi ne, %rem3A_731, %ne3A_732 : i32
      %lt3A_734 = arith.constant 0 : i32
      %lt3A_735 = arith.cmpi slt, %rem3A_731, %lt3A_734 : i32
      %lt3A_736 = arith.constant 0 : i32
      %lt3A_737 = arith.cmpi slt, %select_n3A_730, %lt3A_736 : i32
      %ne3A_738 = arith.xori %lt3A_735, %lt3A_737 : i1
      %and3A_739 = arith.andi %ne3A_738, %ne3A_733 : i1
      %add3A_740 = arith.addi %rem3A_731, %select_n3A_730 : i32
      %select_n3A_741 = arith.select %and3A_739, %add3A_740, %rem3A_731 : i32
      %mul3A_742 = arith.constant 64 : i32
      %mul3A_743 = arith.muli %select_n3A_741, %mul3A_742 : i32
      %add3A_744 = arith.addi %add3A_725, %mul3A_743 : i32
      %multiple_of3A_745 = tpu.assume_multiple %add3A_744, 64 : i32
      %dma_wait3A_746 = arith.constant 0 : i32
      %dma_wait3A_747 = tpu.memref_slice %arg4[%multiple_of3A_745, %dma_wait3A_746] : memref<655360x128xf32, #tpu.memory_space<hbm>> -> memref<64x128xf32, #tpu.memory_space<hbm>>
      %dma_wait3A_748 = arith.constant 0 : i32
      %dma_wait3A_749 = tpu.memref_slice %arg4[%multiple_of3A_745, %dma_wait3A_748] : memref<655360x128xf32, #tpu.memory_space<hbm>> -> memref<64x128xf32, #tpu.memory_space<hbm>>
      tpu.wait_dma2 semaphore(%arg12 : memref<!tpu.dma_semaphore, #tpu.memory_space<semaphore_mem>>) src(%arg7 : memref<64x128xf32, #tpu.memory_space<vmem>>) dst(%dma_wait3A_749 : memref<64x128xf32, #tpu.memory_space<hbm>>)
      %add3A_750 = arith.constant 2 : i32
      %add3A_751 = arith.addi %add3A_470, %add3A_750 : i32
      %jit3A_752 = arith.constant 64 : i32
      %eq3A_753 = arith.constant 0 : i32
      %eq3A_754 = arith.cmpi eq, %jit3A_752, %eq3A_753 : i32
      %jit3A_755 = arith.constant 1 : i32
      %select_n3A_756 = arith.select %eq3A_754, %jit3A_755, %jit3A_752 : i32
      %rem3A_757 = arith.remsi %add3A_751, %select_n3A_756 : i32
      %ne3A_758 = arith.constant 0 : i32
      %ne3A_759 = arith.cmpi ne, %rem3A_757, %ne3A_758 : i32
      %lt3A_760 = arith.constant 0 : i32
      %lt3A_761 = arith.cmpi slt, %rem3A_757, %lt3A_760 : i32
      %lt3A_762 = arith.constant 0 : i32
      %lt3A_763 = arith.cmpi slt, %select_n3A_756, %lt3A_762 : i32
      %ne3A_764 = arith.xori %lt3A_761, %lt3A_763 : i1
      %and3A_765 = arith.andi %ne3A_764, %ne3A_759 : i1
      %add3A_766 = arith.addi %rem3A_757, %select_n3A_756 : i32
      %select_n3A_767 = arith.select %and3A_765, %add3A_766, %rem3A_757 : i32
      %jit3A_768 = arith.constant 2 : i32
      %div3A_769 = arith.divsi %select_n3A_767, %jit3A_768 : i32
      %sign3A_770 = arith.constant 0 : i32
      %sign3A_771 = arith.cmpi sgt, %select_n3A_767, %sign3A_770 : i32
      %sign3A_772 = arith.extui %sign3A_771 : i1 to i32
      %sign3A_773 = arith.constant 0 : i32
      %sign3A_774 = arith.cmpi slt, %select_n3A_767, %sign3A_773 : i32
      %sign3A_775 = arith.extui %sign3A_774 : i1 to i32
      %sign3A_776 = arith.subi %sign3A_772, %sign3A_775 : i32
      %sign3A_777 = arith.constant 0 : i32
      %sign3A_778 = arith.cmpi sgt, %jit3A_768, %sign3A_777 : i32
      %sign3A_779 = arith.extui %sign3A_778 : i1 to i32
      %sign3A_780 = arith.constant 0 : i32
      %sign3A_781 = arith.cmpi slt, %jit3A_768, %sign3A_780 : i32
      %sign3A_782 = arith.extui %sign3A_781 : i1 to i32
      %sign3A_783 = arith.subi %sign3A_779, %sign3A_782 : i32
      %ne3A_784 = arith.cmpi ne, %sign3A_776, %sign3A_783 : i32
      %rem3A_785 = arith.remsi %select_n3A_767, %jit3A_768 : i32
      %ne3A_786 = arith.constant 0 : i32
      %ne3A_787 = arith.cmpi ne, %rem3A_785, %ne3A_786 : i32
      %and3A_788 = arith.andi %ne3A_784, %ne3A_787 : i1
      %sub3A_789 = arith.constant 1 : i32
      %sub3A_790 = arith.subi %div3A_769, %sub3A_789 : i32
      %select_n3A_791 = arith.select %and3A_788, %sub3A_790, %div3A_769 : i32
      %jit3A_792 = arith.constant 2 : i32
      %eq3A_793 = arith.constant 0 : i32
      %eq3A_794 = arith.cmpi eq, %jit3A_792, %eq3A_793 : i32
      %jit3A_795 = arith.constant 1 : i32
      %select_n3A_796 = arith.select %eq3A_794, %jit3A_795, %jit3A_792 : i32
      %rem3A_797 = arith.remsi %select_n3A_767, %select_n3A_796 : i32
      %ne3A_798 = arith.constant 0 : i32
      %ne3A_799 = arith.cmpi ne, %rem3A_797, %ne3A_798 : i32
      %lt3A_800 = arith.constant 0 : i32
      %lt3A_801 = arith.cmpi slt, %rem3A_797, %lt3A_800 : i32
      %lt3A_802 = arith.constant 0 : i32
      %lt3A_803 = arith.cmpi slt, %select_n3A_796, %lt3A_802 : i32
      %ne3A_804 = arith.xori %lt3A_801, %lt3A_803 : i1
      %and3A_805 = arith.andi %ne3A_804, %ne3A_799 : i1
      %add3A_806 = arith.addi %rem3A_797, %select_n3A_796 : i32
      %select_n3A_807 = arith.select %and3A_805, %add3A_806, %rem3A_797 : i32
      %mul3A_808 = arith.constant 64 : i32
      %mul3A_809 = arith.muli %select_n3A_807, %mul3A_808 : i32
      %dma_start3A_810 = tpu.memref_slice %arg5[%select_n3A_791, %mul3A_809] : memref<32x128xi32, #tpu.memory_space<vmem>> -> memref<1x64xi32, #tpu.memory_space<vmem>>
      %dma_start3A_811 = tpu.memref_squeeze %dma_start3A_810 : memref<1x64xi32, #tpu.memory_space<vmem>> -> memref<64xi32, #tpu.memory_space<vmem>>
      %dma_start3A_812 = arith.constant 0 : i32
      %dma_start3A_813 = arith.constant 0 : i32
      %dma_start3A_814 = tpu.memref_slice %arg9[%dma_start3A_812, %dma_start3A_813] : memref<12288x128xf32, #tpu.memory_space<vmem_shared>> -> memref<12288x128xf32, #tpu.memory_space<vmem_shared>>
      tpu.enqueue_indirect_dma source(%dma_start3A_814 : memref<12288x128xf32, #tpu.memory_space<vmem_shared>>) target(%arg7 : memref<64x128xf32, #tpu.memory_space<vmem>>) offsets(%dma_start3A_811 : memref<64xi32, #tpu.memory_space<vmem>>) semaphore(%arg10 : memref<!tpu.dma_semaphore, #tpu.memory_space<semaphore_mem>>)
      %add3A_815 = arith.constant 1 : i32
      %add3A_816 = arith.addi %add3A_470, %add3A_815 : i32
      %jit3A_817 = arith.constant 16 : i32
      %div3A_818 = arith.divsi %add3A_816, %jit3A_817 : i32
      %sign3A_819 = arith.constant 0 : i32
      %sign3A_820 = arith.cmpi sgt, %add3A_816, %sign3A_819 : i32
      %sign3A_821 = arith.extui %sign3A_820 : i1 to i32
      %sign3A_822 = arith.constant 0 : i32
      %sign3A_823 = arith.cmpi slt, %add3A_816, %sign3A_822 : i32
      %sign3A_824 = arith.extui %sign3A_823 : i1 to i32
      %sign3A_825 = arith.subi %sign3A_821, %sign3A_824 : i32
      %sign3A_826 = arith.constant 0 : i32
      %sign3A_827 = arith.cmpi sgt, %jit3A_817, %sign3A_826 : i32
      %sign3A_828 = arith.extui %sign3A_827 : i1 to i32
      %sign3A_829 = arith.constant 0 : i32
      %sign3A_830 = arith.cmpi slt, %jit3A_817, %sign3A_829 : i32
      %sign3A_831 = arith.extui %sign3A_830 : i1 to i32
      %sign3A_832 = arith.subi %sign3A_828, %sign3A_831 : i32
      %ne3A_833 = arith.cmpi ne, %sign3A_825, %sign3A_832 : i32
      %rem3A_834 = arith.remsi %add3A_816, %jit3A_817 : i32
      %ne3A_835 = arith.constant 0 : i32
      %ne3A_836 = arith.cmpi ne, %rem3A_834, %ne3A_835 : i32
      %and3A_837 = arith.andi %ne3A_833, %ne3A_836 : i1
      %sub3A_838 = arith.constant 1 : i32
      %sub3A_839 = arith.subi %div3A_818, %sub3A_838 : i32
      %select_n3A_840 = arith.select %and3A_837, %sub3A_839, %div3A_818 : i32
      %mul3A_841 = arith.constant 32768 : i32
      %mul3A_842 = arith.muli %select_n3A_840, %mul3A_841 : i32
      %mul3A_843 = arith.constant 1024 : i32
      %mul3A_844 = arith.muli %add3A, %mul3A_843 : i32
      %add3A_845 = arith.addi %mul3A_842, %mul3A_844 : i32
      %jit3A_846 = arith.constant 16 : i32
      %eq3A_847 = arith.constant 0 : i32
      %eq3A_848 = arith.cmpi eq, %jit3A_846, %eq3A_847 : i32
      %jit3A_849 = arith.constant 1 : i32
      %select_n3A_850 = arith.select %eq3A_848, %jit3A_849, %jit3A_846 : i32
      %rem3A_851 = arith.remsi %add3A_816, %select_n3A_850 : i32
      %ne3A_852 = arith.constant 0 : i32
      %ne3A_853 = arith.cmpi ne, %rem3A_851, %ne3A_852 : i32
      %lt3A_854 = arith.constant 0 : i32
      %lt3A_855 = arith.cmpi slt, %rem3A_851, %lt3A_854 : i32
      %lt3A_856 = arith.constant 0 : i32
      %lt3A_857 = arith.cmpi slt, %select_n3A_850, %lt3A_856 : i32
      %ne3A_858 = arith.xori %lt3A_855, %lt3A_857 : i1
      %and3A_859 = arith.andi %ne3A_858, %ne3A_853 : i1
      %add3A_860 = arith.addi %rem3A_851, %select_n3A_850 : i32
      %select_n3A_861 = arith.select %and3A_859, %add3A_860, %rem3A_851 : i32
      %mul3A_862 = arith.constant 64 : i32
      %mul3A_863 = arith.muli %select_n3A_861, %mul3A_862 : i32
      %add3A_864 = arith.addi %add3A_845, %mul3A_863 : i32
      %multiple_of3A_865 = tpu.assume_multiple %add3A_864, 64 : i32
      %dma_wait3A_866 = arith.constant 0 : i32
      %dma_wait3A_867 = tpu.memref_slice %arg4[%multiple_of3A_865, %dma_wait3A_866] : memref<655360x128xf32, #tpu.memory_space<hbm>> -> memref<64x128xf32, #tpu.memory_space<hbm>>
      %dma_wait3A_868 = arith.constant 0 : i32
      %dma_wait3A_869 = tpu.memref_slice %arg4[%multiple_of3A_865, %dma_wait3A_868] : memref<655360x128xf32, #tpu.memory_space<hbm>> -> memref<64x128xf32, #tpu.memory_space<hbm>>
      tpu.wait_dma2 semaphore(%arg13 : memref<!tpu.dma_semaphore, #tpu.memory_space<semaphore_mem>>) src(%arg8 : memref<64x128xf32, #tpu.memory_space<vmem>>) dst(%dma_wait3A_869 : memref<64x128xf32, #tpu.memory_space<hbm>>)
      %add3A_870 = arith.constant 3 : i32
      %add3A_871 = arith.addi %add3A_470, %add3A_870 : i32
      %jit3A_872 = arith.constant 64 : i32
      %eq3A_873 = arith.constant 0 : i32
      %eq3A_874 = arith.cmpi eq, %jit3A_872, %eq3A_873 : i32
      %jit3A_875 = arith.constant 1 : i32
      %select_n3A_876 = arith.select %eq3A_874, %jit3A_875, %jit3A_872 : i32
      %rem3A_877 = arith.remsi %add3A_871, %select_n3A_876 : i32
      %ne3A_878 = arith.constant 0 : i32
      %ne3A_879 = arith.cmpi ne, %rem3A_877, %ne3A_878 : i32
      %lt3A_880 = arith.constant 0 : i32
      %lt3A_881 = arith.cmpi slt, %rem3A_877, %lt3A_880 : i32
      %lt3A_882 = arith.constant 0 : i32
      %lt3A_883 = arith.cmpi slt, %select_n3A_876, %lt3A_882 : i32
      %ne3A_884 = arith.xori %lt3A_881, %lt3A_883 : i1
      %and3A_885 = arith.andi %ne3A_884, %ne3A_879 : i1
      %add3A_886 = arith.addi %rem3A_877, %select_n3A_876 : i32
      %select_n3A_887 = arith.select %and3A_885, %add3A_886, %rem3A_877 : i32
      %jit3A_888 = arith.constant 2 : i32
      %div3A_889 = arith.divsi %select_n3A_887, %jit3A_888 : i32
      %sign3A_890 = arith.constant 0 : i32
      %sign3A_891 = arith.cmpi sgt, %select_n3A_887, %sign3A_890 : i32
      %sign3A_892 = arith.extui %sign3A_891 : i1 to i32
      %sign3A_893 = arith.constant 0 : i32
      %sign3A_894 = arith.cmpi slt, %select_n3A_887, %sign3A_893 : i32
      %sign3A_895 = arith.extui %sign3A_894 : i1 to i32
      %sign3A_896 = arith.subi %sign3A_892, %sign3A_895 : i32
      %sign3A_897 = arith.constant 0 : i32
      %sign3A_898 = arith.cmpi sgt, %jit3A_888, %sign3A_897 : i32
      %sign3A_899 = arith.extui %sign3A_898 : i1 to i32
      %sign3A_900 = arith.constant 0 : i32
      %sign3A_901 = arith.cmpi slt, %jit3A_888, %sign3A_900 : i32
      %sign3A_902 = arith.extui %sign3A_901 : i1 to i32
      %sign3A_903 = arith.subi %sign3A_899, %sign3A_902 : i32
      %ne3A_904 = arith.cmpi ne, %sign3A_896, %sign3A_903 : i32
      %rem3A_905 = arith.remsi %select_n3A_887, %jit3A_888 : i32
      %ne3A_906 = arith.constant 0 : i32
      %ne3A_907 = arith.cmpi ne, %rem3A_905, %ne3A_906 : i32
      %and3A_908 = arith.andi %ne3A_904, %ne3A_907 : i1
      %sub3A_909 = arith.constant 1 : i32
      %sub3A_910 = arith.subi %div3A_889, %sub3A_909 : i32
      %select_n3A_911 = arith.select %and3A_908, %sub3A_910, %div3A_889 : i32
      %jit3A_912 = arith.constant 2 : i32
      %eq3A_913 = arith.constant 0 : i32
      %eq3A_914 = arith.cmpi eq, %jit3A_912, %eq3A_913 : i32
      %jit3A_915 = arith.constant 1 : i32
      %select_n3A_916 = arith.select %eq3A_914, %jit3A_915, %jit3A_912 : i32
      %rem3A_917 = arith.remsi %select_n3A_887, %select_n3A_916 : i32
      %ne3A_918 = arith.constant 0 : i32
      %ne3A_919 = arith.cmpi ne, %rem3A_917, %ne3A_918 : i32
      %lt3A_920 = arith.constant 0 : i32
      %lt3A_921 = arith.cmpi slt, %rem3A_917, %lt3A_920 : i32
      %lt3A_922 = arith.constant 0 : i32
      %lt3A_923 = arith.cmpi slt, %select_n3A_916, %lt3A_922 : i32
      %ne3A_924 = arith.xori %lt3A_921, %lt3A_923 : i1
      %and3A_925 = arith.andi %ne3A_924, %ne3A_919 : i1
      %add3A_926 = arith.addi %rem3A_917, %select_n3A_916 : i32
      %select_n3A_927 = arith.select %and3A_925, %add3A_926, %rem3A_917 : i32
      %mul3A_928 = arith.constant 64 : i32
      %mul3A_929 = arith.muli %select_n3A_927, %mul3A_928 : i32
      %dma_start3A_930 = tpu.memref_slice %arg5[%select_n3A_911, %mul3A_929] : memref<32x128xi32, #tpu.memory_space<vmem>> -> memref<1x64xi32, #tpu.memory_space<vmem>>
      %dma_start3A_931 = tpu.memref_squeeze %dma_start3A_930 : memref<1x64xi32, #tpu.memory_space<vmem>> -> memref<64xi32, #tpu.memory_space<vmem>>
      %dma_start3A_932 = arith.constant 0 : i32
      %dma_start3A_933 = arith.constant 0 : i32
      %dma_start3A_934 = tpu.memref_slice %arg9[%dma_start3A_932, %dma_start3A_933] : memref<12288x128xf32, #tpu.memory_space<vmem_shared>> -> memref<12288x128xf32, #tpu.memory_space<vmem_shared>>
      tpu.enqueue_indirect_dma source(%dma_start3A_934 : memref<12288x128xf32, #tpu.memory_space<vmem_shared>>) target(%arg8 : memref<64x128xf32, #tpu.memory_space<vmem>>) offsets(%dma_start3A_931 : memref<64xi32, #tpu.memory_space<vmem>>) semaphore(%arg11 : memref<!tpu.dma_semaphore, #tpu.memory_space<semaphore_mem>>)
    }
    %scan3A_41 = arith.constant 31 : i32
    %dma_wait3A = arith.constant 31 : i32
    %dma_wait3A_42 = arith.constant 0 : i32
    %dma_wait3A_43 = tpu.memref_slice %arg5[%dma_wait3A, %dma_wait3A_42] : memref<32x128xi32, #tpu.memory_space<vmem>> -> memref<1x64xi32, #tpu.memory_space<vmem>>
    %dma_wait3A_44 = tpu.memref_squeeze %dma_wait3A_43 : memref<1x64xi32, #tpu.memory_space<vmem>> -> memref<64xi32, #tpu.memory_space<vmem>>
    %dma_wait3A_45 = arith.constant 0 : i32
    %dma_wait3A_46 = arith.constant 0 : i32
    %dma_wait3A_47 = tpu.memref_slice %arg9[%dma_wait3A_45, %dma_wait3A_46] : memref<12288x128xf32, #tpu.memory_space<vmem_shared>> -> memref<12288x128xf32, #tpu.memory_space<vmem_shared>>
    tpu.wait_indirect_dma semaphore(%arg10 : memref<!tpu.dma_semaphore, #tpu.memory_space<semaphore_mem>>) src(%dma_wait3A_47 : memref<12288x128xf32, #tpu.memory_space<vmem_shared>>) dst(%arg7 : memref<64x128xf32, #tpu.memory_space<vmem>>)
    %mul3A_48 = arith.constant 1024 : i32
    %mul3A_49 = arith.muli %add3A, %mul3A_48 : i32
    %add3A_50 = arith.constant 98304 : i32
    %add3A_51 = arith.addi %add3A_50, %mul3A_49 : i32
    %add3A_52 = arith.constant 896 : i32
    %add3A_53 = arith.addi %add3A_51, %add3A_52 : i32
    %multiple_of3A = tpu.assume_multiple %add3A_53, 64 : i32
    %dma_start3A_54 = arith.constant 0 : i32
    %dma_start3A_55 = tpu.memref_slice %arg4[%multiple_of3A, %dma_start3A_54] : memref<655360x128xf32, #tpu.memory_space<hbm>> -> memref<64x128xf32, #tpu.memory_space<hbm>>
    %dma_start3A_56 = arith.constant 0 : i32
    %dma_start3A_57 = tpu.memref_slice %arg4[%multiple_of3A, %dma_start3A_56] : memref<655360x128xf32, #tpu.memory_space<hbm>> -> memref<64x128xf32, #tpu.memory_space<hbm>>
    tpu.enqueue_dma source(%arg7 : memref<64x128xf32, #tpu.memory_space<vmem>>) target(%dma_start3A_57 : memref<64x128xf32, #tpu.memory_space<hbm>>) target_semaphore(%arg12 : memref<!tpu.dma_semaphore, #tpu.memory_space<semaphore_mem>>)
    %dma_wait3A_58 = arith.constant 31 : i32
    %dma_wait3A_59 = arith.constant 64 : i32
    %dma_wait3A_60 = tpu.memref_slice %arg5[%dma_wait3A_58, %dma_wait3A_59] : memref<32x128xi32, #tpu.memory_space<vmem>> -> memref<1x64xi32, #tpu.memory_space<vmem>>
    %dma_wait3A_61 = tpu.memref_squeeze %dma_wait3A_60 : memref<1x64xi32, #tpu.memory_space<vmem>> -> memref<64xi32, #tpu.memory_space<vmem>>
    %dma_wait3A_62 = arith.constant 0 : i32
    %dma_wait3A_63 = arith.constant 0 : i32
    %dma_wait3A_64 = tpu.memref_slice %arg9[%dma_wait3A_62, %dma_wait3A_63] : memref<12288x128xf32, #tpu.memory_space<vmem_shared>> -> memref<12288x128xf32, #tpu.memory_space<vmem_shared>>
    tpu.wait_indirect_dma semaphore(%arg11 : memref<!tpu.dma_semaphore, #tpu.memory_space<semaphore_mem>>) src(%dma_wait3A_64 : memref<12288x128xf32, #tpu.memory_space<vmem_shared>>) dst(%arg8 : memref<64x128xf32, #tpu.memory_space<vmem>>)
    %mul3A_65 = arith.constant 1024 : i32
    %mul3A_66 = arith.muli %add3A, %mul3A_65 : i32
    %add3A_67 = arith.constant 98304 : i32
    %add3A_68 = arith.addi %add3A_67, %mul3A_66 : i32
    %add3A_69 = arith.constant 960 : i32
    %add3A_70 = arith.addi %add3A_68, %add3A_69 : i32
    %multiple_of3A_71 = tpu.assume_multiple %add3A_70, 64 : i32
    %dma_start3A_72 = arith.constant 0 : i32
    %dma_start3A_73 = tpu.memref_slice %arg4[%multiple_of3A_71, %dma_start3A_72] : memref<655360x128xf32, #tpu.memory_space<hbm>> -> memref<64x128xf32, #tpu.memory_space<hbm>>
    %dma_start3A_74 = arith.constant 0 : i32
    %dma_start3A_75 = tpu.memref_slice %arg4[%multiple_of3A_71, %dma_start3A_74] : memref<655360x128xf32, #tpu.memory_space<hbm>> -> memref<64x128xf32, #tpu.memory_space<hbm>>
    tpu.enqueue_dma source(%arg8 : memref<64x128xf32, #tpu.memory_space<vmem>>) target(%dma_start3A_75 : memref<64x128xf32, #tpu.memory_space<hbm>>) target_semaphore(%arg13 : memref<!tpu.dma_semaphore, #tpu.memory_space<semaphore_mem>>)
    %mul3A_76 = arith.constant 1024 : i32
    %mul3A_77 = arith.muli %add3A, %mul3A_76 : i32
    %add3A_78 = arith.constant 98304 : i32
    %add3A_79 = arith.addi %add3A_78, %mul3A_77 : i32
    %add3A_80 = arith.constant 896 : i32
    %add3A_81 = arith.addi %add3A_79, %add3A_80 : i32
    %multiple_of3A_82 = tpu.assume_multiple %add3A_81, 64 : i32
    %dma_wait3A_83 = arith.constant 0 : i32
    %dma_wait3A_84 = tpu.memref_slice %arg4[%multiple_of3A_82, %dma_wait3A_83] : memref<655360x128xf32, #tpu.memory_space<hbm>> -> memref<64x128xf32, #tpu.memory_space<hbm>>
    %dma_wait3A_85 = arith.constant 0 : i32
    %dma_wait3A_86 = tpu.memref_slice %arg4[%multiple_of3A_82, %dma_wait3A_85] : memref<655360x128xf32, #tpu.memory_space<hbm>> -> memref<64x128xf32, #tpu.memory_space<hbm>>
    tpu.wait_dma2 semaphore(%arg12 : memref<!tpu.dma_semaphore, #tpu.memory_space<semaphore_mem>>) src(%arg7 : memref<64x128xf32, #tpu.memory_space<vmem>>) dst(%dma_wait3A_86 : memref<64x128xf32, #tpu.memory_space<hbm>>)
    %dma_wait3A_87 = arith.constant 32 : i32
    %dma_wait3A_88 = arith.constant 0 : i32
    %dma_wait3A_89 = tpu.memref_slice %arg3[%add3A, %dma_wait3A_87, %dma_wait3A_88] : memref<32x160x128xi32, #tpu.memory_space<hbm>> -> memref<1x32x128xi32, #tpu.memory_space<hbm>>
    %dma_wait3A_90 = tpu.memref_squeeze %dma_wait3A_89 : memref<1x32x128xi32, #tpu.memory_space<hbm>> -> memref<32x128xi32, #tpu.memory_space<hbm>>
    %dma_wait3A_91 = arith.constant 32 : i32
    %dma_wait3A_92 = arith.constant 0 : i32
    %dma_wait3A_93 = tpu.memref_slice %arg3[%add3A, %dma_wait3A_91, %dma_wait3A_92] : memref<32x160x128xi32, #tpu.memory_space<hbm>> -> memref<1x32x128xi32, #tpu.memory_space<hbm>>
    %dma_wait3A_94 = tpu.memref_squeeze %dma_wait3A_93 : memref<1x32x128xi32, #tpu.memory_space<hbm>> -> memref<32x128xi32, #tpu.memory_space<hbm>>
    tpu.wait_dma2 semaphore(%arg14 : memref<!tpu.dma_semaphore, #tpu.memory_space<semaphore_mem>>) src(%dma_wait3A_94 : memref<32x128xi32, #tpu.memory_space<hbm>>) dst(%arg6 : memref<32x128xi32, #tpu.memory_space<vmem>>)
    %dma_start3A_95 = arith.constant 0 : i32
    %dma_start3A_96 = arith.constant 0 : i32
    %dma_start3A_97 = tpu.memref_slice %arg6[%dma_start3A_95, %dma_start3A_96] : memref<32x128xi32, #tpu.memory_space<vmem>> -> memref<1x64xi32, #tpu.memory_space<vmem>>
    %dma_start3A_98 = tpu.memref_squeeze %dma_start3A_97 : memref<1x64xi32, #tpu.memory_space<vmem>> -> memref<64xi32, #tpu.memory_space<vmem>>
    %dma_start3A_99 = arith.constant 0 : i32
    %dma_start3A_100 = arith.constant 0 : i32
    %dma_start3A_101 = tpu.memref_slice %arg9[%dma_start3A_99, %dma_start3A_100] : memref<12288x128xf32, #tpu.memory_space<vmem_shared>> -> memref<12288x128xf32, #tpu.memory_space<vmem_shared>>
    tpu.enqueue_indirect_dma source(%dma_start3A_101 : memref<12288x128xf32, #tpu.memory_space<vmem_shared>>) target(%arg7 : memref<64x128xf32, #tpu.memory_space<vmem>>) offsets(%dma_start3A_98 : memref<64xi32, #tpu.memory_space<vmem>>) semaphore(%arg10 : memref<!tpu.dma_semaphore, #tpu.memory_space<semaphore_mem>>)
    %mul3A_102 = arith.constant 1024 : i32
    %mul3A_103 = arith.muli %add3A, %mul3A_102 : i32
    %add3A_104 = arith.constant 98304 : i32
    %add3A_105 = arith.addi %add3A_104, %mul3A_103 : i32
    %add3A_106 = arith.constant 960 : i32
    %add3A_107 = arith.addi %add3A_105, %add3A_106 : i32
    %multiple_of3A_108 = tpu.assume_multiple %add3A_107, 64 : i32
    %dma_wait3A_109 = arith.constant 0 : i32
    %dma_wait3A_110 = tpu.memref_slice %arg4[%multiple_of3A_108, %dma_wait3A_109] : memref<655360x128xf32, #tpu.memory_space<hbm>> -> memref<64x128xf32, #tpu.memory_space<hbm>>
    %dma_wait3A_111 = arith.constant 0 : i32
    %dma_wait3A_112 = tpu.memref_slice %arg4[%multiple_of3A_108, %dma_wait3A_111] : memref<655360x128xf32, #tpu.memory_space<hbm>> -> memref<64x128xf32, #tpu.memory_space<hbm>>
    tpu.wait_dma2 semaphore(%arg13 : memref<!tpu.dma_semaphore, #tpu.memory_space<semaphore_mem>>) src(%arg8 : memref<64x128xf32, #tpu.memory_space<vmem>>) dst(%dma_wait3A_112 : memref<64x128xf32, #tpu.memory_space<hbm>>)
    %dma_start3A_113 = arith.constant 0 : i32
    %dma_start3A_114 = arith.constant 64 : i32
    %dma_start3A_115 = tpu.memref_slice %arg6[%dma_start3A_113, %dma_start3A_114] : memref<32x128xi32, #tpu.memory_space<vmem>> -> memref<1x64xi32, #tpu.memory_space<vmem>>
    %dma_start3A_116 = tpu.memref_squeeze %dma_start3A_115 : memref<1x64xi32, #tpu.memory_space<vmem>> -> memref<64xi32, #tpu.memory_space<vmem>>
    %dma_start3A_117 = arith.constant 0 : i32
    %dma_start3A_118 = arith.constant 0 : i32
    %dma_start3A_119 = tpu.memref_slice %arg9[%dma_start3A_117, %dma_start3A_118] : memref<12288x128xf32, #tpu.memory_space<vmem_shared>> -> memref<12288x128xf32, #tpu.memory_space<vmem_shared>>
    tpu.enqueue_indirect_dma source(%dma_start3A_119 : memref<12288x128xf32, #tpu.memory_space<vmem_shared>>) target(%arg8 : memref<64x128xf32, #tpu.memory_space<vmem>>) offsets(%dma_start3A_116 : memref<64xi32, #tpu.memory_space<vmem>>) semaphore(%arg11 : memref<!tpu.dma_semaphore, #tpu.memory_space<semaphore_mem>>)
    %dma_start3A_120 = arith.constant 64 : i32
    %dma_start3A_121 = arith.constant 0 : i32
    %dma_start3A_122 = tpu.memref_slice %arg3[%add3A, %dma_start3A_120, %dma_start3A_121] : memref<32x160x128xi32, #tpu.memory_space<hbm>> -> memref<1x32x128xi32, #tpu.memory_space<hbm>>
    %dma_start3A_123 = tpu.memref_squeeze %dma_start3A_122 : memref<1x32x128xi32, #tpu.memory_space<hbm>> -> memref<32x128xi32, #tpu.memory_space<hbm>>
    %dma_start3A_124 = arith.constant 64 : i32
    %dma_start3A_125 = arith.constant 0 : i32
    %dma_start3A_126 = tpu.memref_slice %arg3[%add3A, %dma_start3A_124, %dma_start3A_125] : memref<32x160x128xi32, #tpu.memory_space<hbm>> -> memref<1x32x128xi32, #tpu.memory_space<hbm>>
    %dma_start3A_127 = tpu.memref_squeeze %dma_start3A_126 : memref<1x32x128xi32, #tpu.memory_space<hbm>> -> memref<32x128xi32, #tpu.memory_space<hbm>>
    tpu.enqueue_dma source(%dma_start3A_127 : memref<32x128xi32, #tpu.memory_space<hbm>>) target(%arg5 : memref<32x128xi32, #tpu.memory_space<vmem>>) target_semaphore(%arg14 : memref<!tpu.dma_semaphore, #tpu.memory_space<semaphore_mem>>)
    %scan3A_128 = arith.constant 0 : i32
    %scan3A_129 = arith.constant 0 : i32
    %scan3A_130 = arith.constant 31 : i32
    %scan3A_131 = arith.addi %scan3A_129, %scan3A_130 : i32
    %scan3A_132 = arith.constant 1 : i32
    scf.for %scan3A_466 = %scan3A_129 to %scan3A_131 step %scan3A_132  : i32 {
      %mul3A_467 = arith.constant 2 : i32
      %mul3A_468 = arith.muli %mul3A_467, %scan3A_466 : i32
      %add3A_469 = arith.constant 64 : i32
      %add3A_470 = arith.addi %add3A_469, %mul3A_468 : i32
      %jit3A = arith.constant 64 : i32
      %eq3A = arith.constant 0 : i32
      %eq3A_471 = arith.cmpi eq, %jit3A, %eq3A : i32
      %jit3A_472 = arith.constant 1 : i32
      %select_n3A = arith.select %eq3A_471, %jit3A_472, %jit3A : i32
      %rem3A = arith.remsi %add3A_470, %select_n3A : i32
      %ne3A = arith.constant 0 : i32
      %ne3A_473 = arith.cmpi ne, %rem3A, %ne3A : i32
      %lt3A = arith.constant 0 : i32
      %lt3A_474 = arith.cmpi slt, %rem3A, %lt3A : i32
      %lt3A_475 = arith.constant 0 : i32
      %lt3A_476 = arith.cmpi slt, %select_n3A, %lt3A_475 : i32
      %ne3A_477 = arith.xori %lt3A_474, %lt3A_476 : i1
      %and3A = arith.andi %ne3A_477, %ne3A_473 : i1
      %add3A_478 = arith.addi %rem3A, %select_n3A : i32
      %select_n3A_479 = arith.select %and3A, %add3A_478, %rem3A : i32
      %jit3A_480 = arith.constant 2 : i32
      %div3A = arith.divsi %select_n3A_479, %jit3A_480 : i32
      %sign3A = arith.constant 0 : i32
      %sign3A_481 = arith.cmpi sgt, %select_n3A_479, %sign3A : i32
      %sign3A_482 = arith.extui %sign3A_481 : i1 to i32
      %sign3A_483 = arith.constant 0 : i32
      %sign3A_484 = arith.cmpi slt, %select_n3A_479, %sign3A_483 : i32
      %sign3A_485 = arith.extui %sign3A_484 : i1 to i32
      %sign3A_486 = arith.subi %sign3A_482, %sign3A_485 : i32
      %sign3A_487 = arith.constant 0 : i32
      %sign3A_488 = arith.cmpi sgt, %jit3A_480, %sign3A_487 : i32
      %sign3A_489 = arith.extui %sign3A_488 : i1 to i32
      %sign3A_490 = arith.constant 0 : i32
      %sign3A_491 = arith.cmpi slt, %jit3A_480, %sign3A_490 : i32
      %sign3A_492 = arith.extui %sign3A_491 : i1 to i32
      %sign3A_493 = arith.subi %sign3A_489, %sign3A_492 : i32
      %ne3A_494 = arith.cmpi ne, %sign3A_486, %sign3A_493 : i32
      %rem3A_495 = arith.remsi %select_n3A_479, %jit3A_480 : i32
      %ne3A_496 = arith.constant 0 : i32
      %ne3A_497 = arith.cmpi ne, %rem3A_495, %ne3A_496 : i32
      %and3A_498 = arith.andi %ne3A_494, %ne3A_497 : i1
      %sub3A = arith.constant 1 : i32
      %sub3A_499 = arith.subi %div3A, %sub3A : i32
      %select_n3A_500 = arith.select %and3A_498, %sub3A_499, %div3A : i32
      %jit3A_501 = arith.constant 2 : i32
      %eq3A_502 = arith.constant 0 : i32
      %eq3A_503 = arith.cmpi eq, %jit3A_501, %eq3A_502 : i32
      %jit3A_504 = arith.constant 1 : i32
      %select_n3A_505 = arith.select %eq3A_503, %jit3A_504, %jit3A_501 : i32
      %rem3A_506 = arith.remsi %select_n3A_479, %select_n3A_505 : i32
      %ne3A_507 = arith.constant 0 : i32
      %ne3A_508 = arith.cmpi ne, %rem3A_506, %ne3A_507 : i32
      %lt3A_509 = arith.constant 0 : i32
      %lt3A_510 = arith.cmpi slt, %rem3A_506, %lt3A_509 : i32
      %lt3A_511 = arith.constant 0 : i32
      %lt3A_512 = arith.cmpi slt, %select_n3A_505, %lt3A_511 : i32
      %ne3A_513 = arith.xori %lt3A_510, %lt3A_512 : i1
      %and3A_514 = arith.andi %ne3A_513, %ne3A_508 : i1
      %add3A_515 = arith.addi %rem3A_506, %select_n3A_505 : i32
      %select_n3A_516 = arith.select %and3A_514, %add3A_515, %rem3A_506 : i32
      %mul3A_517 = arith.constant 64 : i32
      %mul3A_518 = arith.muli %select_n3A_516, %mul3A_517 : i32
      %dma_wait3A_519 = tpu.memref_slice %arg6[%select_n3A_500, %mul3A_518] : memref<32x128xi32, #tpu.memory_space<vmem>> -> memref<1x64xi32, #tpu.memory_space<vmem>>
      %dma_wait3A_520 = tpu.memref_squeeze %dma_wait3A_519 : memref<1x64xi32, #tpu.memory_space<vmem>> -> memref<64xi32, #tpu.memory_space<vmem>>
      %dma_wait3A_521 = arith.constant 0 : i32
      %dma_wait3A_522 = arith.constant 0 : i32
      %dma_wait3A_523 = tpu.memref_slice %arg9[%dma_wait3A_521, %dma_wait3A_522] : memref<12288x128xf32, #tpu.memory_space<vmem_shared>> -> memref<12288x128xf32, #tpu.memory_space<vmem_shared>>
      tpu.wait_indirect_dma semaphore(%arg10 : memref<!tpu.dma_semaphore, #tpu.memory_space<semaphore_mem>>) src(%dma_wait3A_523 : memref<12288x128xf32, #tpu.memory_space<vmem_shared>>) dst(%arg7 : memref<64x128xf32, #tpu.memory_space<vmem>>)
      %jit3A_524 = arith.constant 16 : i32
      %div3A_525 = arith.divsi %add3A_470, %jit3A_524 : i32
      %sign3A_526 = arith.constant 0 : i32
      %sign3A_527 = arith.cmpi sgt, %add3A_470, %sign3A_526 : i32
      %sign3A_528 = arith.extui %sign3A_527 : i1 to i32
      %sign3A_529 = arith.constant 0 : i32
      %sign3A_530 = arith.cmpi slt, %add3A_470, %sign3A_529 : i32
      %sign3A_531 = arith.extui %sign3A_530 : i1 to i32
      %sign3A_532 = arith.subi %sign3A_528, %sign3A_531 : i32
      %sign3A_533 = arith.constant 0 : i32
      %sign3A_534 = arith.cmpi sgt, %jit3A_524, %sign3A_533 : i32
      %sign3A_535 = arith.extui %sign3A_534 : i1 to i32
      %sign3A_536 = arith.constant 0 : i32
      %sign3A_537 = arith.cmpi slt, %jit3A_524, %sign3A_536 : i32
      %sign3A_538 = arith.extui %sign3A_537 : i1 to i32
      %sign3A_539 = arith.subi %sign3A_535, %sign3A_538 : i32
      %ne3A_540 = arith.cmpi ne, %sign3A_532, %sign3A_539 : i32
      %rem3A_541 = arith.remsi %add3A_470, %jit3A_524 : i32
      %ne3A_542 = arith.constant 0 : i32
      %ne3A_543 = arith.cmpi ne, %rem3A_541, %ne3A_542 : i32
      %and3A_544 = arith.andi %ne3A_540, %ne3A_543 : i1
      %sub3A_545 = arith.constant 1 : i32
      %sub3A_546 = arith.subi %div3A_525, %sub3A_545 : i32
      %select_n3A_547 = arith.select %and3A_544, %sub3A_546, %div3A_525 : i32
      %mul3A_548 = arith.constant 32768 : i32
      %mul3A_549 = arith.muli %select_n3A_547, %mul3A_548 : i32
      %mul3A_550 = arith.constant 1024 : i32
      %mul3A_551 = arith.muli %add3A, %mul3A_550 : i32
      %add3A_552 = arith.addi %mul3A_549, %mul3A_551 : i32
      %jit3A_553 = arith.constant 16 : i32
      %eq3A_554 = arith.constant 0 : i32
      %eq3A_555 = arith.cmpi eq, %jit3A_553, %eq3A_554 : i32
      %jit3A_556 = arith.constant 1 : i32
      %select_n3A_557 = arith.select %eq3A_555, %jit3A_556, %jit3A_553 : i32
      %rem3A_558 = arith.remsi %add3A_470, %select_n3A_557 : i32
      %ne3A_559 = arith.constant 0 : i32
      %ne3A_560 = arith.cmpi ne, %rem3A_558, %ne3A_559 : i32
      %lt3A_561 = arith.constant 0 : i32
      %lt3A_562 = arith.cmpi slt, %rem3A_558, %lt3A_561 : i32
      %lt3A_563 = arith.constant 0 : i32
      %lt3A_564 = arith.cmpi slt, %select_n3A_557, %lt3A_563 : i32
      %ne3A_565 = arith.xori %lt3A_562, %lt3A_564 : i1
      %and3A_566 = arith.andi %ne3A_565, %ne3A_560 : i1
      %add3A_567 = arith.addi %rem3A_558, %select_n3A_557 : i32
      %select_n3A_568 = arith.select %and3A_566, %add3A_567, %rem3A_558 : i32
      %mul3A_569 = arith.constant 64 : i32
      %mul3A_570 = arith.muli %select_n3A_568, %mul3A_569 : i32
      %add3A_571 = arith.addi %add3A_552, %mul3A_570 : i32
      %multiple_of3A_572 = tpu.assume_multiple %add3A_571, 64 : i32
      %dma_start3A_573 = arith.constant 0 : i32
      %dma_start3A_574 = tpu.memref_slice %arg4[%multiple_of3A_572, %dma_start3A_573] : memref<655360x128xf32, #tpu.memory_space<hbm>> -> memref<64x128xf32, #tpu.memory_space<hbm>>
      %dma_start3A_575 = arith.constant 0 : i32
      %dma_start3A_576 = tpu.memref_slice %arg4[%multiple_of3A_572, %dma_start3A_575] : memref<655360x128xf32, #tpu.memory_space<hbm>> -> memref<64x128xf32, #tpu.memory_space<hbm>>
      tpu.enqueue_dma source(%arg7 : memref<64x128xf32, #tpu.memory_space<vmem>>) target(%dma_start3A_576 : memref<64x128xf32, #tpu.memory_space<hbm>>) target_semaphore(%arg12 : memref<!tpu.dma_semaphore, #tpu.memory_space<semaphore_mem>>)
      %add3A_577 = arith.constant 1 : i32
      %add3A_578 = arith.addi %add3A_470, %add3A_577 : i32
      %jit3A_579 = arith.constant 64 : i32
      %eq3A_580 = arith.constant 0 : i32
      %eq3A_581 = arith.cmpi eq, %jit3A_579, %eq3A_580 : i32
      %jit3A_582 = arith.constant 1 : i32
      %select_n3A_583 = arith.select %eq3A_581, %jit3A_582, %jit3A_579 : i32
      %rem3A_584 = arith.remsi %add3A_578, %select_n3A_583 : i32
      %ne3A_585 = arith.constant 0 : i32
      %ne3A_586 = arith.cmpi ne, %rem3A_584, %ne3A_585 : i32
      %lt3A_587 = arith.constant 0 : i32
      %lt3A_588 = arith.cmpi slt, %rem3A_584, %lt3A_587 : i32
      %lt3A_589 = arith.constant 0 : i32
      %lt3A_590 = arith.cmpi slt, %select_n3A_583, %lt3A_589 : i32
      %ne3A_591 = arith.xori %lt3A_588, %lt3A_590 : i1
      %and3A_592 = arith.andi %ne3A_591, %ne3A_586 : i1
      %add3A_593 = arith.addi %rem3A_584, %select_n3A_583 : i32
      %select_n3A_594 = arith.select %and3A_592, %add3A_593, %rem3A_584 : i32
      %jit3A_595 = arith.constant 2 : i32
      %div3A_596 = arith.divsi %select_n3A_594, %jit3A_595 : i32
      %sign3A_597 = arith.constant 0 : i32
      %sign3A_598 = arith.cmpi sgt, %select_n3A_594, %sign3A_597 : i32
      %sign3A_599 = arith.extui %sign3A_598 : i1 to i32
      %sign3A_600 = arith.constant 0 : i32
      %sign3A_601 = arith.cmpi slt, %select_n3A_594, %sign3A_600 : i32
      %sign3A_602 = arith.extui %sign3A_601 : i1 to i32
      %sign3A_603 = arith.subi %sign3A_599, %sign3A_602 : i32
      %sign3A_604 = arith.constant 0 : i32
      %sign3A_605 = arith.cmpi sgt, %jit3A_595, %sign3A_604 : i32
      %sign3A_606 = arith.extui %sign3A_605 : i1 to i32
      %sign3A_607 = arith.constant 0 : i32
      %sign3A_608 = arith.cmpi slt, %jit3A_595, %sign3A_607 : i32
      %sign3A_609 = arith.extui %sign3A_608 : i1 to i32
      %sign3A_610 = arith.subi %sign3A_606, %sign3A_609 : i32
      %ne3A_611 = arith.cmpi ne, %sign3A_603, %sign3A_610 : i32
      %rem3A_612 = arith.remsi %select_n3A_594, %jit3A_595 : i32
      %ne3A_613 = arith.constant 0 : i32
      %ne3A_614 = arith.cmpi ne, %rem3A_612, %ne3A_613 : i32
      %and3A_615 = arith.andi %ne3A_611, %ne3A_614 : i1
      %sub3A_616 = arith.constant 1 : i32
      %sub3A_617 = arith.subi %div3A_596, %sub3A_616 : i32
      %select_n3A_618 = arith.select %and3A_615, %sub3A_617, %div3A_596 : i32
      %jit3A_619 = arith.constant 2 : i32
      %eq3A_620 = arith.constant 0 : i32
      %eq3A_621 = arith.cmpi eq, %jit3A_619, %eq3A_620 : i32
      %jit3A_622 = arith.constant 1 : i32
      %select_n3A_623 = arith.select %eq3A_621, %jit3A_622, %jit3A_619 : i32
      %rem3A_624 = arith.remsi %select_n3A_594, %select_n3A_623 : i32
      %ne3A_625 = arith.constant 0 : i32
      %ne3A_626 = arith.cmpi ne, %rem3A_624, %ne3A_625 : i32
      %lt3A_627 = arith.constant 0 : i32
      %lt3A_628 = arith.cmpi slt, %rem3A_624, %lt3A_627 : i32
      %lt3A_629 = arith.constant 0 : i32
      %lt3A_630 = arith.cmpi slt, %select_n3A_623, %lt3A_629 : i32
      %ne3A_631 = arith.xori %lt3A_628, %lt3A_630 : i1
      %and3A_632 = arith.andi %ne3A_631, %ne3A_626 : i1
      %add3A_633 = arith.addi %rem3A_624, %select_n3A_623 : i32
      %select_n3A_634 = arith.select %and3A_632, %add3A_633, %rem3A_624 : i32
      %mul3A_635 = arith.constant 64 : i32
      %mul3A_636 = arith.muli %select_n3A_634, %mul3A_635 : i32
      %dma_wait3A_637 = tpu.memref_slice %arg6[%select_n3A_618, %mul3A_636] : memref<32x128xi32, #tpu.memory_space<vmem>> -> memref<1x64xi32, #tpu.memory_space<vmem>>
      %dma_wait3A_638 = tpu.memref_squeeze %dma_wait3A_637 : memref<1x64xi32, #tpu.memory_space<vmem>> -> memref<64xi32, #tpu.memory_space<vmem>>
      %dma_wait3A_639 = arith.constant 0 : i32
      %dma_wait3A_640 = arith.constant 0 : i32
      %dma_wait3A_641 = tpu.memref_slice %arg9[%dma_wait3A_639, %dma_wait3A_640] : memref<12288x128xf32, #tpu.memory_space<vmem_shared>> -> memref<12288x128xf32, #tpu.memory_space<vmem_shared>>
      tpu.wait_indirect_dma semaphore(%arg11 : memref<!tpu.dma_semaphore, #tpu.memory_space<semaphore_mem>>) src(%dma_wait3A_641 : memref<12288x128xf32, #tpu.memory_space<vmem_shared>>) dst(%arg8 : memref<64x128xf32, #tpu.memory_space<vmem>>)
      %add3A_642 = arith.constant 1 : i32
      %add3A_643 = arith.addi %add3A_470, %add3A_642 : i32
      %jit3A_644 = arith.constant 16 : i32
      %div3A_645 = arith.divsi %add3A_643, %jit3A_644 : i32
      %sign3A_646 = arith.constant 0 : i32
      %sign3A_647 = arith.cmpi sgt, %add3A_643, %sign3A_646 : i32
      %sign3A_648 = arith.extui %sign3A_647 : i1 to i32
      %sign3A_649 = arith.constant 0 : i32
      %sign3A_650 = arith.cmpi slt, %add3A_643, %sign3A_649 : i32
      %sign3A_651 = arith.extui %sign3A_650 : i1 to i32
      %sign3A_652 = arith.subi %sign3A_648, %sign3A_651 : i32
      %sign3A_653 = arith.constant 0 : i32
      %sign3A_654 = arith.cmpi sgt, %jit3A_644, %sign3A_653 : i32
      %sign3A_655 = arith.extui %sign3A_654 : i1 to i32
      %sign3A_656 = arith.constant 0 : i32
      %sign3A_657 = arith.cmpi slt, %jit3A_644, %sign3A_656 : i32
      %sign3A_658 = arith.extui %sign3A_657 : i1 to i32
      %sign3A_659 = arith.subi %sign3A_655, %sign3A_658 : i32
      %ne3A_660 = arith.cmpi ne, %sign3A_652, %sign3A_659 : i32
      %rem3A_661 = arith.remsi %add3A_643, %jit3A_644 : i32
      %ne3A_662 = arith.constant 0 : i32
      %ne3A_663 = arith.cmpi ne, %rem3A_661, %ne3A_662 : i32
      %and3A_664 = arith.andi %ne3A_660, %ne3A_663 : i1
      %sub3A_665 = arith.constant 1 : i32
      %sub3A_666 = arith.subi %div3A_645, %sub3A_665 : i32
      %select_n3A_667 = arith.select %and3A_664, %sub3A_666, %div3A_645 : i32
      %mul3A_668 = arith.constant 32768 : i32
      %mul3A_669 = arith.muli %select_n3A_667, %mul3A_668 : i32
      %mul3A_670 = arith.constant 1024 : i32
      %mul3A_671 = arith.muli %add3A, %mul3A_670 : i32
      %add3A_672 = arith.addi %mul3A_669, %mul3A_671 : i32
      %jit3A_673 = arith.constant 16 : i32
      %eq3A_674 = arith.constant 0 : i32
      %eq3A_675 = arith.cmpi eq, %jit3A_673, %eq3A_674 : i32
      %jit3A_676 = arith.constant 1 : i32
      %select_n3A_677 = arith.select %eq3A_675, %jit3A_676, %jit3A_673 : i32
      %rem3A_678 = arith.remsi %add3A_643, %select_n3A_677 : i32
      %ne3A_679 = arith.constant 0 : i32
      %ne3A_680 = arith.cmpi ne, %rem3A_678, %ne3A_679 : i32
      %lt3A_681 = arith.constant 0 : i32
      %lt3A_682 = arith.cmpi slt, %rem3A_678, %lt3A_681 : i32
      %lt3A_683 = arith.constant 0 : i32
      %lt3A_684 = arith.cmpi slt, %select_n3A_677, %lt3A_683 : i32
      %ne3A_685 = arith.xori %lt3A_682, %lt3A_684 : i1
      %and3A_686 = arith.andi %ne3A_685, %ne3A_680 : i1
      %add3A_687 = arith.addi %rem3A_678, %select_n3A_677 : i32
      %select_n3A_688 = arith.select %and3A_686, %add3A_687, %rem3A_678 : i32
      %mul3A_689 = arith.constant 64 : i32
      %mul3A_690 = arith.muli %select_n3A_688, %mul3A_689 : i32
      %add3A_691 = arith.addi %add3A_672, %mul3A_690 : i32
      %multiple_of3A_692 = tpu.assume_multiple %add3A_691, 64 : i32
      %dma_start3A_693 = arith.constant 0 : i32
      %dma_start3A_694 = tpu.memref_slice %arg4[%multiple_of3A_692, %dma_start3A_693] : memref<655360x128xf32, #tpu.memory_space<hbm>> -> memref<64x128xf32, #tpu.memory_space<hbm>>
      %dma_start3A_695 = arith.constant 0 : i32
      %dma_start3A_696 = tpu.memref_slice %arg4[%multiple_of3A_692, %dma_start3A_695] : memref<655360x128xf32, #tpu.memory_space<hbm>> -> memref<64x128xf32, #tpu.memory_space<hbm>>
      tpu.enqueue_dma source(%arg8 : memref<64x128xf32, #tpu.memory_space<vmem>>) target(%dma_start3A_696 : memref<64x128xf32, #tpu.memory_space<hbm>>) target_semaphore(%arg13 : memref<!tpu.dma_semaphore, #tpu.memory_space<semaphore_mem>>)
      %jit3A_697 = arith.constant 16 : i32
      %div3A_698 = arith.divsi %add3A_470, %jit3A_697 : i32
      %sign3A_699 = arith.constant 0 : i32
      %sign3A_700 = arith.cmpi sgt, %add3A_470, %sign3A_699 : i32
      %sign3A_701 = arith.extui %sign3A_700 : i1 to i32
      %sign3A_702 = arith.constant 0 : i32
      %sign3A_703 = arith.cmpi slt, %add3A_470, %sign3A_702 : i32
      %sign3A_704 = arith.extui %sign3A_703 : i1 to i32
      %sign3A_705 = arith.subi %sign3A_701, %sign3A_704 : i32
      %sign3A_706 = arith.constant 0 : i32
      %sign3A_707 = arith.cmpi sgt, %jit3A_697, %sign3A_706 : i32
      %sign3A_708 = arith.extui %sign3A_707 : i1 to i32
      %sign3A_709 = arith.constant 0 : i32
      %sign3A_710 = arith.cmpi slt, %jit3A_697, %sign3A_709 : i32
      %sign3A_711 = arith.extui %sign3A_710 : i1 to i32
      %sign3A_712 = arith.subi %sign3A_708, %sign3A_711 : i32
      %ne3A_713 = arith.cmpi ne, %sign3A_705, %sign3A_712 : i32
      %rem3A_714 = arith.remsi %add3A_470, %jit3A_697 : i32
      %ne3A_715 = arith.constant 0 : i32
      %ne3A_716 = arith.cmpi ne, %rem3A_714, %ne3A_715 : i32
      %and3A_717 = arith.andi %ne3A_713, %ne3A_716 : i1
      %sub3A_718 = arith.constant 1 : i32
      %sub3A_719 = arith.subi %div3A_698, %sub3A_718 : i32
      %select_n3A_720 = arith.select %and3A_717, %sub3A_719, %div3A_698 : i32
      %mul3A_721 = arith.constant 32768 : i32
      %mul3A_722 = arith.muli %select_n3A_720, %mul3A_721 : i32
      %mul3A_723 = arith.constant 1024 : i32
      %mul3A_724 = arith.muli %add3A, %mul3A_723 : i32
      %add3A_725 = arith.addi %mul3A_722, %mul3A_724 : i32
      %jit3A_726 = arith.constant 16 : i32
      %eq3A_727 = arith.constant 0 : i32
      %eq3A_728 = arith.cmpi eq, %jit3A_726, %eq3A_727 : i32
      %jit3A_729 = arith.constant 1 : i32
      %select_n3A_730 = arith.select %eq3A_728, %jit3A_729, %jit3A_726 : i32
      %rem3A_731 = arith.remsi %add3A_470, %select_n3A_730 : i32
      %ne3A_732 = arith.constant 0 : i32
      %ne3A_733 = arith.cmpi ne, %rem3A_731, %ne3A_732 : i32
      %lt3A_734 = arith.constant 0 : i32
      %lt3A_735 = arith.cmpi slt, %rem3A_731, %lt3A_734 : i32
      %lt3A_736 = arith.constant 0 : i32
      %lt3A_737 = arith.cmpi slt, %select_n3A_730, %lt3A_736 : i32
      %ne3A_738 = arith.xori %lt3A_735, %lt3A_737 : i1
      %and3A_739 = arith.andi %ne3A_738, %ne3A_733 : i1
      %add3A_740 = arith.addi %rem3A_731, %select_n3A_730 : i32
      %select_n3A_741 = arith.select %and3A_739, %add3A_740, %rem3A_731 : i32
      %mul3A_742 = arith.constant 64 : i32
      %mul3A_743 = arith.muli %select_n3A_741, %mul3A_742 : i32
      %add3A_744 = arith.addi %add3A_725, %mul3A_743 : i32
      %multiple_of3A_745 = tpu.assume_multiple %add3A_744, 64 : i32
      %dma_wait3A_746 = arith.constant 0 : i32
      %dma_wait3A_747 = tpu.memref_slice %arg4[%multiple_of3A_745, %dma_wait3A_746] : memref<655360x128xf32, #tpu.memory_space<hbm>> -> memref<64x128xf32, #tpu.memory_space<hbm>>
      %dma_wait3A_748 = arith.constant 0 : i32
      %dma_wait3A_749 = tpu.memref_slice %arg4[%multiple_of3A_745, %dma_wait3A_748] : memref<655360x128xf32, #tpu.memory_space<hbm>> -> memref<64x128xf32, #tpu.memory_space<hbm>>
      tpu.wait_dma2 semaphore(%arg12 : memref<!tpu.dma_semaphore, #tpu.memory_space<semaphore_mem>>) src(%arg7 : memref<64x128xf32, #tpu.memory_space<vmem>>) dst(%dma_wait3A_749 : memref<64x128xf32, #tpu.memory_space<hbm>>)
      %add3A_750 = arith.constant 2 : i32
      %add3A_751 = arith.addi %add3A_470, %add3A_750 : i32
      %jit3A_752 = arith.constant 64 : i32
      %eq3A_753 = arith.constant 0 : i32
      %eq3A_754 = arith.cmpi eq, %jit3A_752, %eq3A_753 : i32
      %jit3A_755 = arith.constant 1 : i32
      %select_n3A_756 = arith.select %eq3A_754, %jit3A_755, %jit3A_752 : i32
      %rem3A_757 = arith.remsi %add3A_751, %select_n3A_756 : i32
      %ne3A_758 = arith.constant 0 : i32
      %ne3A_759 = arith.cmpi ne, %rem3A_757, %ne3A_758 : i32
      %lt3A_760 = arith.constant 0 : i32
      %lt3A_761 = arith.cmpi slt, %rem3A_757, %lt3A_760 : i32
      %lt3A_762 = arith.constant 0 : i32
      %lt3A_763 = arith.cmpi slt, %select_n3A_756, %lt3A_762 : i32
      %ne3A_764 = arith.xori %lt3A_761, %lt3A_763 : i1
      %and3A_765 = arith.andi %ne3A_764, %ne3A_759 : i1
      %add3A_766 = arith.addi %rem3A_757, %select_n3A_756 : i32
      %select_n3A_767 = arith.select %and3A_765, %add3A_766, %rem3A_757 : i32
      %jit3A_768 = arith.constant 2 : i32
      %div3A_769 = arith.divsi %select_n3A_767, %jit3A_768 : i32
      %sign3A_770 = arith.constant 0 : i32
      %sign3A_771 = arith.cmpi sgt, %select_n3A_767, %sign3A_770 : i32
      %sign3A_772 = arith.extui %sign3A_771 : i1 to i32
      %sign3A_773 = arith.constant 0 : i32
      %sign3A_774 = arith.cmpi slt, %select_n3A_767, %sign3A_773 : i32
      %sign3A_775 = arith.extui %sign3A_774 : i1 to i32
      %sign3A_776 = arith.subi %sign3A_772, %sign3A_775 : i32
      %sign3A_777 = arith.constant 0 : i32
      %sign3A_778 = arith.cmpi sgt, %jit3A_768, %sign3A_777 : i32
      %sign3A_779 = arith.extui %sign3A_778 : i1 to i32
      %sign3A_780 = arith.constant 0 : i32
      %sign3A_781 = arith.cmpi slt, %jit3A_768, %sign3A_780 : i32
      %sign3A_782 = arith.extui %sign3A_781 : i1 to i32
      %sign3A_783 = arith.subi %sign3A_779, %sign3A_782 : i32
      %ne3A_784 = arith.cmpi ne, %sign3A_776, %sign3A_783 : i32
      %rem3A_785 = arith.remsi %select_n3A_767, %jit3A_768 : i32
      %ne3A_786 = arith.constant 0 : i32
      %ne3A_787 = arith.cmpi ne, %rem3A_785, %ne3A_786 : i32
      %and3A_788 = arith.andi %ne3A_784, %ne3A_787 : i1
      %sub3A_789 = arith.constant 1 : i32
      %sub3A_790 = arith.subi %div3A_769, %sub3A_789 : i32
      %select_n3A_791 = arith.select %and3A_788, %sub3A_790, %div3A_769 : i32
      %jit3A_792 = arith.constant 2 : i32
      %eq3A_793 = arith.constant 0 : i32
      %eq3A_794 = arith.cmpi eq, %jit3A_792, %eq3A_793 : i32
      %jit3A_795 = arith.constant 1 : i32
      %select_n3A_796 = arith.select %eq3A_794, %jit3A_795, %jit3A_792 : i32
      %rem3A_797 = arith.remsi %select_n3A_767, %select_n3A_796 : i32
      %ne3A_798 = arith.constant 0 : i32
      %ne3A_799 = arith.cmpi ne, %rem3A_797, %ne3A_798 : i32
      %lt3A_800 = arith.constant 0 : i32
      %lt3A_801 = arith.cmpi slt, %rem3A_797, %lt3A_800 : i32
      %lt3A_802 = arith.constant 0 : i32
      %lt3A_803 = arith.cmpi slt, %select_n3A_796, %lt3A_802 : i32
      %ne3A_804 = arith.xori %lt3A_801, %lt3A_803 : i1
      %and3A_805 = arith.andi %ne3A_804, %ne3A_799 : i1
      %add3A_806 = arith.addi %rem3A_797, %select_n3A_796 : i32
      %select_n3A_807 = arith.select %and3A_805, %add3A_806, %rem3A_797 : i32
      %mul3A_808 = arith.constant 64 : i32
      %mul3A_809 = arith.muli %select_n3A_807, %mul3A_808 : i32
      %dma_start3A_810 = tpu.memref_slice %arg6[%select_n3A_791, %mul3A_809] : memref<32x128xi32, #tpu.memory_space<vmem>> -> memref<1x64xi32, #tpu.memory_space<vmem>>
      %dma_start3A_811 = tpu.memref_squeeze %dma_start3A_810 : memref<1x64xi32, #tpu.memory_space<vmem>> -> memref<64xi32, #tpu.memory_space<vmem>>
      %dma_start3A_812 = arith.constant 0 : i32
      %dma_start3A_813 = arith.constant 0 : i32
      %dma_start3A_814 = tpu.memref_slice %arg9[%dma_start3A_812, %dma_start3A_813] : memref<12288x128xf32, #tpu.memory_space<vmem_shared>> -> memref<12288x128xf32, #tpu.memory_space<vmem_shared>>
      tpu.enqueue_indirect_dma source(%dma_start3A_814 : memref<12288x128xf32, #tpu.memory_space<vmem_shared>>) target(%arg7 : memref<64x128xf32, #tpu.memory_space<vmem>>) offsets(%dma_start3A_811 : memref<64xi32, #tpu.memory_space<vmem>>) semaphore(%arg10 : memref<!tpu.dma_semaphore, #tpu.memory_space<semaphore_mem>>)
      %add3A_815 = arith.constant 1 : i32
      %add3A_816 = arith.addi %add3A_470, %add3A_815 : i32
      %jit3A_817 = arith.constant 16 : i32
      %div3A_818 = arith.divsi %add3A_816, %jit3A_817 : i32
      %sign3A_819 = arith.constant 0 : i32
      %sign3A_820 = arith.cmpi sgt, %add3A_816, %sign3A_819 : i32
      %sign3A_821 = arith.extui %sign3A_820 : i1 to i32
      %sign3A_822 = arith.constant 0 : i32
      %sign3A_823 = arith.cmpi slt, %add3A_816, %sign3A_822 : i32
      %sign3A_824 = arith.extui %sign3A_823 : i1 to i32
      %sign3A_825 = arith.subi %sign3A_821, %sign3A_824 : i32
      %sign3A_826 = arith.constant 0 : i32
      %sign3A_827 = arith.cmpi sgt, %jit3A_817, %sign3A_826 : i32
      %sign3A_828 = arith.extui %sign3A_827 : i1 to i32
      %sign3A_829 = arith.constant 0 : i32
      %sign3A_830 = arith.cmpi slt, %jit3A_817, %sign3A_829 : i32
      %sign3A_831 = arith.extui %sign3A_830 : i1 to i32
      %sign3A_832 = arith.subi %sign3A_828, %sign3A_831 : i32
      %ne3A_833 = arith.cmpi ne, %sign3A_825, %sign3A_832 : i32
      %rem3A_834 = arith.remsi %add3A_816, %jit3A_817 : i32
      %ne3A_835 = arith.constant 0 : i32
      %ne3A_836 = arith.cmpi ne, %rem3A_834, %ne3A_835 : i32
      %and3A_837 = arith.andi %ne3A_833, %ne3A_836 : i1
      %sub3A_838 = arith.constant 1 : i32
      %sub3A_839 = arith.subi %div3A_818, %sub3A_838 : i32
      %select_n3A_840 = arith.select %and3A_837, %sub3A_839, %div3A_818 : i32
      %mul3A_841 = arith.constant 32768 : i32
      %mul3A_842 = arith.muli %select_n3A_840, %mul3A_841 : i32
      %mul3A_843 = arith.constant 1024 : i32
      %mul3A_844 = arith.muli %add3A, %mul3A_843 : i32
      %add3A_845 = arith.addi %mul3A_842, %mul3A_844 : i32
      %jit3A_846 = arith.constant 16 : i32
      %eq3A_847 = arith.constant 0 : i32
      %eq3A_848 = arith.cmpi eq, %jit3A_846, %eq3A_847 : i32
      %jit3A_849 = arith.constant 1 : i32
      %select_n3A_850 = arith.select %eq3A_848, %jit3A_849, %jit3A_846 : i32
      %rem3A_851 = arith.remsi %add3A_816, %select_n3A_850 : i32
      %ne3A_852 = arith.constant 0 : i32
      %ne3A_853 = arith.cmpi ne, %rem3A_851, %ne3A_852 : i32
      %lt3A_854 = arith.constant 0 : i32
      %lt3A_855 = arith.cmpi slt, %rem3A_851, %lt3A_854 : i32
      %lt3A_856 = arith.constant 0 : i32
      %lt3A_857 = arith.cmpi slt, %select_n3A_850, %lt3A_856 : i32
      %ne3A_858 = arith.xori %lt3A_855, %lt3A_857 : i1
      %and3A_859 = arith.andi %ne3A_858, %ne3A_853 : i1
      %add3A_860 = arith.addi %rem3A_851, %select_n3A_850 : i32
      %select_n3A_861 = arith.select %and3A_859, %add3A_860, %rem3A_851 : i32
      %mul3A_862 = arith.constant 64 : i32
      %mul3A_863 = arith.muli %select_n3A_861, %mul3A_862 : i32
      %add3A_864 = arith.addi %add3A_845, %mul3A_863 : i32
      %multiple_of3A_865 = tpu.assume_multiple %add3A_864, 64 : i32
      %dma_wait3A_866 = arith.constant 0 : i32
      %dma_wait3A_867 = tpu.memref_slice %arg4[%multiple_of3A_865, %dma_wait3A_866] : memref<655360x128xf32, #tpu.memory_space<hbm>> -> memref<64x128xf32, #tpu.memory_space<hbm>>
      %dma_wait3A_868 = arith.constant 0 : i32
      %dma_wait3A_869 = tpu.memref_slice %arg4[%multiple_of3A_865, %dma_wait3A_868] : memref<655360x128xf32, #tpu.memory_space<hbm>> -> memref<64x128xf32, #tpu.memory_space<hbm>>
      tpu.wait_dma2 semaphore(%arg13 : memref<!tpu.dma_semaphore, #tpu.memory_space<semaphore_mem>>) src(%arg8 : memref<64x128xf32, #tpu.memory_space<vmem>>) dst(%dma_wait3A_869 : memref<64x128xf32, #tpu.memory_space<hbm>>)
      %add3A_870 = arith.constant 3 : i32
      %add3A_871 = arith.addi %add3A_470, %add3A_870 : i32
      %jit3A_872 = arith.constant 64 : i32
      %eq3A_873 = arith.constant 0 : i32
      %eq3A_874 = arith.cmpi eq, %jit3A_872, %eq3A_873 : i32
      %jit3A_875 = arith.constant 1 : i32
      %select_n3A_876 = arith.select %eq3A_874, %jit3A_875, %jit3A_872 : i32
      %rem3A_877 = arith.remsi %add3A_871, %select_n3A_876 : i32
      %ne3A_878 = arith.constant 0 : i32
      %ne3A_879 = arith.cmpi ne, %rem3A_877, %ne3A_878 : i32
      %lt3A_880 = arith.constant 0 : i32
      %lt3A_881 = arith.cmpi slt, %rem3A_877, %lt3A_880 : i32
      %lt3A_882 = arith.constant 0 : i32
      %lt3A_883 = arith.cmpi slt, %select_n3A_876, %lt3A_882 : i32
      %ne3A_884 = arith.xori %lt3A_881, %lt3A_883 : i1
      %and3A_885 = arith.andi %ne3A_884, %ne3A_879 : i1
      %add3A_886 = arith.addi %rem3A_877, %select_n3A_876 : i32
      %select_n3A_887 = arith.select %and3A_885, %add3A_886, %rem3A_877 : i32
      %jit3A_888 = arith.constant 2 : i32
      %div3A_889 = arith.divsi %select_n3A_887, %jit3A_888 : i32
      %sign3A_890 = arith.constant 0 : i32
      %sign3A_891 = arith.cmpi sgt, %select_n3A_887, %sign3A_890 : i32
      %sign3A_892 = arith.extui %sign3A_891 : i1 to i32
      %sign3A_893 = arith.constant 0 : i32
      %sign3A_894 = arith.cmpi slt, %select_n3A_887, %sign3A_893 : i32
      %sign3A_895 = arith.extui %sign3A_894 : i1 to i32
      %sign3A_896 = arith.subi %sign3A_892, %sign3A_895 : i32
      %sign3A_897 = arith.constant 0 : i32
      %sign3A_898 = arith.cmpi sgt, %jit3A_888, %sign3A_897 : i32
      %sign3A_899 = arith.extui %sign3A_898 : i1 to i32
      %sign3A_900 = arith.constant 0 : i32
      %sign3A_901 = arith.cmpi slt, %jit3A_888, %sign3A_900 : i32
      %sign3A_902 = arith.extui %sign3A_901 : i1 to i32
      %sign3A_903 = arith.subi %sign3A_899, %sign3A_902 : i32
      %ne3A_904 = arith.cmpi ne, %sign3A_896, %sign3A_903 : i32
      %rem3A_905 = arith.remsi %select_n3A_887, %jit3A_888 : i32
      %ne3A_906 = arith.constant 0 : i32
      %ne3A_907 = arith.cmpi ne, %rem3A_905, %ne3A_906 : i32
      %and3A_908 = arith.andi %ne3A_904, %ne3A_907 : i1
      %sub3A_909 = arith.constant 1 : i32
      %sub3A_910 = arith.subi %div3A_889, %sub3A_909 : i32
      %select_n3A_911 = arith.select %and3A_908, %sub3A_910, %div3A_889 : i32
      %jit3A_912 = arith.constant 2 : i32
      %eq3A_913 = arith.constant 0 : i32
      %eq3A_914 = arith.cmpi eq, %jit3A_912, %eq3A_913 : i32
      %jit3A_915 = arith.constant 1 : i32
      %select_n3A_916 = arith.select %eq3A_914, %jit3A_915, %jit3A_912 : i32
      %rem3A_917 = arith.remsi %select_n3A_887, %select_n3A_916 : i32
      %ne3A_918 = arith.constant 0 : i32
      %ne3A_919 = arith.cmpi ne, %rem3A_917, %ne3A_918 : i32
      %lt3A_920 = arith.constant 0 : i32
      %lt3A_921 = arith.cmpi slt, %rem3A_917, %lt3A_920 : i32
      %lt3A_922 = arith.constant 0 : i32
      %lt3A_923 = arith.cmpi slt, %select_n3A_916, %lt3A_922 : i32
      %ne3A_924 = arith.xori %lt3A_921, %lt3A_923 : i1
      %and3A_925 = arith.andi %ne3A_924, %ne3A_919 : i1
      %add3A_926 = arith.addi %rem3A_917, %select_n3A_916 : i32
      %select_n3A_927 = arith.select %and3A_925, %add3A_926, %rem3A_917 : i32
      %mul3A_928 = arith.constant 64 : i32
      %mul3A_929 = arith.muli %select_n3A_927, %mul3A_928 : i32
      %dma_start3A_930 = tpu.memref_slice %arg6[%select_n3A_911, %mul3A_929] : memref<32x128xi32, #tpu.memory_space<vmem>> -> memref<1x64xi32, #tpu.memory_space<vmem>>
      %dma_start3A_931 = tpu.memref_squeeze %dma_start3A_930 : memref<1x64xi32, #tpu.memory_space<vmem>> -> memref<64xi32, #tpu.memory_space<vmem>>
      %dma_start3A_932 = arith.constant 0 : i32
      %dma_start3A_933 = arith.constant 0 : i32
      %dma_start3A_934 = tpu.memref_slice %arg9[%dma_start3A_932, %dma_start3A_933] : memref<12288x128xf32, #tpu.memory_space<vmem_shared>> -> memref<12288x128xf32, #tpu.memory_space<vmem_shared>>
      tpu.enqueue_indirect_dma source(%dma_start3A_934 : memref<12288x128xf32, #tpu.memory_space<vmem_shared>>) target(%arg8 : memref<64x128xf32, #tpu.memory_space<vmem>>) offsets(%dma_start3A_931 : memref<64xi32, #tpu.memory_space<vmem>>) semaphore(%arg11 : memref<!tpu.dma_semaphore, #tpu.memory_space<semaphore_mem>>)
    }
    %scan3A_133 = arith.constant 31 : i32
    %dma_wait3A_134 = arith.constant 31 : i32
    %dma_wait3A_135 = arith.constant 0 : i32
    %dma_wait3A_136 = tpu.memref_slice %arg6[%dma_wait3A_134, %dma_wait3A_135] : memref<32x128xi32, #tpu.memory_space<vmem>> -> memref<1x64xi32, #tpu.memory_space<vmem>>
    %dma_wait3A_137 = tpu.memref_squeeze %dma_wait3A_136 : memref<1x64xi32, #tpu.memory_space<vmem>> -> memref<64xi32, #tpu.memory_space<vmem>>
    %dma_wait3A_138 = arith.constant 0 : i32
    %dma_wait3A_139 = arith.constant 0 : i32
    %dma_wait3A_140 = tpu.memref_slice %arg9[%dma_wait3A_138, %dma_wait3A_139] : memref<12288x128xf32, #tpu.memory_space<vmem_shared>> -> memref<12288x128xf32, #tpu.memory_space<vmem_shared>>
    tpu.wait_indirect_dma semaphore(%arg10 : memref<!tpu.dma_semaphore, #tpu.memory_space<semaphore_mem>>) src(%dma_wait3A_140 : memref<12288x128xf32, #tpu.memory_space<vmem_shared>>) dst(%arg7 : memref<64x128xf32, #tpu.memory_space<vmem>>)
    %mul3A_141 = arith.constant 1024 : i32
    %mul3A_142 = arith.muli %add3A, %mul3A_141 : i32
    %add3A_143 = arith.constant 229376 : i32
    %add3A_144 = arith.addi %add3A_143, %mul3A_142 : i32
    %add3A_145 = arith.constant 896 : i32
    %add3A_146 = arith.addi %add3A_144, %add3A_145 : i32
    %multiple_of3A_147 = tpu.assume_multiple %add3A_146, 64 : i32
    %dma_start3A_148 = arith.constant 0 : i32
    %dma_start3A_149 = tpu.memref_slice %arg4[%multiple_of3A_147, %dma_start3A_148] : memref<655360x128xf32, #tpu.memory_space<hbm>> -> memref<64x128xf32, #tpu.memory_space<hbm>>
    %dma_start3A_150 = arith.constant 0 : i32
    %dma_start3A_151 = tpu.memref_slice %arg4[%multiple_of3A_147, %dma_start3A_150] : memref<655360x128xf32, #tpu.memory_space<hbm>> -> memref<64x128xf32, #tpu.memory_space<hbm>>
    tpu.enqueue_dma source(%arg7 : memref<64x128xf32, #tpu.memory_space<vmem>>) target(%dma_start3A_151 : memref<64x128xf32, #tpu.memory_space<hbm>>) target_semaphore(%arg12 : memref<!tpu.dma_semaphore, #tpu.memory_space<semaphore_mem>>)
    %dma_wait3A_152 = arith.constant 31 : i32
    %dma_wait3A_153 = arith.constant 64 : i32
    %dma_wait3A_154 = tpu.memref_slice %arg6[%dma_wait3A_152, %dma_wait3A_153] : memref<32x128xi32, #tpu.memory_space<vmem>> -> memref<1x64xi32, #tpu.memory_space<vmem>>
    %dma_wait3A_155 = tpu.memref_squeeze %dma_wait3A_154 : memref<1x64xi32, #tpu.memory_space<vmem>> -> memref<64xi32, #tpu.memory_space<vmem>>
    %dma_wait3A_156 = arith.constant 0 : i32
    %dma_wait3A_157 = arith.constant 0 : i32
    %dma_wait3A_158 = tpu.memref_slice %arg9[%dma_wait3A_156, %dma_wait3A_157] : memref<12288x128xf32, #tpu.memory_space<vmem_shared>> -> memref<12288x128xf32, #tpu.memory_space<vmem_shared>>
    tpu.wait_indirect_dma semaphore(%arg11 : memref<!tpu.dma_semaphore, #tpu.memory_space<semaphore_mem>>) src(%dma_wait3A_158 : memref<12288x128xf32, #tpu.memory_space<vmem_shared>>) dst(%arg8 : memref<64x128xf32, #tpu.memory_space<vmem>>)
    %mul3A_159 = arith.constant 1024 : i32
    %mul3A_160 = arith.muli %add3A, %mul3A_159 : i32
    %add3A_161 = arith.constant 229376 : i32
    %add3A_162 = arith.addi %add3A_161, %mul3A_160 : i32
    %add3A_163 = arith.constant 960 : i32
    %add3A_164 = arith.addi %add3A_162, %add3A_163 : i32
    %multiple_of3A_165 = tpu.assume_multiple %add3A_164, 64 : i32
    %dma_start3A_166 = arith.constant 0 : i32
    %dma_start3A_167 = tpu.memref_slice %arg4[%multiple_of3A_165, %dma_start3A_166] : memref<655360x128xf32, #tpu.memory_space<hbm>> -> memref<64x128xf32, #tpu.memory_space<hbm>>
    %dma_start3A_168 = arith.constant 0 : i32
    %dma_start3A_169 = tpu.memref_slice %arg4[%multiple_of3A_165, %dma_start3A_168] : memref<655360x128xf32, #tpu.memory_space<hbm>> -> memref<64x128xf32, #tpu.memory_space<hbm>>
    tpu.enqueue_dma source(%arg8 : memref<64x128xf32, #tpu.memory_space<vmem>>) target(%dma_start3A_169 : memref<64x128xf32, #tpu.memory_space<hbm>>) target_semaphore(%arg13 : memref<!tpu.dma_semaphore, #tpu.memory_space<semaphore_mem>>)
    %mul3A_170 = arith.constant 1024 : i32
    %mul3A_171 = arith.muli %add3A, %mul3A_170 : i32
    %add3A_172 = arith.constant 229376 : i32
    %add3A_173 = arith.addi %add3A_172, %mul3A_171 : i32
    %add3A_174 = arith.constant 896 : i32
    %add3A_175 = arith.addi %add3A_173, %add3A_174 : i32
    %multiple_of3A_176 = tpu.assume_multiple %add3A_175, 64 : i32
    %dma_wait3A_177 = arith.constant 0 : i32
    %dma_wait3A_178 = tpu.memref_slice %arg4[%multiple_of3A_176, %dma_wait3A_177] : memref<655360x128xf32, #tpu.memory_space<hbm>> -> memref<64x128xf32, #tpu.memory_space<hbm>>
    %dma_wait3A_179 = arith.constant 0 : i32
    %dma_wait3A_180 = tpu.memref_slice %arg4[%multiple_of3A_176, %dma_wait3A_179] : memref<655360x128xf32, #tpu.memory_space<hbm>> -> memref<64x128xf32, #tpu.memory_space<hbm>>
    tpu.wait_dma2 semaphore(%arg12 : memref<!tpu.dma_semaphore, #tpu.memory_space<semaphore_mem>>) src(%arg7 : memref<64x128xf32, #tpu.memory_space<vmem>>) dst(%dma_wait3A_180 : memref<64x128xf32, #tpu.memory_space<hbm>>)
    %dma_wait3A_181 = arith.constant 64 : i32
    %dma_wait3A_182 = arith.constant 0 : i32
    %dma_wait3A_183 = tpu.memref_slice %arg3[%add3A, %dma_wait3A_181, %dma_wait3A_182] : memref<32x160x128xi32, #tpu.memory_space<hbm>> -> memref<1x32x128xi32, #tpu.memory_space<hbm>>
    %dma_wait3A_184 = tpu.memref_squeeze %dma_wait3A_183 : memref<1x32x128xi32, #tpu.memory_space<hbm>> -> memref<32x128xi32, #tpu.memory_space<hbm>>
    %dma_wait3A_185 = arith.constant 64 : i32
    %dma_wait3A_186 = arith.constant 0 : i32
    %dma_wait3A_187 = tpu.memref_slice %arg3[%add3A, %dma_wait3A_185, %dma_wait3A_186] : memref<32x160x128xi32, #tpu.memory_space<hbm>> -> memref<1x32x128xi32, #tpu.memory_space<hbm>>
    %dma_wait3A_188 = tpu.memref_squeeze %dma_wait3A_187 : memref<1x32x128xi32, #tpu.memory_space<hbm>> -> memref<32x128xi32, #tpu.memory_space<hbm>>
    tpu.wait_dma2 semaphore(%arg14 : memref<!tpu.dma_semaphore, #tpu.memory_space<semaphore_mem>>) src(%dma_wait3A_188 : memref<32x128xi32, #tpu.memory_space<hbm>>) dst(%arg5 : memref<32x128xi32, #tpu.memory_space<vmem>>)
    %dma_start3A_189 = arith.constant 0 : i32
    %dma_start3A_190 = arith.constant 0 : i32
    %dma_start3A_191 = tpu.memref_slice %arg5[%dma_start3A_189, %dma_start3A_190] : memref<32x128xi32, #tpu.memory_space<vmem>> -> memref<1x64xi32, #tpu.memory_space<vmem>>
    %dma_start3A_192 = tpu.memref_squeeze %dma_start3A_191 : memref<1x64xi32, #tpu.memory_space<vmem>> -> memref<64xi32, #tpu.memory_space<vmem>>
    %dma_start3A_193 = arith.constant 0 : i32
    %dma_start3A_194 = arith.constant 0 : i32
    %dma_start3A_195 = tpu.memref_slice %arg9[%dma_start3A_193, %dma_start3A_194] : memref<12288x128xf32, #tpu.memory_space<vmem_shared>> -> memref<12288x128xf32, #tpu.memory_space<vmem_shared>>
    tpu.enqueue_indirect_dma source(%dma_start3A_195 : memref<12288x128xf32, #tpu.memory_space<vmem_shared>>) target(%arg7 : memref<64x128xf32, #tpu.memory_space<vmem>>) offsets(%dma_start3A_192 : memref<64xi32, #tpu.memory_space<vmem>>) semaphore(%arg10 : memref<!tpu.dma_semaphore, #tpu.memory_space<semaphore_mem>>)
    %mul3A_196 = arith.constant 1024 : i32
    %mul3A_197 = arith.muli %add3A, %mul3A_196 : i32
    %add3A_198 = arith.constant 229376 : i32
    %add3A_199 = arith.addi %add3A_198, %mul3A_197 : i32
    %add3A_200 = arith.constant 960 : i32
    %add3A_201 = arith.addi %add3A_199, %add3A_200 : i32
    %multiple_of3A_202 = tpu.assume_multiple %add3A_201, 64 : i32
    %dma_wait3A_203 = arith.constant 0 : i32
    %dma_wait3A_204 = tpu.memref_slice %arg4[%multiple_of3A_202, %dma_wait3A_203] : memref<655360x128xf32, #tpu.memory_space<hbm>> -> memref<64x128xf32, #tpu.memory_space<hbm>>
    %dma_wait3A_205 = arith.constant 0 : i32
    %dma_wait3A_206 = tpu.memref_slice %arg4[%multiple_of3A_202, %dma_wait3A_205] : memref<655360x128xf32, #tpu.memory_space<hbm>> -> memref<64x128xf32, #tpu.memory_space<hbm>>
    tpu.wait_dma2 semaphore(%arg13 : memref<!tpu.dma_semaphore, #tpu.memory_space<semaphore_mem>>) src(%arg8 : memref<64x128xf32, #tpu.memory_space<vmem>>) dst(%dma_wait3A_206 : memref<64x128xf32, #tpu.memory_space<hbm>>)
    %dma_start3A_207 = arith.constant 0 : i32
    %dma_start3A_208 = arith.constant 64 : i32
    %dma_start3A_209 = tpu.memref_slice %arg5[%dma_start3A_207, %dma_start3A_208] : memref<32x128xi32, #tpu.memory_space<vmem>> -> memref<1x64xi32, #tpu.memory_space<vmem>>
    %dma_start3A_210 = tpu.memref_squeeze %dma_start3A_209 : memref<1x64xi32, #tpu.memory_space<vmem>> -> memref<64xi32, #tpu.memory_space<vmem>>
    %dma_start3A_211 = arith.constant 0 : i32
    %dma_start3A_212 = arith.constant 0 : i32
    %dma_start3A_213 = tpu.memref_slice %arg9[%dma_start3A_211, %dma_start3A_212] : memref<12288x128xf32, #tpu.memory_space<vmem_shared>> -> memref<12288x128xf32, #tpu.memory_space<vmem_shared>>
    tpu.enqueue_indirect_dma source(%dma_start3A_213 : memref<12288x128xf32, #tpu.memory_space<vmem_shared>>) target(%arg8 : memref<64x128xf32, #tpu.memory_space<vmem>>) offsets(%dma_start3A_210 : memref<64xi32, #tpu.memory_space<vmem>>) semaphore(%arg11 : memref<!tpu.dma_semaphore, #tpu.memory_space<semaphore_mem>>)
    %dma_start3A_214 = arith.constant 96 : i32
    %dma_start3A_215 = arith.constant 0 : i32
    %dma_start3A_216 = tpu.memref_slice %arg3[%add3A, %dma_start3A_214, %dma_start3A_215] : memref<32x160x128xi32, #tpu.memory_space<hbm>> -> memref<1x32x128xi32, #tpu.memory_space<hbm>>
    %dma_start3A_217 = tpu.memref_squeeze %dma_start3A_216 : memref<1x32x128xi32, #tpu.memory_space<hbm>> -> memref<32x128xi32, #tpu.memory_space<hbm>>
    %dma_start3A_218 = arith.constant 96 : i32
    %dma_start3A_219 = arith.constant 0 : i32
    %dma_start3A_220 = tpu.memref_slice %arg3[%add3A, %dma_start3A_218, %dma_start3A_219] : memref<32x160x128xi32, #tpu.memory_space<hbm>> -> memref<1x32x128xi32, #tpu.memory_space<hbm>>
    %dma_start3A_221 = tpu.memref_squeeze %dma_start3A_220 : memref<1x32x128xi32, #tpu.memory_space<hbm>> -> memref<32x128xi32, #tpu.memory_space<hbm>>
    tpu.enqueue_dma source(%dma_start3A_221 : memref<32x128xi32, #tpu.memory_space<hbm>>) target(%arg6 : memref<32x128xi32, #tpu.memory_space<vmem>>) target_semaphore(%arg14 : memref<!tpu.dma_semaphore, #tpu.memory_space<semaphore_mem>>)
    %scan3A_222 = arith.constant 0 : i32
    %scan3A_223 = arith.constant 0 : i32
    %scan3A_224 = arith.constant 31 : i32
    %scan3A_225 = arith.addi %scan3A_223, %scan3A_224 : i32
    %scan3A_226 = arith.constant 1 : i32
    scf.for %scan3A_466 = %scan3A_223 to %scan3A_225 step %scan3A_226  : i32 {
      %mul3A_467 = arith.constant 2 : i32
      %mul3A_468 = arith.muli %mul3A_467, %scan3A_466 : i32
      %add3A_469 = arith.constant 128 : i32
      %add3A_470 = arith.addi %add3A_469, %mul3A_468 : i32
      %jit3A = arith.constant 64 : i32
      %eq3A = arith.constant 0 : i32
      %eq3A_471 = arith.cmpi eq, %jit3A, %eq3A : i32
      %jit3A_472 = arith.constant 1 : i32
      %select_n3A = arith.select %eq3A_471, %jit3A_472, %jit3A : i32
      %rem3A = arith.remsi %add3A_470, %select_n3A : i32
      %ne3A = arith.constant 0 : i32
      %ne3A_473 = arith.cmpi ne, %rem3A, %ne3A : i32
      %lt3A = arith.constant 0 : i32
      %lt3A_474 = arith.cmpi slt, %rem3A, %lt3A : i32
      %lt3A_475 = arith.constant 0 : i32
      %lt3A_476 = arith.cmpi slt, %select_n3A, %lt3A_475 : i32
      %ne3A_477 = arith.xori %lt3A_474, %lt3A_476 : i1
      %and3A = arith.andi %ne3A_477, %ne3A_473 : i1
      %add3A_478 = arith.addi %rem3A, %select_n3A : i32
      %select_n3A_479 = arith.select %and3A, %add3A_478, %rem3A : i32
      %jit3A_480 = arith.constant 2 : i32
      %div3A = arith.divsi %select_n3A_479, %jit3A_480 : i32
      %sign3A = arith.constant 0 : i32
      %sign3A_481 = arith.cmpi sgt, %select_n3A_479, %sign3A : i32
      %sign3A_482 = arith.extui %sign3A_481 : i1 to i32
      %sign3A_483 = arith.constant 0 : i32
      %sign3A_484 = arith.cmpi slt, %select_n3A_479, %sign3A_483 : i32
      %sign3A_485 = arith.extui %sign3A_484 : i1 to i32
      %sign3A_486 = arith.subi %sign3A_482, %sign3A_485 : i32
      %sign3A_487 = arith.constant 0 : i32
      %sign3A_488 = arith.cmpi sgt, %jit3A_480, %sign3A_487 : i32
      %sign3A_489 = arith.extui %sign3A_488 : i1 to i32
      %sign3A_490 = arith.constant 0 : i32
      %sign3A_491 = arith.cmpi slt, %jit3A_480, %sign3A_490 : i32
      %sign3A_492 = arith.extui %sign3A_491 : i1 to i32
      %sign3A_493 = arith.subi %sign3A_489, %sign3A_492 : i32
      %ne3A_494 = arith.cmpi ne, %sign3A_486, %sign3A_493 : i32
      %rem3A_495 = arith.remsi %select_n3A_479, %jit3A_480 : i32
      %ne3A_496 = arith.constant 0 : i32
      %ne3A_497 = arith.cmpi ne, %rem3A_495, %ne3A_496 : i32
      %and3A_498 = arith.andi %ne3A_494, %ne3A_497 : i1
      %sub3A = arith.constant 1 : i32
      %sub3A_499 = arith.subi %div3A, %sub3A : i32
      %select_n3A_500 = arith.select %and3A_498, %sub3A_499, %div3A : i32
      %jit3A_501 = arith.constant 2 : i32
      %eq3A_502 = arith.constant 0 : i32
      %eq3A_503 = arith.cmpi eq, %jit3A_501, %eq3A_502 : i32
      %jit3A_504 = arith.constant 1 : i32
      %select_n3A_505 = arith.select %eq3A_503, %jit3A_504, %jit3A_501 : i32
      %rem3A_506 = arith.remsi %select_n3A_479, %select_n3A_505 : i32
      %ne3A_507 = arith.constant 0 : i32
      %ne3A_508 = arith.cmpi ne, %rem3A_506, %ne3A_507 : i32
      %lt3A_509 = arith.constant 0 : i32
      %lt3A_510 = arith.cmpi slt, %rem3A_506, %lt3A_509 : i32
      %lt3A_511 = arith.constant 0 : i32
      %lt3A_512 = arith.cmpi slt, %select_n3A_505, %lt3A_511 : i32
      %ne3A_513 = arith.xori %lt3A_510, %lt3A_512 : i1
      %and3A_514 = arith.andi %ne3A_513, %ne3A_508 : i1
      %add3A_515 = arith.addi %rem3A_506, %select_n3A_505 : i32
      %select_n3A_516 = arith.select %and3A_514, %add3A_515, %rem3A_506 : i32
      %mul3A_517 = arith.constant 64 : i32
      %mul3A_518 = arith.muli %select_n3A_516, %mul3A_517 : i32
      %dma_wait3A_519 = tpu.memref_slice %arg5[%select_n3A_500, %mul3A_518] : memref<32x128xi32, #tpu.memory_space<vmem>> -> memref<1x64xi32, #tpu.memory_space<vmem>>
      %dma_wait3A_520 = tpu.memref_squeeze %dma_wait3A_519 : memref<1x64xi32, #tpu.memory_space<vmem>> -> memref<64xi32, #tpu.memory_space<vmem>>
      %dma_wait3A_521 = arith.constant 0 : i32
      %dma_wait3A_522 = arith.constant 0 : i32
      %dma_wait3A_523 = tpu.memref_slice %arg9[%dma_wait3A_521, %dma_wait3A_522] : memref<12288x128xf32, #tpu.memory_space<vmem_shared>> -> memref<12288x128xf32, #tpu.memory_space<vmem_shared>>
      tpu.wait_indirect_dma semaphore(%arg10 : memref<!tpu.dma_semaphore, #tpu.memory_space<semaphore_mem>>) src(%dma_wait3A_523 : memref<12288x128xf32, #tpu.memory_space<vmem_shared>>) dst(%arg7 : memref<64x128xf32, #tpu.memory_space<vmem>>)
      %jit3A_524 = arith.constant 16 : i32
      %div3A_525 = arith.divsi %add3A_470, %jit3A_524 : i32
      %sign3A_526 = arith.constant 0 : i32
      %sign3A_527 = arith.cmpi sgt, %add3A_470, %sign3A_526 : i32
      %sign3A_528 = arith.extui %sign3A_527 : i1 to i32
      %sign3A_529 = arith.constant 0 : i32
      %sign3A_530 = arith.cmpi slt, %add3A_470, %sign3A_529 : i32
      %sign3A_531 = arith.extui %sign3A_530 : i1 to i32
      %sign3A_532 = arith.subi %sign3A_528, %sign3A_531 : i32
      %sign3A_533 = arith.constant 0 : i32
      %sign3A_534 = arith.cmpi sgt, %jit3A_524, %sign3A_533 : i32
      %sign3A_535 = arith.extui %sign3A_534 : i1 to i32
      %sign3A_536 = arith.constant 0 : i32
      %sign3A_537 = arith.cmpi slt, %jit3A_524, %sign3A_536 : i32
      %sign3A_538 = arith.extui %sign3A_537 : i1 to i32
      %sign3A_539 = arith.subi %sign3A_535, %sign3A_538 : i32
      %ne3A_540 = arith.cmpi ne, %sign3A_532, %sign3A_539 : i32
      %rem3A_541 = arith.remsi %add3A_470, %jit3A_524 : i32
      %ne3A_542 = arith.constant 0 : i32
      %ne3A_543 = arith.cmpi ne, %rem3A_541, %ne3A_542 : i32
      %and3A_544 = arith.andi %ne3A_540, %ne3A_543 : i1
      %sub3A_545 = arith.constant 1 : i32
      %sub3A_546 = arith.subi %div3A_525, %sub3A_545 : i32
      %select_n3A_547 = arith.select %and3A_544, %sub3A_546, %div3A_525 : i32
      %mul3A_548 = arith.constant 32768 : i32
      %mul3A_549 = arith.muli %select_n3A_547, %mul3A_548 : i32
      %mul3A_550 = arith.constant 1024 : i32
      %mul3A_551 = arith.muli %add3A, %mul3A_550 : i32
      %add3A_552 = arith.addi %mul3A_549, %mul3A_551 : i32
      %jit3A_553 = arith.constant 16 : i32
      %eq3A_554 = arith.constant 0 : i32
      %eq3A_555 = arith.cmpi eq, %jit3A_553, %eq3A_554 : i32
      %jit3A_556 = arith.constant 1 : i32
      %select_n3A_557 = arith.select %eq3A_555, %jit3A_556, %jit3A_553 : i32
      %rem3A_558 = arith.remsi %add3A_470, %select_n3A_557 : i32
      %ne3A_559 = arith.constant 0 : i32
      %ne3A_560 = arith.cmpi ne, %rem3A_558, %ne3A_559 : i32
      %lt3A_561 = arith.constant 0 : i32
      %lt3A_562 = arith.cmpi slt, %rem3A_558, %lt3A_561 : i32
      %lt3A_563 = arith.constant 0 : i32
      %lt3A_564 = arith.cmpi slt, %select_n3A_557, %lt3A_563 : i32
      %ne3A_565 = arith.xori %lt3A_562, %lt3A_564 : i1
      %and3A_566 = arith.andi %ne3A_565, %ne3A_560 : i1
      %add3A_567 = arith.addi %rem3A_558, %select_n3A_557 : i32
      %select_n3A_568 = arith.select %and3A_566, %add3A_567, %rem3A_558 : i32
      %mul3A_569 = arith.constant 64 : i32
      %mul3A_570 = arith.muli %select_n3A_568, %mul3A_569 : i32
      %add3A_571 = arith.addi %add3A_552, %mul3A_570 : i32
      %multiple_of3A_572 = tpu.assume_multiple %add3A_571, 64 : i32
      %dma_start3A_573 = arith.constant 0 : i32
      %dma_start3A_574 = tpu.memref_slice %arg4[%multiple_of3A_572, %dma_start3A_573] : memref<655360x128xf32, #tpu.memory_space<hbm>> -> memref<64x128xf32, #tpu.memory_space<hbm>>
      %dma_start3A_575 = arith.constant 0 : i32
      %dma_start3A_576 = tpu.memref_slice %arg4[%multiple_of3A_572, %dma_start3A_575] : memref<655360x128xf32, #tpu.memory_space<hbm>> -> memref<64x128xf32, #tpu.memory_space<hbm>>
      tpu.enqueue_dma source(%arg7 : memref<64x128xf32, #tpu.memory_space<vmem>>) target(%dma_start3A_576 : memref<64x128xf32, #tpu.memory_space<hbm>>) target_semaphore(%arg12 : memref<!tpu.dma_semaphore, #tpu.memory_space<semaphore_mem>>)
      %add3A_577 = arith.constant 1 : i32
      %add3A_578 = arith.addi %add3A_470, %add3A_577 : i32
      %jit3A_579 = arith.constant 64 : i32
      %eq3A_580 = arith.constant 0 : i32
      %eq3A_581 = arith.cmpi eq, %jit3A_579, %eq3A_580 : i32
      %jit3A_582 = arith.constant 1 : i32
      %select_n3A_583 = arith.select %eq3A_581, %jit3A_582, %jit3A_579 : i32
      %rem3A_584 = arith.remsi %add3A_578, %select_n3A_583 : i32
      %ne3A_585 = arith.constant 0 : i32
      %ne3A_586 = arith.cmpi ne, %rem3A_584, %ne3A_585 : i32
      %lt3A_587 = arith.constant 0 : i32
      %lt3A_588 = arith.cmpi slt, %rem3A_584, %lt3A_587 : i32
      %lt3A_589 = arith.constant 0 : i32
      %lt3A_590 = arith.cmpi slt, %select_n3A_583, %lt3A_589 : i32
      %ne3A_591 = arith.xori %lt3A_588, %lt3A_590 : i1
      %and3A_592 = arith.andi %ne3A_591, %ne3A_586 : i1
      %add3A_593 = arith.addi %rem3A_584, %select_n3A_583 : i32
      %select_n3A_594 = arith.select %and3A_592, %add3A_593, %rem3A_584 : i32
      %jit3A_595 = arith.constant 2 : i32
      %div3A_596 = arith.divsi %select_n3A_594, %jit3A_595 : i32
      %sign3A_597 = arith.constant 0 : i32
      %sign3A_598 = arith.cmpi sgt, %select_n3A_594, %sign3A_597 : i32
      %sign3A_599 = arith.extui %sign3A_598 : i1 to i32
      %sign3A_600 = arith.constant 0 : i32
      %sign3A_601 = arith.cmpi slt, %select_n3A_594, %sign3A_600 : i32
      %sign3A_602 = arith.extui %sign3A_601 : i1 to i32
      %sign3A_603 = arith.subi %sign3A_599, %sign3A_602 : i32
      %sign3A_604 = arith.constant 0 : i32
      %sign3A_605 = arith.cmpi sgt, %jit3A_595, %sign3A_604 : i32
      %sign3A_606 = arith.extui %sign3A_605 : i1 to i32
      %sign3A_607 = arith.constant 0 : i32
      %sign3A_608 = arith.cmpi slt, %jit3A_595, %sign3A_607 : i32
      %sign3A_609 = arith.extui %sign3A_608 : i1 to i32
      %sign3A_610 = arith.subi %sign3A_606, %sign3A_609 : i32
      %ne3A_611 = arith.cmpi ne, %sign3A_603, %sign3A_610 : i32
      %rem3A_612 = arith.remsi %select_n3A_594, %jit3A_595 : i32
      %ne3A_613 = arith.constant 0 : i32
      %ne3A_614 = arith.cmpi ne, %rem3A_612, %ne3A_613 : i32
      %and3A_615 = arith.andi %ne3A_611, %ne3A_614 : i1
      %sub3A_616 = arith.constant 1 : i32
      %sub3A_617 = arith.subi %div3A_596, %sub3A_616 : i32
      %select_n3A_618 = arith.select %and3A_615, %sub3A_617, %div3A_596 : i32
      %jit3A_619 = arith.constant 2 : i32
      %eq3A_620 = arith.constant 0 : i32
      %eq3A_621 = arith.cmpi eq, %jit3A_619, %eq3A_620 : i32
      %jit3A_622 = arith.constant 1 : i32
      %select_n3A_623 = arith.select %eq3A_621, %jit3A_622, %jit3A_619 : i32
      %rem3A_624 = arith.remsi %select_n3A_594, %select_n3A_623 : i32
      %ne3A_625 = arith.constant 0 : i32
      %ne3A_626 = arith.cmpi ne, %rem3A_624, %ne3A_625 : i32
      %lt3A_627 = arith.constant 0 : i32
      %lt3A_628 = arith.cmpi slt, %rem3A_624, %lt3A_627 : i32
      %lt3A_629 = arith.constant 0 : i32
      %lt3A_630 = arith.cmpi slt, %select_n3A_623, %lt3A_629 : i32
      %ne3A_631 = arith.xori %lt3A_628, %lt3A_630 : i1
      %and3A_632 = arith.andi %ne3A_631, %ne3A_626 : i1
      %add3A_633 = arith.addi %rem3A_624, %select_n3A_623 : i32
      %select_n3A_634 = arith.select %and3A_632, %add3A_633, %rem3A_624 : i32
      %mul3A_635 = arith.constant 64 : i32
      %mul3A_636 = arith.muli %select_n3A_634, %mul3A_635 : i32
      %dma_wait3A_637 = tpu.memref_slice %arg5[%select_n3A_618, %mul3A_636] : memref<32x128xi32, #tpu.memory_space<vmem>> -> memref<1x64xi32, #tpu.memory_space<vmem>>
      %dma_wait3A_638 = tpu.memref_squeeze %dma_wait3A_637 : memref<1x64xi32, #tpu.memory_space<vmem>> -> memref<64xi32, #tpu.memory_space<vmem>>
      %dma_wait3A_639 = arith.constant 0 : i32
      %dma_wait3A_640 = arith.constant 0 : i32
      %dma_wait3A_641 = tpu.memref_slice %arg9[%dma_wait3A_639, %dma_wait3A_640] : memref<12288x128xf32, #tpu.memory_space<vmem_shared>> -> memref<12288x128xf32, #tpu.memory_space<vmem_shared>>
      tpu.wait_indirect_dma semaphore(%arg11 : memref<!tpu.dma_semaphore, #tpu.memory_space<semaphore_mem>>) src(%dma_wait3A_641 : memref<12288x128xf32, #tpu.memory_space<vmem_shared>>) dst(%arg8 : memref<64x128xf32, #tpu.memory_space<vmem>>)
      %add3A_642 = arith.constant 1 : i32
      %add3A_643 = arith.addi %add3A_470, %add3A_642 : i32
      %jit3A_644 = arith.constant 16 : i32
      %div3A_645 = arith.divsi %add3A_643, %jit3A_644 : i32
      %sign3A_646 = arith.constant 0 : i32
      %sign3A_647 = arith.cmpi sgt, %add3A_643, %sign3A_646 : i32
      %sign3A_648 = arith.extui %sign3A_647 : i1 to i32
      %sign3A_649 = arith.constant 0 : i32
      %sign3A_650 = arith.cmpi slt, %add3A_643, %sign3A_649 : i32
      %sign3A_651 = arith.extui %sign3A_650 : i1 to i32
      %sign3A_652 = arith.subi %sign3A_648, %sign3A_651 : i32
      %sign3A_653 = arith.constant 0 : i32
      %sign3A_654 = arith.cmpi sgt, %jit3A_644, %sign3A_653 : i32
      %sign3A_655 = arith.extui %sign3A_654 : i1 to i32
      %sign3A_656 = arith.constant 0 : i32
      %sign3A_657 = arith.cmpi slt, %jit3A_644, %sign3A_656 : i32
      %sign3A_658 = arith.extui %sign3A_657 : i1 to i32
      %sign3A_659 = arith.subi %sign3A_655, %sign3A_658 : i32
      %ne3A_660 = arith.cmpi ne, %sign3A_652, %sign3A_659 : i32
      %rem3A_661 = arith.remsi %add3A_643, %jit3A_644 : i32
      %ne3A_662 = arith.constant 0 : i32
      %ne3A_663 = arith.cmpi ne, %rem3A_661, %ne3A_662 : i32
      %and3A_664 = arith.andi %ne3A_660, %ne3A_663 : i1
      %sub3A_665 = arith.constant 1 : i32
      %sub3A_666 = arith.subi %div3A_645, %sub3A_665 : i32
      %select_n3A_667 = arith.select %and3A_664, %sub3A_666, %div3A_645 : i32
      %mul3A_668 = arith.constant 32768 : i32
      %mul3A_669 = arith.muli %select_n3A_667, %mul3A_668 : i32
      %mul3A_670 = arith.constant 1024 : i32
      %mul3A_671 = arith.muli %add3A, %mul3A_670 : i32
      %add3A_672 = arith.addi %mul3A_669, %mul3A_671 : i32
      %jit3A_673 = arith.constant 16 : i32
      %eq3A_674 = arith.constant 0 : i32
      %eq3A_675 = arith.cmpi eq, %jit3A_673, %eq3A_674 : i32
      %jit3A_676 = arith.constant 1 : i32
      %select_n3A_677 = arith.select %eq3A_675, %jit3A_676, %jit3A_673 : i32
      %rem3A_678 = arith.remsi %add3A_643, %select_n3A_677 : i32
      %ne3A_679 = arith.constant 0 : i32
      %ne3A_680 = arith.cmpi ne, %rem3A_678, %ne3A_679 : i32
      %lt3A_681 = arith.constant 0 : i32
      %lt3A_682 = arith.cmpi slt, %rem3A_678, %lt3A_681 : i32
      %lt3A_683 = arith.constant 0 : i32
      %lt3A_684 = arith.cmpi slt, %select_n3A_677, %lt3A_683 : i32
      %ne3A_685 = arith.xori %lt3A_682, %lt3A_684 : i1
      %and3A_686 = arith.andi %ne3A_685, %ne3A_680 : i1
      %add3A_687 = arith.addi %rem3A_678, %select_n3A_677 : i32
      %select_n3A_688 = arith.select %and3A_686, %add3A_687, %rem3A_678 : i32
      %mul3A_689 = arith.constant 64 : i32
      %mul3A_690 = arith.muli %select_n3A_688, %mul3A_689 : i32
      %add3A_691 = arith.addi %add3A_672, %mul3A_690 : i32
      %multiple_of3A_692 = tpu.assume_multiple %add3A_691, 64 : i32
      %dma_start3A_693 = arith.constant 0 : i32
      %dma_start3A_694 = tpu.memref_slice %arg4[%multiple_of3A_692, %dma_start3A_693] : memref<655360x128xf32, #tpu.memory_space<hbm>> -> memref<64x128xf32, #tpu.memory_space<hbm>>
      %dma_start3A_695 = arith.constant 0 : i32
      %dma_start3A_696 = tpu.memref_slice %arg4[%multiple_of3A_692, %dma_start3A_695] : memref<655360x128xf32, #tpu.memory_space<hbm>> -> memref<64x128xf32, #tpu.memory_space<hbm>>
      tpu.enqueue_dma source(%arg8 : memref<64x128xf32, #tpu.memory_space<vmem>>) target(%dma_start3A_696 : memref<64x128xf32, #tpu.memory_space<hbm>>) target_semaphore(%arg13 : memref<!tpu.dma_semaphore, #tpu.memory_space<semaphore_mem>>)
      %jit3A_697 = arith.constant 16 : i32
      %div3A_698 = arith.divsi %add3A_470, %jit3A_697 : i32
      %sign3A_699 = arith.constant 0 : i32
      %sign3A_700 = arith.cmpi sgt, %add3A_470, %sign3A_699 : i32
      %sign3A_701 = arith.extui %sign3A_700 : i1 to i32
      %sign3A_702 = arith.constant 0 : i32
      %sign3A_703 = arith.cmpi slt, %add3A_470, %sign3A_702 : i32
      %sign3A_704 = arith.extui %sign3A_703 : i1 to i32
      %sign3A_705 = arith.subi %sign3A_701, %sign3A_704 : i32
      %sign3A_706 = arith.constant 0 : i32
      %sign3A_707 = arith.cmpi sgt, %jit3A_697, %sign3A_706 : i32
      %sign3A_708 = arith.extui %sign3A_707 : i1 to i32
      %sign3A_709 = arith.constant 0 : i32
      %sign3A_710 = arith.cmpi slt, %jit3A_697, %sign3A_709 : i32
      %sign3A_711 = arith.extui %sign3A_710 : i1 to i32
      %sign3A_712 = arith.subi %sign3A_708, %sign3A_711 : i32
      %ne3A_713 = arith.cmpi ne, %sign3A_705, %sign3A_712 : i32
      %rem3A_714 = arith.remsi %add3A_470, %jit3A_697 : i32
      %ne3A_715 = arith.constant 0 : i32
      %ne3A_716 = arith.cmpi ne, %rem3A_714, %ne3A_715 : i32
      %and3A_717 = arith.andi %ne3A_713, %ne3A_716 : i1
      %sub3A_718 = arith.constant 1 : i32
      %sub3A_719 = arith.subi %div3A_698, %sub3A_718 : i32
      %select_n3A_720 = arith.select %and3A_717, %sub3A_719, %div3A_698 : i32
      %mul3A_721 = arith.constant 32768 : i32
      %mul3A_722 = arith.muli %select_n3A_720, %mul3A_721 : i32
      %mul3A_723 = arith.constant 1024 : i32
      %mul3A_724 = arith.muli %add3A, %mul3A_723 : i32
      %add3A_725 = arith.addi %mul3A_722, %mul3A_724 : i32
      %jit3A_726 = arith.constant 16 : i32
      %eq3A_727 = arith.constant 0 : i32
      %eq3A_728 = arith.cmpi eq, %jit3A_726, %eq3A_727 : i32
      %jit3A_729 = arith.constant 1 : i32
      %select_n3A_730 = arith.select %eq3A_728, %jit3A_729, %jit3A_726 : i32
      %rem3A_731 = arith.remsi %add3A_470, %select_n3A_730 : i32
      %ne3A_732 = arith.constant 0 : i32
      %ne3A_733 = arith.cmpi ne, %rem3A_731, %ne3A_732 : i32
      %lt3A_734 = arith.constant 0 : i32
      %lt3A_735 = arith.cmpi slt, %rem3A_731, %lt3A_734 : i32
      %lt3A_736 = arith.constant 0 : i32
      %lt3A_737 = arith.cmpi slt, %select_n3A_730, %lt3A_736 : i32
      %ne3A_738 = arith.xori %lt3A_735, %lt3A_737 : i1
      %and3A_739 = arith.andi %ne3A_738, %ne3A_733 : i1
      %add3A_740 = arith.addi %rem3A_731, %select_n3A_730 : i32
      %select_n3A_741 = arith.select %and3A_739, %add3A_740, %rem3A_731 : i32
      %mul3A_742 = arith.constant 64 : i32
      %mul3A_743 = arith.muli %select_n3A_741, %mul3A_742 : i32
      %add3A_744 = arith.addi %add3A_725, %mul3A_743 : i32
      %multiple_of3A_745 = tpu.assume_multiple %add3A_744, 64 : i32
      %dma_wait3A_746 = arith.constant 0 : i32
      %dma_wait3A_747 = tpu.memref_slice %arg4[%multiple_of3A_745, %dma_wait3A_746] : memref<655360x128xf32, #tpu.memory_space<hbm>> -> memref<64x128xf32, #tpu.memory_space<hbm>>
      %dma_wait3A_748 = arith.constant 0 : i32
      %dma_wait3A_749 = tpu.memref_slice %arg4[%multiple_of3A_745, %dma_wait3A_748] : memref<655360x128xf32, #tpu.memory_space<hbm>> -> memref<64x128xf32, #tpu.memory_space<hbm>>
      tpu.wait_dma2 semaphore(%arg12 : memref<!tpu.dma_semaphore, #tpu.memory_space<semaphore_mem>>) src(%arg7 : memref<64x128xf32, #tpu.memory_space<vmem>>) dst(%dma_wait3A_749 : memref<64x128xf32, #tpu.memory_space<hbm>>)
      %add3A_750 = arith.constant 2 : i32
      %add3A_751 = arith.addi %add3A_470, %add3A_750 : i32
      %jit3A_752 = arith.constant 64 : i32
      %eq3A_753 = arith.constant 0 : i32
      %eq3A_754 = arith.cmpi eq, %jit3A_752, %eq3A_753 : i32
      %jit3A_755 = arith.constant 1 : i32
      %select_n3A_756 = arith.select %eq3A_754, %jit3A_755, %jit3A_752 : i32
      %rem3A_757 = arith.remsi %add3A_751, %select_n3A_756 : i32
      %ne3A_758 = arith.constant 0 : i32
      %ne3A_759 = arith.cmpi ne, %rem3A_757, %ne3A_758 : i32
      %lt3A_760 = arith.constant 0 : i32
      %lt3A_761 = arith.cmpi slt, %rem3A_757, %lt3A_760 : i32
      %lt3A_762 = arith.constant 0 : i32
      %lt3A_763 = arith.cmpi slt, %select_n3A_756, %lt3A_762 : i32
      %ne3A_764 = arith.xori %lt3A_761, %lt3A_763 : i1
      %and3A_765 = arith.andi %ne3A_764, %ne3A_759 : i1
      %add3A_766 = arith.addi %rem3A_757, %select_n3A_756 : i32
      %select_n3A_767 = arith.select %and3A_765, %add3A_766, %rem3A_757 : i32
      %jit3A_768 = arith.constant 2 : i32
      %div3A_769 = arith.divsi %select_n3A_767, %jit3A_768 : i32
      %sign3A_770 = arith.constant 0 : i32
      %sign3A_771 = arith.cmpi sgt, %select_n3A_767, %sign3A_770 : i32
      %sign3A_772 = arith.extui %sign3A_771 : i1 to i32
      %sign3A_773 = arith.constant 0 : i32
      %sign3A_774 = arith.cmpi slt, %select_n3A_767, %sign3A_773 : i32
      %sign3A_775 = arith.extui %sign3A_774 : i1 to i32
      %sign3A_776 = arith.subi %sign3A_772, %sign3A_775 : i32
      %sign3A_777 = arith.constant 0 : i32
      %sign3A_778 = arith.cmpi sgt, %jit3A_768, %sign3A_777 : i32
      %sign3A_779 = arith.extui %sign3A_778 : i1 to i32
      %sign3A_780 = arith.constant 0 : i32
      %sign3A_781 = arith.cmpi slt, %jit3A_768, %sign3A_780 : i32
      %sign3A_782 = arith.extui %sign3A_781 : i1 to i32
      %sign3A_783 = arith.subi %sign3A_779, %sign3A_782 : i32
      %ne3A_784 = arith.cmpi ne, %sign3A_776, %sign3A_783 : i32
      %rem3A_785 = arith.remsi %select_n3A_767, %jit3A_768 : i32
      %ne3A_786 = arith.constant 0 : i32
      %ne3A_787 = arith.cmpi ne, %rem3A_785, %ne3A_786 : i32
      %and3A_788 = arith.andi %ne3A_784, %ne3A_787 : i1
      %sub3A_789 = arith.constant 1 : i32
      %sub3A_790 = arith.subi %div3A_769, %sub3A_789 : i32
      %select_n3A_791 = arith.select %and3A_788, %sub3A_790, %div3A_769 : i32
      %jit3A_792 = arith.constant 2 : i32
      %eq3A_793 = arith.constant 0 : i32
      %eq3A_794 = arith.cmpi eq, %jit3A_792, %eq3A_793 : i32
      %jit3A_795 = arith.constant 1 : i32
      %select_n3A_796 = arith.select %eq3A_794, %jit3A_795, %jit3A_792 : i32
      %rem3A_797 = arith.remsi %select_n3A_767, %select_n3A_796 : i32
      %ne3A_798 = arith.constant 0 : i32
      %ne3A_799 = arith.cmpi ne, %rem3A_797, %ne3A_798 : i32
      %lt3A_800 = arith.constant 0 : i32
      %lt3A_801 = arith.cmpi slt, %rem3A_797, %lt3A_800 : i32
      %lt3A_802 = arith.constant 0 : i32
      %lt3A_803 = arith.cmpi slt, %select_n3A_796, %lt3A_802 : i32
      %ne3A_804 = arith.xori %lt3A_801, %lt3A_803 : i1
      %and3A_805 = arith.andi %ne3A_804, %ne3A_799 : i1
      %add3A_806 = arith.addi %rem3A_797, %select_n3A_796 : i32
      %select_n3A_807 = arith.select %and3A_805, %add3A_806, %rem3A_797 : i32
      %mul3A_808 = arith.constant 64 : i32
      %mul3A_809 = arith.muli %select_n3A_807, %mul3A_808 : i32
      %dma_start3A_810 = tpu.memref_slice %arg5[%select_n3A_791, %mul3A_809] : memref<32x128xi32, #tpu.memory_space<vmem>> -> memref<1x64xi32, #tpu.memory_space<vmem>>
      %dma_start3A_811 = tpu.memref_squeeze %dma_start3A_810 : memref<1x64xi32, #tpu.memory_space<vmem>> -> memref<64xi32, #tpu.memory_space<vmem>>
      %dma_start3A_812 = arith.constant 0 : i32
      %dma_start3A_813 = arith.constant 0 : i32
      %dma_start3A_814 = tpu.memref_slice %arg9[%dma_start3A_812, %dma_start3A_813] : memref<12288x128xf32, #tpu.memory_space<vmem_shared>> -> memref<12288x128xf32, #tpu.memory_space<vmem_shared>>
      tpu.enqueue_indirect_dma source(%dma_start3A_814 : memref<12288x128xf32, #tpu.memory_space<vmem_shared>>) target(%arg7 : memref<64x128xf32, #tpu.memory_space<vmem>>) offsets(%dma_start3A_811 : memref<64xi32, #tpu.memory_space<vmem>>) semaphore(%arg10 : memref<!tpu.dma_semaphore, #tpu.memory_space<semaphore_mem>>)
      %add3A_815 = arith.constant 1 : i32
      %add3A_816 = arith.addi %add3A_470, %add3A_815 : i32
      %jit3A_817 = arith.constant 16 : i32
      %div3A_818 = arith.divsi %add3A_816, %jit3A_817 : i32
      %sign3A_819 = arith.constant 0 : i32
      %sign3A_820 = arith.cmpi sgt, %add3A_816, %sign3A_819 : i32
      %sign3A_821 = arith.extui %sign3A_820 : i1 to i32
      %sign3A_822 = arith.constant 0 : i32
      %sign3A_823 = arith.cmpi slt, %add3A_816, %sign3A_822 : i32
      %sign3A_824 = arith.extui %sign3A_823 : i1 to i32
      %sign3A_825 = arith.subi %sign3A_821, %sign3A_824 : i32
      %sign3A_826 = arith.constant 0 : i32
      %sign3A_827 = arith.cmpi sgt, %jit3A_817, %sign3A_826 : i32
      %sign3A_828 = arith.extui %sign3A_827 : i1 to i32
      %sign3A_829 = arith.constant 0 : i32
      %sign3A_830 = arith.cmpi slt, %jit3A_817, %sign3A_829 : i32
      %sign3A_831 = arith.extui %sign3A_830 : i1 to i32
      %sign3A_832 = arith.subi %sign3A_828, %sign3A_831 : i32
      %ne3A_833 = arith.cmpi ne, %sign3A_825, %sign3A_832 : i32
      %rem3A_834 = arith.remsi %add3A_816, %jit3A_817 : i32
      %ne3A_835 = arith.constant 0 : i32
      %ne3A_836 = arith.cmpi ne, %rem3A_834, %ne3A_835 : i32
      %and3A_837 = arith.andi %ne3A_833, %ne3A_836 : i1
      %sub3A_838 = arith.constant 1 : i32
      %sub3A_839 = arith.subi %div3A_818, %sub3A_838 : i32
      %select_n3A_840 = arith.select %and3A_837, %sub3A_839, %div3A_818 : i32
      %mul3A_841 = arith.constant 32768 : i32
      %mul3A_842 = arith.muli %select_n3A_840, %mul3A_841 : i32
      %mul3A_843 = arith.constant 1024 : i32
      %mul3A_844 = arith.muli %add3A, %mul3A_843 : i32
      %add3A_845 = arith.addi %mul3A_842, %mul3A_844 : i32
      %jit3A_846 = arith.constant 16 : i32
      %eq3A_847 = arith.constant 0 : i32
      %eq3A_848 = arith.cmpi eq, %jit3A_846, %eq3A_847 : i32
      %jit3A_849 = arith.constant 1 : i32
      %select_n3A_850 = arith.select %eq3A_848, %jit3A_849, %jit3A_846 : i32
      %rem3A_851 = arith.remsi %add3A_816, %select_n3A_850 : i32
      %ne3A_852 = arith.constant 0 : i32
      %ne3A_853 = arith.cmpi ne, %rem3A_851, %ne3A_852 : i32
      %lt3A_854 = arith.constant 0 : i32
      %lt3A_855 = arith.cmpi slt, %rem3A_851, %lt3A_854 : i32
      %lt3A_856 = arith.constant 0 : i32
      %lt3A_857 = arith.cmpi slt, %select_n3A_850, %lt3A_856 : i32
      %ne3A_858 = arith.xori %lt3A_855, %lt3A_857 : i1
      %and3A_859 = arith.andi %ne3A_858, %ne3A_853 : i1
      %add3A_860 = arith.addi %rem3A_851, %select_n3A_850 : i32
      %select_n3A_861 = arith.select %and3A_859, %add3A_860, %rem3A_851 : i32
      %mul3A_862 = arith.constant 64 : i32
      %mul3A_863 = arith.muli %select_n3A_861, %mul3A_862 : i32
      %add3A_864 = arith.addi %add3A_845, %mul3A_863 : i32
      %multiple_of3A_865 = tpu.assume_multiple %add3A_864, 64 : i32
      %dma_wait3A_866 = arith.constant 0 : i32
      %dma_wait3A_867 = tpu.memref_slice %arg4[%multiple_of3A_865, %dma_wait3A_866] : memref<655360x128xf32, #tpu.memory_space<hbm>> -> memref<64x128xf32, #tpu.memory_space<hbm>>
      %dma_wait3A_868 = arith.constant 0 : i32
      %dma_wait3A_869 = tpu.memref_slice %arg4[%multiple_of3A_865, %dma_wait3A_868] : memref<655360x128xf32, #tpu.memory_space<hbm>> -> memref<64x128xf32, #tpu.memory_space<hbm>>
      tpu.wait_dma2 semaphore(%arg13 : memref<!tpu.dma_semaphore, #tpu.memory_space<semaphore_mem>>) src(%arg8 : memref<64x128xf32, #tpu.memory_space<vmem>>) dst(%dma_wait3A_869 : memref<64x128xf32, #tpu.memory_space<hbm>>)
      %add3A_870 = arith.constant 3 : i32
      %add3A_871 = arith.addi %add3A_470, %add3A_870 : i32
      %jit3A_872 = arith.constant 64 : i32
      %eq3A_873 = arith.constant 0 : i32
      %eq3A_874 = arith.cmpi eq, %jit3A_872, %eq3A_873 : i32
      %jit3A_875 = arith.constant 1 : i32
      %select_n3A_876 = arith.select %eq3A_874, %jit3A_875, %jit3A_872 : i32
      %rem3A_877 = arith.remsi %add3A_871, %select_n3A_876 : i32
      %ne3A_878 = arith.constant 0 : i32
      %ne3A_879 = arith.cmpi ne, %rem3A_877, %ne3A_878 : i32
      %lt3A_880 = arith.constant 0 : i32
      %lt3A_881 = arith.cmpi slt, %rem3A_877, %lt3A_880 : i32
      %lt3A_882 = arith.constant 0 : i32
      %lt3A_883 = arith.cmpi slt, %select_n3A_876, %lt3A_882 : i32
      %ne3A_884 = arith.xori %lt3A_881, %lt3A_883 : i1
      %and3A_885 = arith.andi %ne3A_884, %ne3A_879 : i1
      %add3A_886 = arith.addi %rem3A_877, %select_n3A_876 : i32
      %select_n3A_887 = arith.select %and3A_885, %add3A_886, %rem3A_877 : i32
      %jit3A_888 = arith.constant 2 : i32
      %div3A_889 = arith.divsi %select_n3A_887, %jit3A_888 : i32
      %sign3A_890 = arith.constant 0 : i32
      %sign3A_891 = arith.cmpi sgt, %select_n3A_887, %sign3A_890 : i32
      %sign3A_892 = arith.extui %sign3A_891 : i1 to i32
      %sign3A_893 = arith.constant 0 : i32
      %sign3A_894 = arith.cmpi slt, %select_n3A_887, %sign3A_893 : i32
      %sign3A_895 = arith.extui %sign3A_894 : i1 to i32
      %sign3A_896 = arith.subi %sign3A_892, %sign3A_895 : i32
      %sign3A_897 = arith.constant 0 : i32
      %sign3A_898 = arith.cmpi sgt, %jit3A_888, %sign3A_897 : i32
      %sign3A_899 = arith.extui %sign3A_898 : i1 to i32
      %sign3A_900 = arith.constant 0 : i32
      %sign3A_901 = arith.cmpi slt, %jit3A_888, %sign3A_900 : i32
      %sign3A_902 = arith.extui %sign3A_901 : i1 to i32
      %sign3A_903 = arith.subi %sign3A_899, %sign3A_902 : i32
      %ne3A_904 = arith.cmpi ne, %sign3A_896, %sign3A_903 : i32
      %rem3A_905 = arith.remsi %select_n3A_887, %jit3A_888 : i32
      %ne3A_906 = arith.constant 0 : i32
      %ne3A_907 = arith.cmpi ne, %rem3A_905, %ne3A_906 : i32
      %and3A_908 = arith.andi %ne3A_904, %ne3A_907 : i1
      %sub3A_909 = arith.constant 1 : i32
      %sub3A_910 = arith.subi %div3A_889, %sub3A_909 : i32
      %select_n3A_911 = arith.select %and3A_908, %sub3A_910, %div3A_889 : i32
      %jit3A_912 = arith.constant 2 : i32
      %eq3A_913 = arith.constant 0 : i32
      %eq3A_914 = arith.cmpi eq, %jit3A_912, %eq3A_913 : i32
      %jit3A_915 = arith.constant 1 : i32
      %select_n3A_916 = arith.select %eq3A_914, %jit3A_915, %jit3A_912 : i32
      %rem3A_917 = arith.remsi %select_n3A_887, %select_n3A_916 : i32
      %ne3A_918 = arith.constant 0 : i32
      %ne3A_919 = arith.cmpi ne, %rem3A_917, %ne3A_918 : i32
      %lt3A_920 = arith.constant 0 : i32
      %lt3A_921 = arith.cmpi slt, %rem3A_917, %lt3A_920 : i32
      %lt3A_922 = arith.constant 0 : i32
      %lt3A_923 = arith.cmpi slt, %select_n3A_916, %lt3A_922 : i32
      %ne3A_924 = arith.xori %lt3A_921, %lt3A_923 : i1
      %and3A_925 = arith.andi %ne3A_924, %ne3A_919 : i1
      %add3A_926 = arith.addi %rem3A_917, %select_n3A_916 : i32
      %select_n3A_927 = arith.select %and3A_925, %add3A_926, %rem3A_917 : i32
      %mul3A_928 = arith.constant 64 : i32
      %mul3A_929 = arith.muli %select_n3A_927, %mul3A_928 : i32
      %dma_start3A_930 = tpu.memref_slice %arg5[%select_n3A_911, %mul3A_929] : memref<32x128xi32, #tpu.memory_space<vmem>> -> memref<1x64xi32, #tpu.memory_space<vmem>>
      %dma_start3A_931 = tpu.memref_squeeze %dma_start3A_930 : memref<1x64xi32, #tpu.memory_space<vmem>> -> memref<64xi32, #tpu.memory_space<vmem>>
      %dma_start3A_932 = arith.constant 0 : i32
      %dma_start3A_933 = arith.constant 0 : i32
      %dma_start3A_934 = tpu.memref_slice %arg9[%dma_start3A_932, %dma_start3A_933] : memref<12288x128xf32, #tpu.memory_space<vmem_shared>> -> memref<12288x128xf32, #tpu.memory_space<vmem_shared>>
      tpu.enqueue_indirect_dma source(%dma_start3A_934 : memref<12288x128xf32, #tpu.memory_space<vmem_shared>>) target(%arg8 : memref<64x128xf32, #tpu.memory_space<vmem>>) offsets(%dma_start3A_931 : memref<64xi32, #tpu.memory_space<vmem>>) semaphore(%arg11 : memref<!tpu.dma_semaphore, #tpu.memory_space<semaphore_mem>>)
    }
    %scan3A_227 = arith.constant 31 : i32
    %dma_wait3A_228 = arith.constant 31 : i32
    %dma_wait3A_229 = arith.constant 0 : i32
    %dma_wait3A_230 = tpu.memref_slice %arg5[%dma_wait3A_228, %dma_wait3A_229] : memref<32x128xi32, #tpu.memory_space<vmem>> -> memref<1x64xi32, #tpu.memory_space<vmem>>
    %dma_wait3A_231 = tpu.memref_squeeze %dma_wait3A_230 : memref<1x64xi32, #tpu.memory_space<vmem>> -> memref<64xi32, #tpu.memory_space<vmem>>
    %dma_wait3A_232 = arith.constant 0 : i32
    %dma_wait3A_233 = arith.constant 0 : i32
    %dma_wait3A_234 = tpu.memref_slice %arg9[%dma_wait3A_232, %dma_wait3A_233] : memref<12288x128xf32, #tpu.memory_space<vmem_shared>> -> memref<12288x128xf32, #tpu.memory_space<vmem_shared>>
    tpu.wait_indirect_dma semaphore(%arg10 : memref<!tpu.dma_semaphore, #tpu.memory_space<semaphore_mem>>) src(%dma_wait3A_234 : memref<12288x128xf32, #tpu.memory_space<vmem_shared>>) dst(%arg7 : memref<64x128xf32, #tpu.memory_space<vmem>>)
    %mul3A_235 = arith.constant 1024 : i32
    %mul3A_236 = arith.muli %add3A, %mul3A_235 : i32
    %add3A_237 = arith.constant 360448 : i32
    %add3A_238 = arith.addi %add3A_237, %mul3A_236 : i32
    %add3A_239 = arith.constant 896 : i32
    %add3A_240 = arith.addi %add3A_238, %add3A_239 : i32
    %multiple_of3A_241 = tpu.assume_multiple %add3A_240, 64 : i32
    %dma_start3A_242 = arith.constant 0 : i32
    %dma_start3A_243 = tpu.memref_slice %arg4[%multiple_of3A_241, %dma_start3A_242] : memref<655360x128xf32, #tpu.memory_space<hbm>> -> memref<64x128xf32, #tpu.memory_space<hbm>>
    %dma_start3A_244 = arith.constant 0 : i32
    %dma_start3A_245 = tpu.memref_slice %arg4[%multiple_of3A_241, %dma_start3A_244] : memref<655360x128xf32, #tpu.memory_space<hbm>> -> memref<64x128xf32, #tpu.memory_space<hbm>>
    tpu.enqueue_dma source(%arg7 : memref<64x128xf32, #tpu.memory_space<vmem>>) target(%dma_start3A_245 : memref<64x128xf32, #tpu.memory_space<hbm>>) target_semaphore(%arg12 : memref<!tpu.dma_semaphore, #tpu.memory_space<semaphore_mem>>)
    %dma_wait3A_246 = arith.constant 31 : i32
    %dma_wait3A_247 = arith.constant 64 : i32
    %dma_wait3A_248 = tpu.memref_slice %arg5[%dma_wait3A_246, %dma_wait3A_247] : memref<32x128xi32, #tpu.memory_space<vmem>> -> memref<1x64xi32, #tpu.memory_space<vmem>>
    %dma_wait3A_249 = tpu.memref_squeeze %dma_wait3A_248 : memref<1x64xi32, #tpu.memory_space<vmem>> -> memref<64xi32, #tpu.memory_space<vmem>>
    %dma_wait3A_250 = arith.constant 0 : i32
    %dma_wait3A_251 = arith.constant 0 : i32
    %dma_wait3A_252 = tpu.memref_slice %arg9[%dma_wait3A_250, %dma_wait3A_251] : memref<12288x128xf32, #tpu.memory_space<vmem_shared>> -> memref<12288x128xf32, #tpu.memory_space<vmem_shared>>
    tpu.wait_indirect_dma semaphore(%arg11 : memref<!tpu.dma_semaphore, #tpu.memory_space<semaphore_mem>>) src(%dma_wait3A_252 : memref<12288x128xf32, #tpu.memory_space<vmem_shared>>) dst(%arg8 : memref<64x128xf32, #tpu.memory_space<vmem>>)
    %mul3A_253 = arith.constant 1024 : i32
    %mul3A_254 = arith.muli %add3A, %mul3A_253 : i32
    %add3A_255 = arith.constant 360448 : i32
    %add3A_256 = arith.addi %add3A_255, %mul3A_254 : i32
    %add3A_257 = arith.constant 960 : i32
    %add3A_258 = arith.addi %add3A_256, %add3A_257 : i32
    %multiple_of3A_259 = tpu.assume_multiple %add3A_258, 64 : i32
    %dma_start3A_260 = arith.constant 0 : i32
    %dma_start3A_261 = tpu.memref_slice %arg4[%multiple_of3A_259, %dma_start3A_260] : memref<655360x128xf32, #tpu.memory_space<hbm>> -> memref<64x128xf32, #tpu.memory_space<hbm>>
    %dma_start3A_262 = arith.constant 0 : i32
    %dma_start3A_263 = tpu.memref_slice %arg4[%multiple_of3A_259, %dma_start3A_262] : memref<655360x128xf32, #tpu.memory_space<hbm>> -> memref<64x128xf32, #tpu.memory_space<hbm>>
    tpu.enqueue_dma source(%arg8 : memref<64x128xf32, #tpu.memory_space<vmem>>) target(%dma_start3A_263 : memref<64x128xf32, #tpu.memory_space<hbm>>) target_semaphore(%arg13 : memref<!tpu.dma_semaphore, #tpu.memory_space<semaphore_mem>>)
    %mul3A_264 = arith.constant 1024 : i32
    %mul3A_265 = arith.muli %add3A, %mul3A_264 : i32
    %add3A_266 = arith.constant 360448 : i32
    %add3A_267 = arith.addi %add3A_266, %mul3A_265 : i32
    %add3A_268 = arith.constant 896 : i32
    %add3A_269 = arith.addi %add3A_267, %add3A_268 : i32
    %multiple_of3A_270 = tpu.assume_multiple %add3A_269, 64 : i32
    %dma_wait3A_271 = arith.constant 0 : i32
    %dma_wait3A_272 = tpu.memref_slice %arg4[%multiple_of3A_270, %dma_wait3A_271] : memref<655360x128xf32, #tpu.memory_space<hbm>> -> memref<64x128xf32, #tpu.memory_space<hbm>>
    %dma_wait3A_273 = arith.constant 0 : i32
    %dma_wait3A_274 = tpu.memref_slice %arg4[%multiple_of3A_270, %dma_wait3A_273] : memref<655360x128xf32, #tpu.memory_space<hbm>> -> memref<64x128xf32, #tpu.memory_space<hbm>>
    tpu.wait_dma2 semaphore(%arg12 : memref<!tpu.dma_semaphore, #tpu.memory_space<semaphore_mem>>) src(%arg7 : memref<64x128xf32, #tpu.memory_space<vmem>>) dst(%dma_wait3A_274 : memref<64x128xf32, #tpu.memory_space<hbm>>)
    %dma_wait3A_275 = arith.constant 96 : i32
    %dma_wait3A_276 = arith.constant 0 : i32
    %dma_wait3A_277 = tpu.memref_slice %arg3[%add3A, %dma_wait3A_275, %dma_wait3A_276] : memref<32x160x128xi32, #tpu.memory_space<hbm>> -> memref<1x32x128xi32, #tpu.memory_space<hbm>>
    %dma_wait3A_278 = tpu.memref_squeeze %dma_wait3A_277 : memref<1x32x128xi32, #tpu.memory_space<hbm>> -> memref<32x128xi32, #tpu.memory_space<hbm>>
    %dma_wait3A_279 = arith.constant 96 : i32
    %dma_wait3A_280 = arith.constant 0 : i32
    %dma_wait3A_281 = tpu.memref_slice %arg3[%add3A, %dma_wait3A_279, %dma_wait3A_280] : memref<32x160x128xi32, #tpu.memory_space<hbm>> -> memref<1x32x128xi32, #tpu.memory_space<hbm>>
    %dma_wait3A_282 = tpu.memref_squeeze %dma_wait3A_281 : memref<1x32x128xi32, #tpu.memory_space<hbm>> -> memref<32x128xi32, #tpu.memory_space<hbm>>
    tpu.wait_dma2 semaphore(%arg14 : memref<!tpu.dma_semaphore, #tpu.memory_space<semaphore_mem>>) src(%dma_wait3A_282 : memref<32x128xi32, #tpu.memory_space<hbm>>) dst(%arg6 : memref<32x128xi32, #tpu.memory_space<vmem>>)
    %dma_start3A_283 = arith.constant 0 : i32
    %dma_start3A_284 = arith.constant 0 : i32
    %dma_start3A_285 = tpu.memref_slice %arg6[%dma_start3A_283, %dma_start3A_284] : memref<32x128xi32, #tpu.memory_space<vmem>> -> memref<1x64xi32, #tpu.memory_space<vmem>>
    %dma_start3A_286 = tpu.memref_squeeze %dma_start3A_285 : memref<1x64xi32, #tpu.memory_space<vmem>> -> memref<64xi32, #tpu.memory_space<vmem>>
    %dma_start3A_287 = arith.constant 0 : i32
    %dma_start3A_288 = arith.constant 0 : i32
    %dma_start3A_289 = tpu.memref_slice %arg9[%dma_start3A_287, %dma_start3A_288] : memref<12288x128xf32, #tpu.memory_space<vmem_shared>> -> memref<12288x128xf32, #tpu.memory_space<vmem_shared>>
    tpu.enqueue_indirect_dma source(%dma_start3A_289 : memref<12288x128xf32, #tpu.memory_space<vmem_shared>>) target(%arg7 : memref<64x128xf32, #tpu.memory_space<vmem>>) offsets(%dma_start3A_286 : memref<64xi32, #tpu.memory_space<vmem>>) semaphore(%arg10 : memref<!tpu.dma_semaphore, #tpu.memory_space<semaphore_mem>>)
    %mul3A_290 = arith.constant 1024 : i32
    %mul3A_291 = arith.muli %add3A, %mul3A_290 : i32
    %add3A_292 = arith.constant 360448 : i32
    %add3A_293 = arith.addi %add3A_292, %mul3A_291 : i32
    %add3A_294 = arith.constant 960 : i32
    %add3A_295 = arith.addi %add3A_293, %add3A_294 : i32
    %multiple_of3A_296 = tpu.assume_multiple %add3A_295, 64 : i32
    %dma_wait3A_297 = arith.constant 0 : i32
    %dma_wait3A_298 = tpu.memref_slice %arg4[%multiple_of3A_296, %dma_wait3A_297] : memref<655360x128xf32, #tpu.memory_space<hbm>> -> memref<64x128xf32, #tpu.memory_space<hbm>>
    %dma_wait3A_299 = arith.constant 0 : i32
    %dma_wait3A_300 = tpu.memref_slice %arg4[%multiple_of3A_296, %dma_wait3A_299] : memref<655360x128xf32, #tpu.memory_space<hbm>> -> memref<64x128xf32, #tpu.memory_space<hbm>>
    tpu.wait_dma2 semaphore(%arg13 : memref<!tpu.dma_semaphore, #tpu.memory_space<semaphore_mem>>) src(%arg8 : memref<64x128xf32, #tpu.memory_space<vmem>>) dst(%dma_wait3A_300 : memref<64x128xf32, #tpu.memory_space<hbm>>)
    %dma_start3A_301 = arith.constant 0 : i32
    %dma_start3A_302 = arith.constant 64 : i32
    %dma_start3A_303 = tpu.memref_slice %arg6[%dma_start3A_301, %dma_start3A_302] : memref<32x128xi32, #tpu.memory_space<vmem>> -> memref<1x64xi32, #tpu.memory_space<vmem>>
    %dma_start3A_304 = tpu.memref_squeeze %dma_start3A_303 : memref<1x64xi32, #tpu.memory_space<vmem>> -> memref<64xi32, #tpu.memory_space<vmem>>
    %dma_start3A_305 = arith.constant 0 : i32
    %dma_start3A_306 = arith.constant 0 : i32
    %dma_start3A_307 = tpu.memref_slice %arg9[%dma_start3A_305, %dma_start3A_306] : memref<12288x128xf32, #tpu.memory_space<vmem_shared>> -> memref<12288x128xf32, #tpu.memory_space<vmem_shared>>
    tpu.enqueue_indirect_dma source(%dma_start3A_307 : memref<12288x128xf32, #tpu.memory_space<vmem_shared>>) target(%arg8 : memref<64x128xf32, #tpu.memory_space<vmem>>) offsets(%dma_start3A_304 : memref<64xi32, #tpu.memory_space<vmem>>) semaphore(%arg11 : memref<!tpu.dma_semaphore, #tpu.memory_space<semaphore_mem>>)
    %dma_start3A_308 = arith.constant 128 : i32
    %dma_start3A_309 = arith.constant 0 : i32
    %dma_start3A_310 = tpu.memref_slice %arg3[%add3A, %dma_start3A_308, %dma_start3A_309] : memref<32x160x128xi32, #tpu.memory_space<hbm>> -> memref<1x32x128xi32, #tpu.memory_space<hbm>>
    %dma_start3A_311 = tpu.memref_squeeze %dma_start3A_310 : memref<1x32x128xi32, #tpu.memory_space<hbm>> -> memref<32x128xi32, #tpu.memory_space<hbm>>
    %dma_start3A_312 = arith.constant 128 : i32
    %dma_start3A_313 = arith.constant 0 : i32
    %dma_start3A_314 = tpu.memref_slice %arg3[%add3A, %dma_start3A_312, %dma_start3A_313] : memref<32x160x128xi32, #tpu.memory_space<hbm>> -> memref<1x32x128xi32, #tpu.memory_space<hbm>>
    %dma_start3A_315 = tpu.memref_squeeze %dma_start3A_314 : memref<1x32x128xi32, #tpu.memory_space<hbm>> -> memref<32x128xi32, #tpu.memory_space<hbm>>
    tpu.enqueue_dma source(%dma_start3A_315 : memref<32x128xi32, #tpu.memory_space<hbm>>) target(%arg5 : memref<32x128xi32, #tpu.memory_space<vmem>>) target_semaphore(%arg14 : memref<!tpu.dma_semaphore, #tpu.memory_space<semaphore_mem>>)
    %scan3A_316 = arith.constant 0 : i32
    %scan3A_317 = arith.constant 0 : i32
    %scan3A_318 = arith.constant 31 : i32
    %scan3A_319 = arith.addi %scan3A_317, %scan3A_318 : i32
    %scan3A_320 = arith.constant 1 : i32
    scf.for %scan3A_466 = %scan3A_317 to %scan3A_319 step %scan3A_320  : i32 {
      %mul3A_467 = arith.constant 2 : i32
      %mul3A_468 = arith.muli %mul3A_467, %scan3A_466 : i32
      %add3A_469 = arith.constant 192 : i32
      %add3A_470 = arith.addi %add3A_469, %mul3A_468 : i32
      %jit3A = arith.constant 64 : i32
      %eq3A = arith.constant 0 : i32
      %eq3A_471 = arith.cmpi eq, %jit3A, %eq3A : i32
      %jit3A_472 = arith.constant 1 : i32
      %select_n3A = arith.select %eq3A_471, %jit3A_472, %jit3A : i32
      %rem3A = arith.remsi %add3A_470, %select_n3A : i32
      %ne3A = arith.constant 0 : i32
      %ne3A_473 = arith.cmpi ne, %rem3A, %ne3A : i32
      %lt3A = arith.constant 0 : i32
      %lt3A_474 = arith.cmpi slt, %rem3A, %lt3A : i32
      %lt3A_475 = arith.constant 0 : i32
      %lt3A_476 = arith.cmpi slt, %select_n3A, %lt3A_475 : i32
      %ne3A_477 = arith.xori %lt3A_474, %lt3A_476 : i1
      %and3A = arith.andi %ne3A_477, %ne3A_473 : i1
      %add3A_478 = arith.addi %rem3A, %select_n3A : i32
      %select_n3A_479 = arith.select %and3A, %add3A_478, %rem3A : i32
      %jit3A_480 = arith.constant 2 : i32
      %div3A = arith.divsi %select_n3A_479, %jit3A_480 : i32
      %sign3A = arith.constant 0 : i32
      %sign3A_481 = arith.cmpi sgt, %select_n3A_479, %sign3A : i32
      %sign3A_482 = arith.extui %sign3A_481 : i1 to i32
      %sign3A_483 = arith.constant 0 : i32
      %sign3A_484 = arith.cmpi slt, %select_n3A_479, %sign3A_483 : i32
      %sign3A_485 = arith.extui %sign3A_484 : i1 to i32
      %sign3A_486 = arith.subi %sign3A_482, %sign3A_485 : i32
      %sign3A_487 = arith.constant 0 : i32
      %sign3A_488 = arith.cmpi sgt, %jit3A_480, %sign3A_487 : i32
      %sign3A_489 = arith.extui %sign3A_488 : i1 to i32
      %sign3A_490 = arith.constant 0 : i32
      %sign3A_491 = arith.cmpi slt, %jit3A_480, %sign3A_490 : i32
      %sign3A_492 = arith.extui %sign3A_491 : i1 to i32
      %sign3A_493 = arith.subi %sign3A_489, %sign3A_492 : i32
      %ne3A_494 = arith.cmpi ne, %sign3A_486, %sign3A_493 : i32
      %rem3A_495 = arith.remsi %select_n3A_479, %jit3A_480 : i32
      %ne3A_496 = arith.constant 0 : i32
      %ne3A_497 = arith.cmpi ne, %rem3A_495, %ne3A_496 : i32
      %and3A_498 = arith.andi %ne3A_494, %ne3A_497 : i1
      %sub3A = arith.constant 1 : i32
      %sub3A_499 = arith.subi %div3A, %sub3A : i32
      %select_n3A_500 = arith.select %and3A_498, %sub3A_499, %div3A : i32
      %jit3A_501 = arith.constant 2 : i32
      %eq3A_502 = arith.constant 0 : i32
      %eq3A_503 = arith.cmpi eq, %jit3A_501, %eq3A_502 : i32
      %jit3A_504 = arith.constant 1 : i32
      %select_n3A_505 = arith.select %eq3A_503, %jit3A_504, %jit3A_501 : i32
      %rem3A_506 = arith.remsi %select_n3A_479, %select_n3A_505 : i32
      %ne3A_507 = arith.constant 0 : i32
      %ne3A_508 = arith.cmpi ne, %rem3A_506, %ne3A_507 : i32
      %lt3A_509 = arith.constant 0 : i32
      %lt3A_510 = arith.cmpi slt, %rem3A_506, %lt3A_509 : i32
      %lt3A_511 = arith.constant 0 : i32
      %lt3A_512 = arith.cmpi slt, %select_n3A_505, %lt3A_511 : i32
      %ne3A_513 = arith.xori %lt3A_510, %lt3A_512 : i1
      %and3A_514 = arith.andi %ne3A_513, %ne3A_508 : i1
      %add3A_515 = arith.addi %rem3A_506, %select_n3A_505 : i32
      %select_n3A_516 = arith.select %and3A_514, %add3A_515, %rem3A_506 : i32
      %mul3A_517 = arith.constant 64 : i32
      %mul3A_518 = arith.muli %select_n3A_516, %mul3A_517 : i32
      %dma_wait3A_519 = tpu.memref_slice %arg6[%select_n3A_500, %mul3A_518] : memref<32x128xi32, #tpu.memory_space<vmem>> -> memref<1x64xi32, #tpu.memory_space<vmem>>
      %dma_wait3A_520 = tpu.memref_squeeze %dma_wait3A_519 : memref<1x64xi32, #tpu.memory_space<vmem>> -> memref<64xi32, #tpu.memory_space<vmem>>
      %dma_wait3A_521 = arith.constant 0 : i32
      %dma_wait3A_522 = arith.constant 0 : i32
      %dma_wait3A_523 = tpu.memref_slice %arg9[%dma_wait3A_521, %dma_wait3A_522] : memref<12288x128xf32, #tpu.memory_space<vmem_shared>> -> memref<12288x128xf32, #tpu.memory_space<vmem_shared>>
      tpu.wait_indirect_dma semaphore(%arg10 : memref<!tpu.dma_semaphore, #tpu.memory_space<semaphore_mem>>) src(%dma_wait3A_523 : memref<12288x128xf32, #tpu.memory_space<vmem_shared>>) dst(%arg7 : memref<64x128xf32, #tpu.memory_space<vmem>>)
      %jit3A_524 = arith.constant 16 : i32
      %div3A_525 = arith.divsi %add3A_470, %jit3A_524 : i32
      %sign3A_526 = arith.constant 0 : i32
      %sign3A_527 = arith.cmpi sgt, %add3A_470, %sign3A_526 : i32
      %sign3A_528 = arith.extui %sign3A_527 : i1 to i32
      %sign3A_529 = arith.constant 0 : i32
      %sign3A_530 = arith.cmpi slt, %add3A_470, %sign3A_529 : i32
      %sign3A_531 = arith.extui %sign3A_530 : i1 to i32
      %sign3A_532 = arith.subi %sign3A_528, %sign3A_531 : i32
      %sign3A_533 = arith.constant 0 : i32
      %sign3A_534 = arith.cmpi sgt, %jit3A_524, %sign3A_533 : i32
      %sign3A_535 = arith.extui %sign3A_534 : i1 to i32
      %sign3A_536 = arith.constant 0 : i32
      %sign3A_537 = arith.cmpi slt, %jit3A_524, %sign3A_536 : i32
      %sign3A_538 = arith.extui %sign3A_537 : i1 to i32
      %sign3A_539 = arith.subi %sign3A_535, %sign3A_538 : i32
      %ne3A_540 = arith.cmpi ne, %sign3A_532, %sign3A_539 : i32
      %rem3A_541 = arith.remsi %add3A_470, %jit3A_524 : i32
      %ne3A_542 = arith.constant 0 : i32
      %ne3A_543 = arith.cmpi ne, %rem3A_541, %ne3A_542 : i32
      %and3A_544 = arith.andi %ne3A_540, %ne3A_543 : i1
      %sub3A_545 = arith.constant 1 : i32
      %sub3A_546 = arith.subi %div3A_525, %sub3A_545 : i32
      %select_n3A_547 = arith.select %and3A_544, %sub3A_546, %div3A_525 : i32
      %mul3A_548 = arith.constant 32768 : i32
      %mul3A_549 = arith.muli %select_n3A_547, %mul3A_548 : i32
      %mul3A_550 = arith.constant 1024 : i32
      %mul3A_551 = arith.muli %add3A, %mul3A_550 : i32
      %add3A_552 = arith.addi %mul3A_549, %mul3A_551 : i32
      %jit3A_553 = arith.constant 16 : i32
      %eq3A_554 = arith.constant 0 : i32
      %eq3A_555 = arith.cmpi eq, %jit3A_553, %eq3A_554 : i32
      %jit3A_556 = arith.constant 1 : i32
      %select_n3A_557 = arith.select %eq3A_555, %jit3A_556, %jit3A_553 : i32
      %rem3A_558 = arith.remsi %add3A_470, %select_n3A_557 : i32
      %ne3A_559 = arith.constant 0 : i32
      %ne3A_560 = arith.cmpi ne, %rem3A_558, %ne3A_559 : i32
      %lt3A_561 = arith.constant 0 : i32
      %lt3A_562 = arith.cmpi slt, %rem3A_558, %lt3A_561 : i32
      %lt3A_563 = arith.constant 0 : i32
      %lt3A_564 = arith.cmpi slt, %select_n3A_557, %lt3A_563 : i32
      %ne3A_565 = arith.xori %lt3A_562, %lt3A_564 : i1
      %and3A_566 = arith.andi %ne3A_565, %ne3A_560 : i1
      %add3A_567 = arith.addi %rem3A_558, %select_n3A_557 : i32
      %select_n3A_568 = arith.select %and3A_566, %add3A_567, %rem3A_558 : i32
      %mul3A_569 = arith.constant 64 : i32
      %mul3A_570 = arith.muli %select_n3A_568, %mul3A_569 : i32
      %add3A_571 = arith.addi %add3A_552, %mul3A_570 : i32
      %multiple_of3A_572 = tpu.assume_multiple %add3A_571, 64 : i32
      %dma_start3A_573 = arith.constant 0 : i32
      %dma_start3A_574 = tpu.memref_slice %arg4[%multiple_of3A_572, %dma_start3A_573] : memref<655360x128xf32, #tpu.memory_space<hbm>> -> memref<64x128xf32, #tpu.memory_space<hbm>>
      %dma_start3A_575 = arith.constant 0 : i32
      %dma_start3A_576 = tpu.memref_slice %arg4[%multiple_of3A_572, %dma_start3A_575] : memref<655360x128xf32, #tpu.memory_space<hbm>> -> memref<64x128xf32, #tpu.memory_space<hbm>>
      tpu.enqueue_dma source(%arg7 : memref<64x128xf32, #tpu.memory_space<vmem>>) target(%dma_start3A_576 : memref<64x128xf32, #tpu.memory_space<hbm>>) target_semaphore(%arg12 : memref<!tpu.dma_semaphore, #tpu.memory_space<semaphore_mem>>)
      %add3A_577 = arith.constant 1 : i32
      %add3A_578 = arith.addi %add3A_470, %add3A_577 : i32
      %jit3A_579 = arith.constant 64 : i32
      %eq3A_580 = arith.constant 0 : i32
      %eq3A_581 = arith.cmpi eq, %jit3A_579, %eq3A_580 : i32
      %jit3A_582 = arith.constant 1 : i32
      %select_n3A_583 = arith.select %eq3A_581, %jit3A_582, %jit3A_579 : i32
      %rem3A_584 = arith.remsi %add3A_578, %select_n3A_583 : i32
      %ne3A_585 = arith.constant 0 : i32
      %ne3A_586 = arith.cmpi ne, %rem3A_584, %ne3A_585 : i32
      %lt3A_587 = arith.constant 0 : i32
      %lt3A_588 = arith.cmpi slt, %rem3A_584, %lt3A_587 : i32
      %lt3A_589 = arith.constant 0 : i32
      %lt3A_590 = arith.cmpi slt, %select_n3A_583, %lt3A_589 : i32
      %ne3A_591 = arith.xori %lt3A_588, %lt3A_590 : i1
      %and3A_592 = arith.andi %ne3A_591, %ne3A_586 : i1
      %add3A_593 = arith.addi %rem3A_584, %select_n3A_583 : i32
      %select_n3A_594 = arith.select %and3A_592, %add3A_593, %rem3A_584 : i32
      %jit3A_595 = arith.constant 2 : i32
      %div3A_596 = arith.divsi %select_n3A_594, %jit3A_595 : i32
      %sign3A_597 = arith.constant 0 : i32
      %sign3A_598 = arith.cmpi sgt, %select_n3A_594, %sign3A_597 : i32
      %sign3A_599 = arith.extui %sign3A_598 : i1 to i32
      %sign3A_600 = arith.constant 0 : i32
      %sign3A_601 = arith.cmpi slt, %select_n3A_594, %sign3A_600 : i32
      %sign3A_602 = arith.extui %sign3A_601 : i1 to i32
      %sign3A_603 = arith.subi %sign3A_599, %sign3A_602 : i32
      %sign3A_604 = arith.constant 0 : i32
      %sign3A_605 = arith.cmpi sgt, %jit3A_595, %sign3A_604 : i32
      %sign3A_606 = arith.extui %sign3A_605 : i1 to i32
      %sign3A_607 = arith.constant 0 : i32
      %sign3A_608 = arith.cmpi slt, %jit3A_595, %sign3A_607 : i32
      %sign3A_609 = arith.extui %sign3A_608 : i1 to i32
      %sign3A_610 = arith.subi %sign3A_606, %sign3A_609 : i32
      %ne3A_611 = arith.cmpi ne, %sign3A_603, %sign3A_610 : i32
      %rem3A_612 = arith.remsi %select_n3A_594, %jit3A_595 : i32
      %ne3A_613 = arith.constant 0 : i32
      %ne3A_614 = arith.cmpi ne, %rem3A_612, %ne3A_613 : i32
      %and3A_615 = arith.andi %ne3A_611, %ne3A_614 : i1
      %sub3A_616 = arith.constant 1 : i32
      %sub3A_617 = arith.subi %div3A_596, %sub3A_616 : i32
      %select_n3A_618 = arith.select %and3A_615, %sub3A_617, %div3A_596 : i32
      %jit3A_619 = arith.constant 2 : i32
      %eq3A_620 = arith.constant 0 : i32
      %eq3A_621 = arith.cmpi eq, %jit3A_619, %eq3A_620 : i32
      %jit3A_622 = arith.constant 1 : i32
      %select_n3A_623 = arith.select %eq3A_621, %jit3A_622, %jit3A_619 : i32
      %rem3A_624 = arith.remsi %select_n3A_594, %select_n3A_623 : i32
      %ne3A_625 = arith.constant 0 : i32
      %ne3A_626 = arith.cmpi ne, %rem3A_624, %ne3A_625 : i32
      %lt3A_627 = arith.constant 0 : i32
      %lt3A_628 = arith.cmpi slt, %rem3A_624, %lt3A_627 : i32
      %lt3A_629 = arith.constant 0 : i32
      %lt3A_630 = arith.cmpi slt, %select_n3A_623, %lt3A_629 : i32
      %ne3A_631 = arith.xori %lt3A_628, %lt3A_630 : i1
      %and3A_632 = arith.andi %ne3A_631, %ne3A_626 : i1
      %add3A_633 = arith.addi %rem3A_624, %select_n3A_623 : i32
      %select_n3A_634 = arith.select %and3A_632, %add3A_633, %rem3A_624 : i32
      %mul3A_635 = arith.constant 64 : i32
      %mul3A_636 = arith.muli %select_n3A_634, %mul3A_635 : i32
      %dma_wait3A_637 = tpu.memref_slice %arg6[%select_n3A_618, %mul3A_636] : memref<32x128xi32, #tpu.memory_space<vmem>> -> memref<1x64xi32, #tpu.memory_space<vmem>>
      %dma_wait3A_638 = tpu.memref_squeeze %dma_wait3A_637 : memref<1x64xi32, #tpu.memory_space<vmem>> -> memref<64xi32, #tpu.memory_space<vmem>>
      %dma_wait3A_639 = arith.constant 0 : i32
      %dma_wait3A_640 = arith.constant 0 : i32
      %dma_wait3A_641 = tpu.memref_slice %arg9[%dma_wait3A_639, %dma_wait3A_640] : memref<12288x128xf32, #tpu.memory_space<vmem_shared>> -> memref<12288x128xf32, #tpu.memory_space<vmem_shared>>
      tpu.wait_indirect_dma semaphore(%arg11 : memref<!tpu.dma_semaphore, #tpu.memory_space<semaphore_mem>>) src(%dma_wait3A_641 : memref<12288x128xf32, #tpu.memory_space<vmem_shared>>) dst(%arg8 : memref<64x128xf32, #tpu.memory_space<vmem>>)
      %add3A_642 = arith.constant 1 : i32
      %add3A_643 = arith.addi %add3A_470, %add3A_642 : i32
      %jit3A_644 = arith.constant 16 : i32
      %div3A_645 = arith.divsi %add3A_643, %jit3A_644 : i32
      %sign3A_646 = arith.constant 0 : i32
      %sign3A_647 = arith.cmpi sgt, %add3A_643, %sign3A_646 : i32
      %sign3A_648 = arith.extui %sign3A_647 : i1 to i32
      %sign3A_649 = arith.constant 0 : i32
      %sign3A_650 = arith.cmpi slt, %add3A_643, %sign3A_649 : i32
      %sign3A_651 = arith.extui %sign3A_650 : i1 to i32
      %sign3A_652 = arith.subi %sign3A_648, %sign3A_651 : i32
      %sign3A_653 = arith.constant 0 : i32
      %sign3A_654 = arith.cmpi sgt, %jit3A_644, %sign3A_653 : i32
      %sign3A_655 = arith.extui %sign3A_654 : i1 to i32
      %sign3A_656 = arith.constant 0 : i32
      %sign3A_657 = arith.cmpi slt, %jit3A_644, %sign3A_656 : i32
      %sign3A_658 = arith.extui %sign3A_657 : i1 to i32
      %sign3A_659 = arith.subi %sign3A_655, %sign3A_658 : i32
      %ne3A_660 = arith.cmpi ne, %sign3A_652, %sign3A_659 : i32
      %rem3A_661 = arith.remsi %add3A_643, %jit3A_644 : i32
      %ne3A_662 = arith.constant 0 : i32
      %ne3A_663 = arith.cmpi ne, %rem3A_661, %ne3A_662 : i32
      %and3A_664 = arith.andi %ne3A_660, %ne3A_663 : i1
      %sub3A_665 = arith.constant 1 : i32
      %sub3A_666 = arith.subi %div3A_645, %sub3A_665 : i32
      %select_n3A_667 = arith.select %and3A_664, %sub3A_666, %div3A_645 : i32
      %mul3A_668 = arith.constant 32768 : i32
      %mul3A_669 = arith.muli %select_n3A_667, %mul3A_668 : i32
      %mul3A_670 = arith.constant 1024 : i32
      %mul3A_671 = arith.muli %add3A, %mul3A_670 : i32
      %add3A_672 = arith.addi %mul3A_669, %mul3A_671 : i32
      %jit3A_673 = arith.constant 16 : i32
      %eq3A_674 = arith.constant 0 : i32
      %eq3A_675 = arith.cmpi eq, %jit3A_673, %eq3A_674 : i32
      %jit3A_676 = arith.constant 1 : i32
      %select_n3A_677 = arith.select %eq3A_675, %jit3A_676, %jit3A_673 : i32
      %rem3A_678 = arith.remsi %add3A_643, %select_n3A_677 : i32
      %ne3A_679 = arith.constant 0 : i32
      %ne3A_680 = arith.cmpi ne, %rem3A_678, %ne3A_679 : i32
      %lt3A_681 = arith.constant 0 : i32
      %lt3A_682 = arith.cmpi slt, %rem3A_678, %lt3A_681 : i32
      %lt3A_683 = arith.constant 0 : i32
      %lt3A_684 = arith.cmpi slt, %select_n3A_677, %lt3A_683 : i32
      %ne3A_685 = arith.xori %lt3A_682, %lt3A_684 : i1
      %and3A_686 = arith.andi %ne3A_685, %ne3A_680 : i1
      %add3A_687 = arith.addi %rem3A_678, %select_n3A_677 : i32
      %select_n3A_688 = arith.select %and3A_686, %add3A_687, %rem3A_678 : i32
      %mul3A_689 = arith.constant 64 : i32
      %mul3A_690 = arith.muli %select_n3A_688, %mul3A_689 : i32
      %add3A_691 = arith.addi %add3A_672, %mul3A_690 : i32
      %multiple_of3A_692 = tpu.assume_multiple %add3A_691, 64 : i32
      %dma_start3A_693 = arith.constant 0 : i32
      %dma_start3A_694 = tpu.memref_slice %arg4[%multiple_of3A_692, %dma_start3A_693] : memref<655360x128xf32, #tpu.memory_space<hbm>> -> memref<64x128xf32, #tpu.memory_space<hbm>>
      %dma_start3A_695 = arith.constant 0 : i32
      %dma_start3A_696 = tpu.memref_slice %arg4[%multiple_of3A_692, %dma_start3A_695] : memref<655360x128xf32, #tpu.memory_space<hbm>> -> memref<64x128xf32, #tpu.memory_space<hbm>>
      tpu.enqueue_dma source(%arg8 : memref<64x128xf32, #tpu.memory_space<vmem>>) target(%dma_start3A_696 : memref<64x128xf32, #tpu.memory_space<hbm>>) target_semaphore(%arg13 : memref<!tpu.dma_semaphore, #tpu.memory_space<semaphore_mem>>)
      %jit3A_697 = arith.constant 16 : i32
      %div3A_698 = arith.divsi %add3A_470, %jit3A_697 : i32
      %sign3A_699 = arith.constant 0 : i32
      %sign3A_700 = arith.cmpi sgt, %add3A_470, %sign3A_699 : i32
      %sign3A_701 = arith.extui %sign3A_700 : i1 to i32
      %sign3A_702 = arith.constant 0 : i32
      %sign3A_703 = arith.cmpi slt, %add3A_470, %sign3A_702 : i32
      %sign3A_704 = arith.extui %sign3A_703 : i1 to i32
      %sign3A_705 = arith.subi %sign3A_701, %sign3A_704 : i32
      %sign3A_706 = arith.constant 0 : i32
      %sign3A_707 = arith.cmpi sgt, %jit3A_697, %sign3A_706 : i32
      %sign3A_708 = arith.extui %sign3A_707 : i1 to i32
      %sign3A_709 = arith.constant 0 : i32
      %sign3A_710 = arith.cmpi slt, %jit3A_697, %sign3A_709 : i32
      %sign3A_711 = arith.extui %sign3A_710 : i1 to i32
      %sign3A_712 = arith.subi %sign3A_708, %sign3A_711 : i32
      %ne3A_713 = arith.cmpi ne, %sign3A_705, %sign3A_712 : i32
      %rem3A_714 = arith.remsi %add3A_470, %jit3A_697 : i32
      %ne3A_715 = arith.constant 0 : i32
      %ne3A_716 = arith.cmpi ne, %rem3A_714, %ne3A_715 : i32
      %and3A_717 = arith.andi %ne3A_713, %ne3A_716 : i1
      %sub3A_718 = arith.constant 1 : i32
      %sub3A_719 = arith.subi %div3A_698, %sub3A_718 : i32
      %select_n3A_720 = arith.select %and3A_717, %sub3A_719, %div3A_698 : i32
      %mul3A_721 = arith.constant 32768 : i32
      %mul3A_722 = arith.muli %select_n3A_720, %mul3A_721 : i32
      %mul3A_723 = arith.constant 1024 : i32
      %mul3A_724 = arith.muli %add3A, %mul3A_723 : i32
      %add3A_725 = arith.addi %mul3A_722, %mul3A_724 : i32
      %jit3A_726 = arith.constant 16 : i32
      %eq3A_727 = arith.constant 0 : i32
      %eq3A_728 = arith.cmpi eq, %jit3A_726, %eq3A_727 : i32
      %jit3A_729 = arith.constant 1 : i32
      %select_n3A_730 = arith.select %eq3A_728, %jit3A_729, %jit3A_726 : i32
      %rem3A_731 = arith.remsi %add3A_470, %select_n3A_730 : i32
      %ne3A_732 = arith.constant 0 : i32
      %ne3A_733 = arith.cmpi ne, %rem3A_731, %ne3A_732 : i32
      %lt3A_734 = arith.constant 0 : i32
      %lt3A_735 = arith.cmpi slt, %rem3A_731, %lt3A_734 : i32
      %lt3A_736 = arith.constant 0 : i32
      %lt3A_737 = arith.cmpi slt, %select_n3A_730, %lt3A_736 : i32
      %ne3A_738 = arith.xori %lt3A_735, %lt3A_737 : i1
      %and3A_739 = arith.andi %ne3A_738, %ne3A_733 : i1
      %add3A_740 = arith.addi %rem3A_731, %select_n3A_730 : i32
      %select_n3A_741 = arith.select %and3A_739, %add3A_740, %rem3A_731 : i32
      %mul3A_742 = arith.constant 64 : i32
      %mul3A_743 = arith.muli %select_n3A_741, %mul3A_742 : i32
      %add3A_744 = arith.addi %add3A_725, %mul3A_743 : i32
      %multiple_of3A_745 = tpu.assume_multiple %add3A_744, 64 : i32
      %dma_wait3A_746 = arith.constant 0 : i32
      %dma_wait3A_747 = tpu.memref_slice %arg4[%multiple_of3A_745, %dma_wait3A_746] : memref<655360x128xf32, #tpu.memory_space<hbm>> -> memref<64x128xf32, #tpu.memory_space<hbm>>
      %dma_wait3A_748 = arith.constant 0 : i32
      %dma_wait3A_749 = tpu.memref_slice %arg4[%multiple_of3A_745, %dma_wait3A_748] : memref<655360x128xf32, #tpu.memory_space<hbm>> -> memref<64x128xf32, #tpu.memory_space<hbm>>
      tpu.wait_dma2 semaphore(%arg12 : memref<!tpu.dma_semaphore, #tpu.memory_space<semaphore_mem>>) src(%arg7 : memref<64x128xf32, #tpu.memory_space<vmem>>) dst(%dma_wait3A_749 : memref<64x128xf32, #tpu.memory_space<hbm>>)
      %add3A_750 = arith.constant 2 : i32
      %add3A_751 = arith.addi %add3A_470, %add3A_750 : i32
      %jit3A_752 = arith.constant 64 : i32
      %eq3A_753 = arith.constant 0 : i32
      %eq3A_754 = arith.cmpi eq, %jit3A_752, %eq3A_753 : i32
      %jit3A_755 = arith.constant 1 : i32
      %select_n3A_756 = arith.select %eq3A_754, %jit3A_755, %jit3A_752 : i32
      %rem3A_757 = arith.remsi %add3A_751, %select_n3A_756 : i32
      %ne3A_758 = arith.constant 0 : i32
      %ne3A_759 = arith.cmpi ne, %rem3A_757, %ne3A_758 : i32
      %lt3A_760 = arith.constant 0 : i32
      %lt3A_761 = arith.cmpi slt, %rem3A_757, %lt3A_760 : i32
      %lt3A_762 = arith.constant 0 : i32
      %lt3A_763 = arith.cmpi slt, %select_n3A_756, %lt3A_762 : i32
      %ne3A_764 = arith.xori %lt3A_761, %lt3A_763 : i1
      %and3A_765 = arith.andi %ne3A_764, %ne3A_759 : i1
      %add3A_766 = arith.addi %rem3A_757, %select_n3A_756 : i32
      %select_n3A_767 = arith.select %and3A_765, %add3A_766, %rem3A_757 : i32
      %jit3A_768 = arith.constant 2 : i32
      %div3A_769 = arith.divsi %select_n3A_767, %jit3A_768 : i32
      %sign3A_770 = arith.constant 0 : i32
      %sign3A_771 = arith.cmpi sgt, %select_n3A_767, %sign3A_770 : i32
      %sign3A_772 = arith.extui %sign3A_771 : i1 to i32
      %sign3A_773 = arith.constant 0 : i32
      %sign3A_774 = arith.cmpi slt, %select_n3A_767, %sign3A_773 : i32
      %sign3A_775 = arith.extui %sign3A_774 : i1 to i32
      %sign3A_776 = arith.subi %sign3A_772, %sign3A_775 : i32
      %sign3A_777 = arith.constant 0 : i32
      %sign3A_778 = arith.cmpi sgt, %jit3A_768, %sign3A_777 : i32
      %sign3A_779 = arith.extui %sign3A_778 : i1 to i32
      %sign3A_780 = arith.constant 0 : i32
      %sign3A_781 = arith.cmpi slt, %jit3A_768, %sign3A_780 : i32
      %sign3A_782 = arith.extui %sign3A_781 : i1 to i32
      %sign3A_783 = arith.subi %sign3A_779, %sign3A_782 : i32
      %ne3A_784 = arith.cmpi ne, %sign3A_776, %sign3A_783 : i32
      %rem3A_785 = arith.remsi %select_n3A_767, %jit3A_768 : i32
      %ne3A_786 = arith.constant 0 : i32
      %ne3A_787 = arith.cmpi ne, %rem3A_785, %ne3A_786 : i32
      %and3A_788 = arith.andi %ne3A_784, %ne3A_787 : i1
      %sub3A_789 = arith.constant 1 : i32
      %sub3A_790 = arith.subi %div3A_769, %sub3A_789 : i32
      %select_n3A_791 = arith.select %and3A_788, %sub3A_790, %div3A_769 : i32
      %jit3A_792 = arith.constant 2 : i32
      %eq3A_793 = arith.constant 0 : i32
      %eq3A_794 = arith.cmpi eq, %jit3A_792, %eq3A_793 : i32
      %jit3A_795 = arith.constant 1 : i32
      %select_n3A_796 = arith.select %eq3A_794, %jit3A_795, %jit3A_792 : i32
      %rem3A_797 = arith.remsi %select_n3A_767, %select_n3A_796 : i32
      %ne3A_798 = arith.constant 0 : i32
      %ne3A_799 = arith.cmpi ne, %rem3A_797, %ne3A_798 : i32
      %lt3A_800 = arith.constant 0 : i32
      %lt3A_801 = arith.cmpi slt, %rem3A_797, %lt3A_800 : i32
      %lt3A_802 = arith.constant 0 : i32
      %lt3A_803 = arith.cmpi slt, %select_n3A_796, %lt3A_802 : i32
      %ne3A_804 = arith.xori %lt3A_801, %lt3A_803 : i1
      %and3A_805 = arith.andi %ne3A_804, %ne3A_799 : i1
      %add3A_806 = arith.addi %rem3A_797, %select_n3A_796 : i32
      %select_n3A_807 = arith.select %and3A_805, %add3A_806, %rem3A_797 : i32
      %mul3A_808 = arith.constant 64 : i32
      %mul3A_809 = arith.muli %select_n3A_807, %mul3A_808 : i32
      %dma_start3A_810 = tpu.memref_slice %arg6[%select_n3A_791, %mul3A_809] : memref<32x128xi32, #tpu.memory_space<vmem>> -> memref<1x64xi32, #tpu.memory_space<vmem>>
      %dma_start3A_811 = tpu.memref_squeeze %dma_start3A_810 : memref<1x64xi32, #tpu.memory_space<vmem>> -> memref<64xi32, #tpu.memory_space<vmem>>
      %dma_start3A_812 = arith.constant 0 : i32
      %dma_start3A_813 = arith.constant 0 : i32
      %dma_start3A_814 = tpu.memref_slice %arg9[%dma_start3A_812, %dma_start3A_813] : memref<12288x128xf32, #tpu.memory_space<vmem_shared>> -> memref<12288x128xf32, #tpu.memory_space<vmem_shared>>
      tpu.enqueue_indirect_dma source(%dma_start3A_814 : memref<12288x128xf32, #tpu.memory_space<vmem_shared>>) target(%arg7 : memref<64x128xf32, #tpu.memory_space<vmem>>) offsets(%dma_start3A_811 : memref<64xi32, #tpu.memory_space<vmem>>) semaphore(%arg10 : memref<!tpu.dma_semaphore, #tpu.memory_space<semaphore_mem>>)
      %add3A_815 = arith.constant 1 : i32
      %add3A_816 = arith.addi %add3A_470, %add3A_815 : i32
      %jit3A_817 = arith.constant 16 : i32
      %div3A_818 = arith.divsi %add3A_816, %jit3A_817 : i32
      %sign3A_819 = arith.constant 0 : i32
      %sign3A_820 = arith.cmpi sgt, %add3A_816, %sign3A_819 : i32
      %sign3A_821 = arith.extui %sign3A_820 : i1 to i32
      %sign3A_822 = arith.constant 0 : i32
      %sign3A_823 = arith.cmpi slt, %add3A_816, %sign3A_822 : i32
      %sign3A_824 = arith.extui %sign3A_823 : i1 to i32
      %sign3A_825 = arith.subi %sign3A_821, %sign3A_824 : i32
      %sign3A_826 = arith.constant 0 : i32
      %sign3A_827 = arith.cmpi sgt, %jit3A_817, %sign3A_826 : i32
      %sign3A_828 = arith.extui %sign3A_827 : i1 to i32
      %sign3A_829 = arith.constant 0 : i32
      %sign3A_830 = arith.cmpi slt, %jit3A_817, %sign3A_829 : i32
      %sign3A_831 = arith.extui %sign3A_830 : i1 to i32
      %sign3A_832 = arith.subi %sign3A_828, %sign3A_831 : i32
      %ne3A_833 = arith.cmpi ne, %sign3A_825, %sign3A_832 : i32
      %rem3A_834 = arith.remsi %add3A_816, %jit3A_817 : i32
      %ne3A_835 = arith.constant 0 : i32
      %ne3A_836 = arith.cmpi ne, %rem3A_834, %ne3A_835 : i32
      %and3A_837 = arith.andi %ne3A_833, %ne3A_836 : i1
      %sub3A_838 = arith.constant 1 : i32
      %sub3A_839 = arith.subi %div3A_818, %sub3A_838 : i32
      %select_n3A_840 = arith.select %and3A_837, %sub3A_839, %div3A_818 : i32
      %mul3A_841 = arith.constant 32768 : i32
      %mul3A_842 = arith.muli %select_n3A_840, %mul3A_841 : i32
      %mul3A_843 = arith.constant 1024 : i32
      %mul3A_844 = arith.muli %add3A, %mul3A_843 : i32
      %add3A_845 = arith.addi %mul3A_842, %mul3A_844 : i32
      %jit3A_846 = arith.constant 16 : i32
      %eq3A_847 = arith.constant 0 : i32
      %eq3A_848 = arith.cmpi eq, %jit3A_846, %eq3A_847 : i32
      %jit3A_849 = arith.constant 1 : i32
      %select_n3A_850 = arith.select %eq3A_848, %jit3A_849, %jit3A_846 : i32
      %rem3A_851 = arith.remsi %add3A_816, %select_n3A_850 : i32
      %ne3A_852 = arith.constant 0 : i32
      %ne3A_853 = arith.cmpi ne, %rem3A_851, %ne3A_852 : i32
      %lt3A_854 = arith.constant 0 : i32
      %lt3A_855 = arith.cmpi slt, %rem3A_851, %lt3A_854 : i32
      %lt3A_856 = arith.constant 0 : i32
      %lt3A_857 = arith.cmpi slt, %select_n3A_850, %lt3A_856 : i32
      %ne3A_858 = arith.xori %lt3A_855, %lt3A_857 : i1
      %and3A_859 = arith.andi %ne3A_858, %ne3A_853 : i1
      %add3A_860 = arith.addi %rem3A_851, %select_n3A_850 : i32
      %select_n3A_861 = arith.select %and3A_859, %add3A_860, %rem3A_851 : i32
      %mul3A_862 = arith.constant 64 : i32
      %mul3A_863 = arith.muli %select_n3A_861, %mul3A_862 : i32
      %add3A_864 = arith.addi %add3A_845, %mul3A_863 : i32
      %multiple_of3A_865 = tpu.assume_multiple %add3A_864, 64 : i32
      %dma_wait3A_866 = arith.constant 0 : i32
      %dma_wait3A_867 = tpu.memref_slice %arg4[%multiple_of3A_865, %dma_wait3A_866] : memref<655360x128xf32, #tpu.memory_space<hbm>> -> memref<64x128xf32, #tpu.memory_space<hbm>>
      %dma_wait3A_868 = arith.constant 0 : i32
      %dma_wait3A_869 = tpu.memref_slice %arg4[%multiple_of3A_865, %dma_wait3A_868] : memref<655360x128xf32, #tpu.memory_space<hbm>> -> memref<64x128xf32, #tpu.memory_space<hbm>>
      tpu.wait_dma2 semaphore(%arg13 : memref<!tpu.dma_semaphore, #tpu.memory_space<semaphore_mem>>) src(%arg8 : memref<64x128xf32, #tpu.memory_space<vmem>>) dst(%dma_wait3A_869 : memref<64x128xf32, #tpu.memory_space<hbm>>)
      %add3A_870 = arith.constant 3 : i32
      %add3A_871 = arith.addi %add3A_470, %add3A_870 : i32
      %jit3A_872 = arith.constant 64 : i32
      %eq3A_873 = arith.constant 0 : i32
      %eq3A_874 = arith.cmpi eq, %jit3A_872, %eq3A_873 : i32
      %jit3A_875 = arith.constant 1 : i32
      %select_n3A_876 = arith.select %eq3A_874, %jit3A_875, %jit3A_872 : i32
      %rem3A_877 = arith.remsi %add3A_871, %select_n3A_876 : i32
      %ne3A_878 = arith.constant 0 : i32
      %ne3A_879 = arith.cmpi ne, %rem3A_877, %ne3A_878 : i32
      %lt3A_880 = arith.constant 0 : i32
      %lt3A_881 = arith.cmpi slt, %rem3A_877, %lt3A_880 : i32
      %lt3A_882 = arith.constant 0 : i32
      %lt3A_883 = arith.cmpi slt, %select_n3A_876, %lt3A_882 : i32
      %ne3A_884 = arith.xori %lt3A_881, %lt3A_883 : i1
      %and3A_885 = arith.andi %ne3A_884, %ne3A_879 : i1
      %add3A_886 = arith.addi %rem3A_877, %select_n3A_876 : i32
      %select_n3A_887 = arith.select %and3A_885, %add3A_886, %rem3A_877 : i32
      %jit3A_888 = arith.constant 2 : i32
      %div3A_889 = arith.divsi %select_n3A_887, %jit3A_888 : i32
      %sign3A_890 = arith.constant 0 : i32
      %sign3A_891 = arith.cmpi sgt, %select_n3A_887, %sign3A_890 : i32
      %sign3A_892 = arith.extui %sign3A_891 : i1 to i32
      %sign3A_893 = arith.constant 0 : i32
      %sign3A_894 = arith.cmpi slt, %select_n3A_887, %sign3A_893 : i32
      %sign3A_895 = arith.extui %sign3A_894 : i1 to i32
      %sign3A_896 = arith.subi %sign3A_892, %sign3A_895 : i32
      %sign3A_897 = arith.constant 0 : i32
      %sign3A_898 = arith.cmpi sgt, %jit3A_888, %sign3A_897 : i32
      %sign3A_899 = arith.extui %sign3A_898 : i1 to i32
      %sign3A_900 = arith.constant 0 : i32
      %sign3A_901 = arith.cmpi slt, %jit3A_888, %sign3A_900 : i32
      %sign3A_902 = arith.extui %sign3A_901 : i1 to i32
      %sign3A_903 = arith.subi %sign3A_899, %sign3A_902 : i32
      %ne3A_904 = arith.cmpi ne, %sign3A_896, %sign3A_903 : i32
      %rem3A_905 = arith.remsi %select_n3A_887, %jit3A_888 : i32
      %ne3A_906 = arith.constant 0 : i32
      %ne3A_907 = arith.cmpi ne, %rem3A_905, %ne3A_906 : i32
      %and3A_908 = arith.andi %ne3A_904, %ne3A_907 : i1
      %sub3A_909 = arith.constant 1 : i32
      %sub3A_910 = arith.subi %div3A_889, %sub3A_909 : i32
      %select_n3A_911 = arith.select %and3A_908, %sub3A_910, %div3A_889 : i32
      %jit3A_912 = arith.constant 2 : i32
      %eq3A_913 = arith.constant 0 : i32
      %eq3A_914 = arith.cmpi eq, %jit3A_912, %eq3A_913 : i32
      %jit3A_915 = arith.constant 1 : i32
      %select_n3A_916 = arith.select %eq3A_914, %jit3A_915, %jit3A_912 : i32
      %rem3A_917 = arith.remsi %select_n3A_887, %select_n3A_916 : i32
      %ne3A_918 = arith.constant 0 : i32
      %ne3A_919 = arith.cmpi ne, %rem3A_917, %ne3A_918 : i32
      %lt3A_920 = arith.constant 0 : i32
      %lt3A_921 = arith.cmpi slt, %rem3A_917, %lt3A_920 : i32
      %lt3A_922 = arith.constant 0 : i32
      %lt3A_923 = arith.cmpi slt, %select_n3A_916, %lt3A_922 : i32
      %ne3A_924 = arith.xori %lt3A_921, %lt3A_923 : i1
      %and3A_925 = arith.andi %ne3A_924, %ne3A_919 : i1
      %add3A_926 = arith.addi %rem3A_917, %select_n3A_916 : i32
      %select_n3A_927 = arith.select %and3A_925, %add3A_926, %rem3A_917 : i32
      %mul3A_928 = arith.constant 64 : i32
      %mul3A_929 = arith.muli %select_n3A_927, %mul3A_928 : i32
      %dma_start3A_930 = tpu.memref_slice %arg6[%select_n3A_911, %mul3A_929] : memref<32x128xi32, #tpu.memory_space<vmem>> -> memref<1x64xi32, #tpu.memory_space<vmem>>
      %dma_start3A_931 = tpu.memref_squeeze %dma_start3A_930 : memref<1x64xi32, #tpu.memory_space<vmem>> -> memref<64xi32, #tpu.memory_space<vmem>>
      %dma_start3A_932 = arith.constant 0 : i32
      %dma_start3A_933 = arith.constant 0 : i32
      %dma_start3A_934 = tpu.memref_slice %arg9[%dma_start3A_932, %dma_start3A_933] : memref<12288x128xf32, #tpu.memory_space<vmem_shared>> -> memref<12288x128xf32, #tpu.memory_space<vmem_shared>>
      tpu.enqueue_indirect_dma source(%dma_start3A_934 : memref<12288x128xf32, #tpu.memory_space<vmem_shared>>) target(%arg8 : memref<64x128xf32, #tpu.memory_space<vmem>>) offsets(%dma_start3A_931 : memref<64xi32, #tpu.memory_space<vmem>>) semaphore(%arg11 : memref<!tpu.dma_semaphore, #tpu.memory_space<semaphore_mem>>)
    }
    %scan3A_321 = arith.constant 31 : i32
    %dma_wait3A_322 = arith.constant 31 : i32
    %dma_wait3A_323 = arith.constant 0 : i32
    %dma_wait3A_324 = tpu.memref_slice %arg6[%dma_wait3A_322, %dma_wait3A_323] : memref<32x128xi32, #tpu.memory_space<vmem>> -> memref<1x64xi32, #tpu.memory_space<vmem>>
    %dma_wait3A_325 = tpu.memref_squeeze %dma_wait3A_324 : memref<1x64xi32, #tpu.memory_space<vmem>> -> memref<64xi32, #tpu.memory_space<vmem>>
    %dma_wait3A_326 = arith.constant 0 : i32
    %dma_wait3A_327 = arith.constant 0 : i32
    %dma_wait3A_328 = tpu.memref_slice %arg9[%dma_wait3A_326, %dma_wait3A_327] : memref<12288x128xf32, #tpu.memory_space<vmem_shared>> -> memref<12288x128xf32, #tpu.memory_space<vmem_shared>>
    tpu.wait_indirect_dma semaphore(%arg10 : memref<!tpu.dma_semaphore, #tpu.memory_space<semaphore_mem>>) src(%dma_wait3A_328 : memref<12288x128xf32, #tpu.memory_space<vmem_shared>>) dst(%arg7 : memref<64x128xf32, #tpu.memory_space<vmem>>)
    %mul3A_329 = arith.constant 1024 : i32
    %mul3A_330 = arith.muli %add3A, %mul3A_329 : i32
    %add3A_331 = arith.constant 491520 : i32
    %add3A_332 = arith.addi %add3A_331, %mul3A_330 : i32
    %add3A_333 = arith.constant 896 : i32
    %add3A_334 = arith.addi %add3A_332, %add3A_333 : i32
    %multiple_of3A_335 = tpu.assume_multiple %add3A_334, 64 : i32
    %dma_start3A_336 = arith.constant 0 : i32
    %dma_start3A_337 = tpu.memref_slice %arg4[%multiple_of3A_335, %dma_start3A_336] : memref<655360x128xf32, #tpu.memory_space<hbm>> -> memref<64x128xf32, #tpu.memory_space<hbm>>
    %dma_start3A_338 = arith.constant 0 : i32
    %dma_start3A_339 = tpu.memref_slice %arg4[%multiple_of3A_335, %dma_start3A_338] : memref<655360x128xf32, #tpu.memory_space<hbm>> -> memref<64x128xf32, #tpu.memory_space<hbm>>
    tpu.enqueue_dma source(%arg7 : memref<64x128xf32, #tpu.memory_space<vmem>>) target(%dma_start3A_339 : memref<64x128xf32, #tpu.memory_space<hbm>>) target_semaphore(%arg12 : memref<!tpu.dma_semaphore, #tpu.memory_space<semaphore_mem>>)
    %dma_wait3A_340 = arith.constant 31 : i32
    %dma_wait3A_341 = arith.constant 64 : i32
    %dma_wait3A_342 = tpu.memref_slice %arg6[%dma_wait3A_340, %dma_wait3A_341] : memref<32x128xi32, #tpu.memory_space<vmem>> -> memref<1x64xi32, #tpu.memory_space<vmem>>
    %dma_wait3A_343 = tpu.memref_squeeze %dma_wait3A_342 : memref<1x64xi32, #tpu.memory_space<vmem>> -> memref<64xi32, #tpu.memory_space<vmem>>
    %dma_wait3A_344 = arith.constant 0 : i32
    %dma_wait3A_345 = arith.constant 0 : i32
    %dma_wait3A_346 = tpu.memref_slice %arg9[%dma_wait3A_344, %dma_wait3A_345] : memref<12288x128xf32, #tpu.memory_space<vmem_shared>> -> memref<12288x128xf32, #tpu.memory_space<vmem_shared>>
    tpu.wait_indirect_dma semaphore(%arg11 : memref<!tpu.dma_semaphore, #tpu.memory_space<semaphore_mem>>) src(%dma_wait3A_346 : memref<12288x128xf32, #tpu.memory_space<vmem_shared>>) dst(%arg8 : memref<64x128xf32, #tpu.memory_space<vmem>>)
    %mul3A_347 = arith.constant 1024 : i32
    %mul3A_348 = arith.muli %add3A, %mul3A_347 : i32
    %add3A_349 = arith.constant 491520 : i32
    %add3A_350 = arith.addi %add3A_349, %mul3A_348 : i32
    %add3A_351 = arith.constant 960 : i32
    %add3A_352 = arith.addi %add3A_350, %add3A_351 : i32
    %multiple_of3A_353 = tpu.assume_multiple %add3A_352, 64 : i32
    %dma_start3A_354 = arith.constant 0 : i32
    %dma_start3A_355 = tpu.memref_slice %arg4[%multiple_of3A_353, %dma_start3A_354] : memref<655360x128xf32, #tpu.memory_space<hbm>> -> memref<64x128xf32, #tpu.memory_space<hbm>>
    %dma_start3A_356 = arith.constant 0 : i32
    %dma_start3A_357 = tpu.memref_slice %arg4[%multiple_of3A_353, %dma_start3A_356] : memref<655360x128xf32, #tpu.memory_space<hbm>> -> memref<64x128xf32, #tpu.memory_space<hbm>>
    tpu.enqueue_dma source(%arg8 : memref<64x128xf32, #tpu.memory_space<vmem>>) target(%dma_start3A_357 : memref<64x128xf32, #tpu.memory_space<hbm>>) target_semaphore(%arg13 : memref<!tpu.dma_semaphore, #tpu.memory_space<semaphore_mem>>)
    %mul3A_358 = arith.constant 1024 : i32
    %mul3A_359 = arith.muli %add3A, %mul3A_358 : i32
    %add3A_360 = arith.constant 491520 : i32
    %add3A_361 = arith.addi %add3A_360, %mul3A_359 : i32
    %add3A_362 = arith.constant 896 : i32
    %add3A_363 = arith.addi %add3A_361, %add3A_362 : i32
    %multiple_of3A_364 = tpu.assume_multiple %add3A_363, 64 : i32
    %dma_wait3A_365 = arith.constant 0 : i32
    %dma_wait3A_366 = tpu.memref_slice %arg4[%multiple_of3A_364, %dma_wait3A_365] : memref<655360x128xf32, #tpu.memory_space<hbm>> -> memref<64x128xf32, #tpu.memory_space<hbm>>
    %dma_wait3A_367 = arith.constant 0 : i32
    %dma_wait3A_368 = tpu.memref_slice %arg4[%multiple_of3A_364, %dma_wait3A_367] : memref<655360x128xf32, #tpu.memory_space<hbm>> -> memref<64x128xf32, #tpu.memory_space<hbm>>
    tpu.wait_dma2 semaphore(%arg12 : memref<!tpu.dma_semaphore, #tpu.memory_space<semaphore_mem>>) src(%arg7 : memref<64x128xf32, #tpu.memory_space<vmem>>) dst(%dma_wait3A_368 : memref<64x128xf32, #tpu.memory_space<hbm>>)
    %dma_wait3A_369 = arith.constant 128 : i32
    %dma_wait3A_370 = arith.constant 0 : i32
    %dma_wait3A_371 = tpu.memref_slice %arg3[%add3A, %dma_wait3A_369, %dma_wait3A_370] : memref<32x160x128xi32, #tpu.memory_space<hbm>> -> memref<1x32x128xi32, #tpu.memory_space<hbm>>
    %dma_wait3A_372 = tpu.memref_squeeze %dma_wait3A_371 : memref<1x32x128xi32, #tpu.memory_space<hbm>> -> memref<32x128xi32, #tpu.memory_space<hbm>>
    %dma_wait3A_373 = arith.constant 128 : i32
    %dma_wait3A_374 = arith.constant 0 : i32
    %dma_wait3A_375 = tpu.memref_slice %arg3[%add3A, %dma_wait3A_373, %dma_wait3A_374] : memref<32x160x128xi32, #tpu.memory_space<hbm>> -> memref<1x32x128xi32, #tpu.memory_space<hbm>>
    %dma_wait3A_376 = tpu.memref_squeeze %dma_wait3A_375 : memref<1x32x128xi32, #tpu.memory_space<hbm>> -> memref<32x128xi32, #tpu.memory_space<hbm>>
    tpu.wait_dma2 semaphore(%arg14 : memref<!tpu.dma_semaphore, #tpu.memory_space<semaphore_mem>>) src(%dma_wait3A_376 : memref<32x128xi32, #tpu.memory_space<hbm>>) dst(%arg5 : memref<32x128xi32, #tpu.memory_space<vmem>>)
    %dma_start3A_377 = arith.constant 0 : i32
    %dma_start3A_378 = arith.constant 0 : i32
    %dma_start3A_379 = tpu.memref_slice %arg5[%dma_start3A_377, %dma_start3A_378] : memref<32x128xi32, #tpu.memory_space<vmem>> -> memref<1x64xi32, #tpu.memory_space<vmem>>
    %dma_start3A_380 = tpu.memref_squeeze %dma_start3A_379 : memref<1x64xi32, #tpu.memory_space<vmem>> -> memref<64xi32, #tpu.memory_space<vmem>>
    %dma_start3A_381 = arith.constant 0 : i32
    %dma_start3A_382 = arith.constant 0 : i32
    %dma_start3A_383 = tpu.memref_slice %arg9[%dma_start3A_381, %dma_start3A_382] : memref<12288x128xf32, #tpu.memory_space<vmem_shared>> -> memref<12288x128xf32, #tpu.memory_space<vmem_shared>>
    tpu.enqueue_indirect_dma source(%dma_start3A_383 : memref<12288x128xf32, #tpu.memory_space<vmem_shared>>) target(%arg7 : memref<64x128xf32, #tpu.memory_space<vmem>>) offsets(%dma_start3A_380 : memref<64xi32, #tpu.memory_space<vmem>>) semaphore(%arg10 : memref<!tpu.dma_semaphore, #tpu.memory_space<semaphore_mem>>)
    %mul3A_384 = arith.constant 1024 : i32
    %mul3A_385 = arith.muli %add3A, %mul3A_384 : i32
    %add3A_386 = arith.constant 491520 : i32
    %add3A_387 = arith.addi %add3A_386, %mul3A_385 : i32
    %add3A_388 = arith.constant 960 : i32
    %add3A_389 = arith.addi %add3A_387, %add3A_388 : i32
    %multiple_of3A_390 = tpu.assume_multiple %add3A_389, 64 : i32
    %dma_wait3A_391 = arith.constant 0 : i32
    %dma_wait3A_392 = tpu.memref_slice %arg4[%multiple_of3A_390, %dma_wait3A_391] : memref<655360x128xf32, #tpu.memory_space<hbm>> -> memref<64x128xf32, #tpu.memory_space<hbm>>
    %dma_wait3A_393 = arith.constant 0 : i32
    %dma_wait3A_394 = tpu.memref_slice %arg4[%multiple_of3A_390, %dma_wait3A_393] : memref<655360x128xf32, #tpu.memory_space<hbm>> -> memref<64x128xf32, #tpu.memory_space<hbm>>
    tpu.wait_dma2 semaphore(%arg13 : memref<!tpu.dma_semaphore, #tpu.memory_space<semaphore_mem>>) src(%arg8 : memref<64x128xf32, #tpu.memory_space<vmem>>) dst(%dma_wait3A_394 : memref<64x128xf32, #tpu.memory_space<hbm>>)
    %dma_start3A_395 = arith.constant 0 : i32
    %dma_start3A_396 = arith.constant 64 : i32
    %dma_start3A_397 = tpu.memref_slice %arg5[%dma_start3A_395, %dma_start3A_396] : memref<32x128xi32, #tpu.memory_space<vmem>> -> memref<1x64xi32, #tpu.memory_space<vmem>>
    %dma_start3A_398 = tpu.memref_squeeze %dma_start3A_397 : memref<1x64xi32, #tpu.memory_space<vmem>> -> memref<64xi32, #tpu.memory_space<vmem>>
    %dma_start3A_399 = arith.constant 0 : i32
    %dma_start3A_400 = arith.constant 0 : i32
    %dma_start3A_401 = tpu.memref_slice %arg9[%dma_start3A_399, %dma_start3A_400] : memref<12288x128xf32, #tpu.memory_space<vmem_shared>> -> memref<12288x128xf32, #tpu.memory_space<vmem_shared>>
    tpu.enqueue_indirect_dma source(%dma_start3A_401 : memref<12288x128xf32, #tpu.memory_space<vmem_shared>>) target(%arg8 : memref<64x128xf32, #tpu.memory_space<vmem>>) offsets(%dma_start3A_398 : memref<64xi32, #tpu.memory_space<vmem>>) semaphore(%arg11 : memref<!tpu.dma_semaphore, #tpu.memory_space<semaphore_mem>>)
    %scan3A_402 = arith.constant 0 : i32
    %scan3A_403 = arith.constant 0 : i32
    %scan3A_404 = arith.constant 31 : i32
    %scan3A_405 = arith.addi %scan3A_403, %scan3A_404 : i32
    %scan3A_406 = arith.constant 1 : i32
    scf.for %scan3A_466 = %scan3A_403 to %scan3A_405 step %scan3A_406  : i32 {
      %mul3A_467 = arith.constant 2 : i32
      %mul3A_468 = arith.muli %mul3A_467, %scan3A_466 : i32
      %add3A_469 = arith.constant 256 : i32
      %add3A_470 = arith.addi %add3A_469, %mul3A_468 : i32
      %jit3A = arith.constant 64 : i32
      %eq3A = arith.constant 0 : i32
      %eq3A_471 = arith.cmpi eq, %jit3A, %eq3A : i32
      %jit3A_472 = arith.constant 1 : i32
      %select_n3A = arith.select %eq3A_471, %jit3A_472, %jit3A : i32
      %rem3A = arith.remsi %add3A_470, %select_n3A : i32
      %ne3A = arith.constant 0 : i32
      %ne3A_473 = arith.cmpi ne, %rem3A, %ne3A : i32
      %lt3A = arith.constant 0 : i32
      %lt3A_474 = arith.cmpi slt, %rem3A, %lt3A : i32
      %lt3A_475 = arith.constant 0 : i32
      %lt3A_476 = arith.cmpi slt, %select_n3A, %lt3A_475 : i32
      %ne3A_477 = arith.xori %lt3A_474, %lt3A_476 : i1
      %and3A = arith.andi %ne3A_477, %ne3A_473 : i1
      %add3A_478 = arith.addi %rem3A, %select_n3A : i32
      %select_n3A_479 = arith.select %and3A, %add3A_478, %rem3A : i32
      %jit3A_480 = arith.constant 2 : i32
      %div3A = arith.divsi %select_n3A_479, %jit3A_480 : i32
      %sign3A = arith.constant 0 : i32
      %sign3A_481 = arith.cmpi sgt, %select_n3A_479, %sign3A : i32
      %sign3A_482 = arith.extui %sign3A_481 : i1 to i32
      %sign3A_483 = arith.constant 0 : i32
      %sign3A_484 = arith.cmpi slt, %select_n3A_479, %sign3A_483 : i32
      %sign3A_485 = arith.extui %sign3A_484 : i1 to i32
      %sign3A_486 = arith.subi %sign3A_482, %sign3A_485 : i32
      %sign3A_487 = arith.constant 0 : i32
      %sign3A_488 = arith.cmpi sgt, %jit3A_480, %sign3A_487 : i32
      %sign3A_489 = arith.extui %sign3A_488 : i1 to i32
      %sign3A_490 = arith.constant 0 : i32
      %sign3A_491 = arith.cmpi slt, %jit3A_480, %sign3A_490 : i32
      %sign3A_492 = arith.extui %sign3A_491 : i1 to i32
      %sign3A_493 = arith.subi %sign3A_489, %sign3A_492 : i32
      %ne3A_494 = arith.cmpi ne, %sign3A_486, %sign3A_493 : i32
      %rem3A_495 = arith.remsi %select_n3A_479, %jit3A_480 : i32
      %ne3A_496 = arith.constant 0 : i32
      %ne3A_497 = arith.cmpi ne, %rem3A_495, %ne3A_496 : i32
      %and3A_498 = arith.andi %ne3A_494, %ne3A_497 : i1
      %sub3A = arith.constant 1 : i32
      %sub3A_499 = arith.subi %div3A, %sub3A : i32
      %select_n3A_500 = arith.select %and3A_498, %sub3A_499, %div3A : i32
      %jit3A_501 = arith.constant 2 : i32
      %eq3A_502 = arith.constant 0 : i32
      %eq3A_503 = arith.cmpi eq, %jit3A_501, %eq3A_502 : i32
      %jit3A_504 = arith.constant 1 : i32
      %select_n3A_505 = arith.select %eq3A_503, %jit3A_504, %jit3A_501 : i32
      %rem3A_506 = arith.remsi %select_n3A_479, %select_n3A_505 : i32
      %ne3A_507 = arith.constant 0 : i32
      %ne3A_508 = arith.cmpi ne, %rem3A_506, %ne3A_507 : i32
      %lt3A_509 = arith.constant 0 : i32
      %lt3A_510 = arith.cmpi slt, %rem3A_506, %lt3A_509 : i32
      %lt3A_511 = arith.constant 0 : i32
      %lt3A_512 = arith.cmpi slt, %select_n3A_505, %lt3A_511 : i32
      %ne3A_513 = arith.xori %lt3A_510, %lt3A_512 : i1
      %and3A_514 = arith.andi %ne3A_513, %ne3A_508 : i1
      %add3A_515 = arith.addi %rem3A_506, %select_n3A_505 : i32
      %select_n3A_516 = arith.select %and3A_514, %add3A_515, %rem3A_506 : i32
      %mul3A_517 = arith.constant 64 : i32
      %mul3A_518 = arith.muli %select_n3A_516, %mul3A_517 : i32
      %dma_wait3A_519 = tpu.memref_slice %arg5[%select_n3A_500, %mul3A_518] : memref<32x128xi32, #tpu.memory_space<vmem>> -> memref<1x64xi32, #tpu.memory_space<vmem>>
      %dma_wait3A_520 = tpu.memref_squeeze %dma_wait3A_519 : memref<1x64xi32, #tpu.memory_space<vmem>> -> memref<64xi32, #tpu.memory_space<vmem>>
      %dma_wait3A_521 = arith.constant 0 : i32
      %dma_wait3A_522 = arith.constant 0 : i32
      %dma_wait3A_523 = tpu.memref_slice %arg9[%dma_wait3A_521, %dma_wait3A_522] : memref<12288x128xf32, #tpu.memory_space<vmem_shared>> -> memref<12288x128xf32, #tpu.memory_space<vmem_shared>>
      tpu.wait_indirect_dma semaphore(%arg10 : memref<!tpu.dma_semaphore, #tpu.memory_space<semaphore_mem>>) src(%dma_wait3A_523 : memref<12288x128xf32, #tpu.memory_space<vmem_shared>>) dst(%arg7 : memref<64x128xf32, #tpu.memory_space<vmem>>)
      %jit3A_524 = arith.constant 16 : i32
      %div3A_525 = arith.divsi %add3A_470, %jit3A_524 : i32
      %sign3A_526 = arith.constant 0 : i32
      %sign3A_527 = arith.cmpi sgt, %add3A_470, %sign3A_526 : i32
      %sign3A_528 = arith.extui %sign3A_527 : i1 to i32
      %sign3A_529 = arith.constant 0 : i32
      %sign3A_530 = arith.cmpi slt, %add3A_470, %sign3A_529 : i32
      %sign3A_531 = arith.extui %sign3A_530 : i1 to i32
      %sign3A_532 = arith.subi %sign3A_528, %sign3A_531 : i32
      %sign3A_533 = arith.constant 0 : i32
      %sign3A_534 = arith.cmpi sgt, %jit3A_524, %sign3A_533 : i32
      %sign3A_535 = arith.extui %sign3A_534 : i1 to i32
      %sign3A_536 = arith.constant 0 : i32
      %sign3A_537 = arith.cmpi slt, %jit3A_524, %sign3A_536 : i32
      %sign3A_538 = arith.extui %sign3A_537 : i1 to i32
      %sign3A_539 = arith.subi %sign3A_535, %sign3A_538 : i32
      %ne3A_540 = arith.cmpi ne, %sign3A_532, %sign3A_539 : i32
      %rem3A_541 = arith.remsi %add3A_470, %jit3A_524 : i32
      %ne3A_542 = arith.constant 0 : i32
      %ne3A_543 = arith.cmpi ne, %rem3A_541, %ne3A_542 : i32
      %and3A_544 = arith.andi %ne3A_540, %ne3A_543 : i1
      %sub3A_545 = arith.constant 1 : i32
      %sub3A_546 = arith.subi %div3A_525, %sub3A_545 : i32
      %select_n3A_547 = arith.select %and3A_544, %sub3A_546, %div3A_525 : i32
      %mul3A_548 = arith.constant 32768 : i32
      %mul3A_549 = arith.muli %select_n3A_547, %mul3A_548 : i32
      %mul3A_550 = arith.constant 1024 : i32
      %mul3A_551 = arith.muli %add3A, %mul3A_550 : i32
      %add3A_552 = arith.addi %mul3A_549, %mul3A_551 : i32
      %jit3A_553 = arith.constant 16 : i32
      %eq3A_554 = arith.constant 0 : i32
      %eq3A_555 = arith.cmpi eq, %jit3A_553, %eq3A_554 : i32
      %jit3A_556 = arith.constant 1 : i32
      %select_n3A_557 = arith.select %eq3A_555, %jit3A_556, %jit3A_553 : i32
      %rem3A_558 = arith.remsi %add3A_470, %select_n3A_557 : i32
      %ne3A_559 = arith.constant 0 : i32
      %ne3A_560 = arith.cmpi ne, %rem3A_558, %ne3A_559 : i32
      %lt3A_561 = arith.constant 0 : i32
      %lt3A_562 = arith.cmpi slt, %rem3A_558, %lt3A_561 : i32
      %lt3A_563 = arith.constant 0 : i32
      %lt3A_564 = arith.cmpi slt, %select_n3A_557, %lt3A_563 : i32
      %ne3A_565 = arith.xori %lt3A_562, %lt3A_564 : i1
      %and3A_566 = arith.andi %ne3A_565, %ne3A_560 : i1
      %add3A_567 = arith.addi %rem3A_558, %select_n3A_557 : i32
      %select_n3A_568 = arith.select %and3A_566, %add3A_567, %rem3A_558 : i32
      %mul3A_569 = arith.constant 64 : i32
      %mul3A_570 = arith.muli %select_n3A_568, %mul3A_569 : i32
      %add3A_571 = arith.addi %add3A_552, %mul3A_570 : i32
      %multiple_of3A_572 = tpu.assume_multiple %add3A_571, 64 : i32
      %dma_start3A_573 = arith.constant 0 : i32
      %dma_start3A_574 = tpu.memref_slice %arg4[%multiple_of3A_572, %dma_start3A_573] : memref<655360x128xf32, #tpu.memory_space<hbm>> -> memref<64x128xf32, #tpu.memory_space<hbm>>
      %dma_start3A_575 = arith.constant 0 : i32
      %dma_start3A_576 = tpu.memref_slice %arg4[%multiple_of3A_572, %dma_start3A_575] : memref<655360x128xf32, #tpu.memory_space<hbm>> -> memref<64x128xf32, #tpu.memory_space<hbm>>
      tpu.enqueue_dma source(%arg7 : memref<64x128xf32, #tpu.memory_space<vmem>>) target(%dma_start3A_576 : memref<64x128xf32, #tpu.memory_space<hbm>>) target_semaphore(%arg12 : memref<!tpu.dma_semaphore, #tpu.memory_space<semaphore_mem>>)
      %add3A_577 = arith.constant 1 : i32
      %add3A_578 = arith.addi %add3A_470, %add3A_577 : i32
      %jit3A_579 = arith.constant 64 : i32
      %eq3A_580 = arith.constant 0 : i32
      %eq3A_581 = arith.cmpi eq, %jit3A_579, %eq3A_580 : i32
      %jit3A_582 = arith.constant 1 : i32
      %select_n3A_583 = arith.select %eq3A_581, %jit3A_582, %jit3A_579 : i32
      %rem3A_584 = arith.remsi %add3A_578, %select_n3A_583 : i32
      %ne3A_585 = arith.constant 0 : i32
      %ne3A_586 = arith.cmpi ne, %rem3A_584, %ne3A_585 : i32
      %lt3A_587 = arith.constant 0 : i32
      %lt3A_588 = arith.cmpi slt, %rem3A_584, %lt3A_587 : i32
      %lt3A_589 = arith.constant 0 : i32
      %lt3A_590 = arith.cmpi slt, %select_n3A_583, %lt3A_589 : i32
      %ne3A_591 = arith.xori %lt3A_588, %lt3A_590 : i1
      %and3A_592 = arith.andi %ne3A_591, %ne3A_586 : i1
      %add3A_593 = arith.addi %rem3A_584, %select_n3A_583 : i32
      %select_n3A_594 = arith.select %and3A_592, %add3A_593, %rem3A_584 : i32
      %jit3A_595 = arith.constant 2 : i32
      %div3A_596 = arith.divsi %select_n3A_594, %jit3A_595 : i32
      %sign3A_597 = arith.constant 0 : i32
      %sign3A_598 = arith.cmpi sgt, %select_n3A_594, %sign3A_597 : i32
      %sign3A_599 = arith.extui %sign3A_598 : i1 to i32
      %sign3A_600 = arith.constant 0 : i32
      %sign3A_601 = arith.cmpi slt, %select_n3A_594, %sign3A_600 : i32
      %sign3A_602 = arith.extui %sign3A_601 : i1 to i32
      %sign3A_603 = arith.subi %sign3A_599, %sign3A_602 : i32
      %sign3A_604 = arith.constant 0 : i32
      %sign3A_605 = arith.cmpi sgt, %jit3A_595, %sign3A_604 : i32
      %sign3A_606 = arith.extui %sign3A_605 : i1 to i32
      %sign3A_607 = arith.constant 0 : i32
      %sign3A_608 = arith.cmpi slt, %jit3A_595, %sign3A_607 : i32
      %sign3A_609 = arith.extui %sign3A_608 : i1 to i32
      %sign3A_610 = arith.subi %sign3A_606, %sign3A_609 : i32
      %ne3A_611 = arith.cmpi ne, %sign3A_603, %sign3A_610 : i32
      %rem3A_612 = arith.remsi %select_n3A_594, %jit3A_595 : i32
      %ne3A_613 = arith.constant 0 : i32
      %ne3A_614 = arith.cmpi ne, %rem3A_612, %ne3A_613 : i32
      %and3A_615 = arith.andi %ne3A_611, %ne3A_614 : i1
      %sub3A_616 = arith.constant 1 : i32
      %sub3A_617 = arith.subi %div3A_596, %sub3A_616 : i32
      %select_n3A_618 = arith.select %and3A_615, %sub3A_617, %div3A_596 : i32
      %jit3A_619 = arith.constant 2 : i32
      %eq3A_620 = arith.constant 0 : i32
      %eq3A_621 = arith.cmpi eq, %jit3A_619, %eq3A_620 : i32
      %jit3A_622 = arith.constant 1 : i32
      %select_n3A_623 = arith.select %eq3A_621, %jit3A_622, %jit3A_619 : i32
      %rem3A_624 = arith.remsi %select_n3A_594, %select_n3A_623 : i32
      %ne3A_625 = arith.constant 0 : i32
      %ne3A_626 = arith.cmpi ne, %rem3A_624, %ne3A_625 : i32
      %lt3A_627 = arith.constant 0 : i32
      %lt3A_628 = arith.cmpi slt, %rem3A_624, %lt3A_627 : i32
      %lt3A_629 = arith.constant 0 : i32
      %lt3A_630 = arith.cmpi slt, %select_n3A_623, %lt3A_629 : i32
      %ne3A_631 = arith.xori %lt3A_628, %lt3A_630 : i1
      %and3A_632 = arith.andi %ne3A_631, %ne3A_626 : i1
      %add3A_633 = arith.addi %rem3A_624, %select_n3A_623 : i32
      %select_n3A_634 = arith.select %and3A_632, %add3A_633, %rem3A_624 : i32
      %mul3A_635 = arith.constant 64 : i32
      %mul3A_636 = arith.muli %select_n3A_634, %mul3A_635 : i32
      %dma_wait3A_637 = tpu.memref_slice %arg5[%select_n3A_618, %mul3A_636] : memref<32x128xi32, #tpu.memory_space<vmem>> -> memref<1x64xi32, #tpu.memory_space<vmem>>
      %dma_wait3A_638 = tpu.memref_squeeze %dma_wait3A_637 : memref<1x64xi32, #tpu.memory_space<vmem>> -> memref<64xi32, #tpu.memory_space<vmem>>
      %dma_wait3A_639 = arith.constant 0 : i32
      %dma_wait3A_640 = arith.constant 0 : i32
      %dma_wait3A_641 = tpu.memref_slice %arg9[%dma_wait3A_639, %dma_wait3A_640] : memref<12288x128xf32, #tpu.memory_space<vmem_shared>> -> memref<12288x128xf32, #tpu.memory_space<vmem_shared>>
      tpu.wait_indirect_dma semaphore(%arg11 : memref<!tpu.dma_semaphore, #tpu.memory_space<semaphore_mem>>) src(%dma_wait3A_641 : memref<12288x128xf32, #tpu.memory_space<vmem_shared>>) dst(%arg8 : memref<64x128xf32, #tpu.memory_space<vmem>>)
      %add3A_642 = arith.constant 1 : i32
      %add3A_643 = arith.addi %add3A_470, %add3A_642 : i32
      %jit3A_644 = arith.constant 16 : i32
      %div3A_645 = arith.divsi %add3A_643, %jit3A_644 : i32
      %sign3A_646 = arith.constant 0 : i32
      %sign3A_647 = arith.cmpi sgt, %add3A_643, %sign3A_646 : i32
      %sign3A_648 = arith.extui %sign3A_647 : i1 to i32
      %sign3A_649 = arith.constant 0 : i32
      %sign3A_650 = arith.cmpi slt, %add3A_643, %sign3A_649 : i32
      %sign3A_651 = arith.extui %sign3A_650 : i1 to i32
      %sign3A_652 = arith.subi %sign3A_648, %sign3A_651 : i32
      %sign3A_653 = arith.constant 0 : i32
      %sign3A_654 = arith.cmpi sgt, %jit3A_644, %sign3A_653 : i32
      %sign3A_655 = arith.extui %sign3A_654 : i1 to i32
      %sign3A_656 = arith.constant 0 : i32
      %sign3A_657 = arith.cmpi slt, %jit3A_644, %sign3A_656 : i32
      %sign3A_658 = arith.extui %sign3A_657 : i1 to i32
      %sign3A_659 = arith.subi %sign3A_655, %sign3A_658 : i32
      %ne3A_660 = arith.cmpi ne, %sign3A_652, %sign3A_659 : i32
      %rem3A_661 = arith.remsi %add3A_643, %jit3A_644 : i32
      %ne3A_662 = arith.constant 0 : i32
      %ne3A_663 = arith.cmpi ne, %rem3A_661, %ne3A_662 : i32
      %and3A_664 = arith.andi %ne3A_660, %ne3A_663 : i1
      %sub3A_665 = arith.constant 1 : i32
      %sub3A_666 = arith.subi %div3A_645, %sub3A_665 : i32
      %select_n3A_667 = arith.select %and3A_664, %sub3A_666, %div3A_645 : i32
      %mul3A_668 = arith.constant 32768 : i32
      %mul3A_669 = arith.muli %select_n3A_667, %mul3A_668 : i32
      %mul3A_670 = arith.constant 1024 : i32
      %mul3A_671 = arith.muli %add3A, %mul3A_670 : i32
      %add3A_672 = arith.addi %mul3A_669, %mul3A_671 : i32
      %jit3A_673 = arith.constant 16 : i32
      %eq3A_674 = arith.constant 0 : i32
      %eq3A_675 = arith.cmpi eq, %jit3A_673, %eq3A_674 : i32
      %jit3A_676 = arith.constant 1 : i32
      %select_n3A_677 = arith.select %eq3A_675, %jit3A_676, %jit3A_673 : i32
      %rem3A_678 = arith.remsi %add3A_643, %select_n3A_677 : i32
      %ne3A_679 = arith.constant 0 : i32
      %ne3A_680 = arith.cmpi ne, %rem3A_678, %ne3A_679 : i32
      %lt3A_681 = arith.constant 0 : i32
      %lt3A_682 = arith.cmpi slt, %rem3A_678, %lt3A_681 : i32
      %lt3A_683 = arith.constant 0 : i32
      %lt3A_684 = arith.cmpi slt, %select_n3A_677, %lt3A_683 : i32
      %ne3A_685 = arith.xori %lt3A_682, %lt3A_684 : i1
      %and3A_686 = arith.andi %ne3A_685, %ne3A_680 : i1
      %add3A_687 = arith.addi %rem3A_678, %select_n3A_677 : i32
      %select_n3A_688 = arith.select %and3A_686, %add3A_687, %rem3A_678 : i32
      %mul3A_689 = arith.constant 64 : i32
      %mul3A_690 = arith.muli %select_n3A_688, %mul3A_689 : i32
      %add3A_691 = arith.addi %add3A_672, %mul3A_690 : i32
      %multiple_of3A_692 = tpu.assume_multiple %add3A_691, 64 : i32
      %dma_start3A_693 = arith.constant 0 : i32
      %dma_start3A_694 = tpu.memref_slice %arg4[%multiple_of3A_692, %dma_start3A_693] : memref<655360x128xf32, #tpu.memory_space<hbm>> -> memref<64x128xf32, #tpu.memory_space<hbm>>
      %dma_start3A_695 = arith.constant 0 : i32
      %dma_start3A_696 = tpu.memref_slice %arg4[%multiple_of3A_692, %dma_start3A_695] : memref<655360x128xf32, #tpu.memory_space<hbm>> -> memref<64x128xf32, #tpu.memory_space<hbm>>
      tpu.enqueue_dma source(%arg8 : memref<64x128xf32, #tpu.memory_space<vmem>>) target(%dma_start3A_696 : memref<64x128xf32, #tpu.memory_space<hbm>>) target_semaphore(%arg13 : memref<!tpu.dma_semaphore, #tpu.memory_space<semaphore_mem>>)
      %jit3A_697 = arith.constant 16 : i32
      %div3A_698 = arith.divsi %add3A_470, %jit3A_697 : i32
      %sign3A_699 = arith.constant 0 : i32
      %sign3A_700 = arith.cmpi sgt, %add3A_470, %sign3A_699 : i32
      %sign3A_701 = arith.extui %sign3A_700 : i1 to i32
      %sign3A_702 = arith.constant 0 : i32
      %sign3A_703 = arith.cmpi slt, %add3A_470, %sign3A_702 : i32
      %sign3A_704 = arith.extui %sign3A_703 : i1 to i32
      %sign3A_705 = arith.subi %sign3A_701, %sign3A_704 : i32
      %sign3A_706 = arith.constant 0 : i32
      %sign3A_707 = arith.cmpi sgt, %jit3A_697, %sign3A_706 : i32
      %sign3A_708 = arith.extui %sign3A_707 : i1 to i32
      %sign3A_709 = arith.constant 0 : i32
      %sign3A_710 = arith.cmpi slt, %jit3A_697, %sign3A_709 : i32
      %sign3A_711 = arith.extui %sign3A_710 : i1 to i32
      %sign3A_712 = arith.subi %sign3A_708, %sign3A_711 : i32
      %ne3A_713 = arith.cmpi ne, %sign3A_705, %sign3A_712 : i32
      %rem3A_714 = arith.remsi %add3A_470, %jit3A_697 : i32
      %ne3A_715 = arith.constant 0 : i32
      %ne3A_716 = arith.cmpi ne, %rem3A_714, %ne3A_715 : i32
      %and3A_717 = arith.andi %ne3A_713, %ne3A_716 : i1
      %sub3A_718 = arith.constant 1 : i32
      %sub3A_719 = arith.subi %div3A_698, %sub3A_718 : i32
      %select_n3A_720 = arith.select %and3A_717, %sub3A_719, %div3A_698 : i32
      %mul3A_721 = arith.constant 32768 : i32
      %mul3A_722 = arith.muli %select_n3A_720, %mul3A_721 : i32
      %mul3A_723 = arith.constant 1024 : i32
      %mul3A_724 = arith.muli %add3A, %mul3A_723 : i32
      %add3A_725 = arith.addi %mul3A_722, %mul3A_724 : i32
      %jit3A_726 = arith.constant 16 : i32
      %eq3A_727 = arith.constant 0 : i32
      %eq3A_728 = arith.cmpi eq, %jit3A_726, %eq3A_727 : i32
      %jit3A_729 = arith.constant 1 : i32
      %select_n3A_730 = arith.select %eq3A_728, %jit3A_729, %jit3A_726 : i32
      %rem3A_731 = arith.remsi %add3A_470, %select_n3A_730 : i32
      %ne3A_732 = arith.constant 0 : i32
      %ne3A_733 = arith.cmpi ne, %rem3A_731, %ne3A_732 : i32
      %lt3A_734 = arith.constant 0 : i32
      %lt3A_735 = arith.cmpi slt, %rem3A_731, %lt3A_734 : i32
      %lt3A_736 = arith.constant 0 : i32
      %lt3A_737 = arith.cmpi slt, %select_n3A_730, %lt3A_736 : i32
      %ne3A_738 = arith.xori %lt3A_735, %lt3A_737 : i1
      %and3A_739 = arith.andi %ne3A_738, %ne3A_733 : i1
      %add3A_740 = arith.addi %rem3A_731, %select_n3A_730 : i32
      %select_n3A_741 = arith.select %and3A_739, %add3A_740, %rem3A_731 : i32
      %mul3A_742 = arith.constant 64 : i32
      %mul3A_743 = arith.muli %select_n3A_741, %mul3A_742 : i32
      %add3A_744 = arith.addi %add3A_725, %mul3A_743 : i32
      %multiple_of3A_745 = tpu.assume_multiple %add3A_744, 64 : i32
      %dma_wait3A_746 = arith.constant 0 : i32
      %dma_wait3A_747 = tpu.memref_slice %arg4[%multiple_of3A_745, %dma_wait3A_746] : memref<655360x128xf32, #tpu.memory_space<hbm>> -> memref<64x128xf32, #tpu.memory_space<hbm>>
      %dma_wait3A_748 = arith.constant 0 : i32
      %dma_wait3A_749 = tpu.memref_slice %arg4[%multiple_of3A_745, %dma_wait3A_748] : memref<655360x128xf32, #tpu.memory_space<hbm>> -> memref<64x128xf32, #tpu.memory_space<hbm>>
      tpu.wait_dma2 semaphore(%arg12 : memref<!tpu.dma_semaphore, #tpu.memory_space<semaphore_mem>>) src(%arg7 : memref<64x128xf32, #tpu.memory_space<vmem>>) dst(%dma_wait3A_749 : memref<64x128xf32, #tpu.memory_space<hbm>>)
      %add3A_750 = arith.constant 2 : i32
      %add3A_751 = arith.addi %add3A_470, %add3A_750 : i32
      %jit3A_752 = arith.constant 64 : i32
      %eq3A_753 = arith.constant 0 : i32
      %eq3A_754 = arith.cmpi eq, %jit3A_752, %eq3A_753 : i32
      %jit3A_755 = arith.constant 1 : i32
      %select_n3A_756 = arith.select %eq3A_754, %jit3A_755, %jit3A_752 : i32
      %rem3A_757 = arith.remsi %add3A_751, %select_n3A_756 : i32
      %ne3A_758 = arith.constant 0 : i32
      %ne3A_759 = arith.cmpi ne, %rem3A_757, %ne3A_758 : i32
      %lt3A_760 = arith.constant 0 : i32
      %lt3A_761 = arith.cmpi slt, %rem3A_757, %lt3A_760 : i32
      %lt3A_762 = arith.constant 0 : i32
      %lt3A_763 = arith.cmpi slt, %select_n3A_756, %lt3A_762 : i32
      %ne3A_764 = arith.xori %lt3A_761, %lt3A_763 : i1
      %and3A_765 = arith.andi %ne3A_764, %ne3A_759 : i1
      %add3A_766 = arith.addi %rem3A_757, %select_n3A_756 : i32
      %select_n3A_767 = arith.select %and3A_765, %add3A_766, %rem3A_757 : i32
      %jit3A_768 = arith.constant 2 : i32
      %div3A_769 = arith.divsi %select_n3A_767, %jit3A_768 : i32
      %sign3A_770 = arith.constant 0 : i32
      %sign3A_771 = arith.cmpi sgt, %select_n3A_767, %sign3A_770 : i32
      %sign3A_772 = arith.extui %sign3A_771 : i1 to i32
      %sign3A_773 = arith.constant 0 : i32
      %sign3A_774 = arith.cmpi slt, %select_n3A_767, %sign3A_773 : i32
      %sign3A_775 = arith.extui %sign3A_774 : i1 to i32
      %sign3A_776 = arith.subi %sign3A_772, %sign3A_775 : i32
      %sign3A_777 = arith.constant 0 : i32
      %sign3A_778 = arith.cmpi sgt, %jit3A_768, %sign3A_777 : i32
      %sign3A_779 = arith.extui %sign3A_778 : i1 to i32
      %sign3A_780 = arith.constant 0 : i32
      %sign3A_781 = arith.cmpi slt, %jit3A_768, %sign3A_780 : i32
      %sign3A_782 = arith.extui %sign3A_781 : i1 to i32
      %sign3A_783 = arith.subi %sign3A_779, %sign3A_782 : i32
      %ne3A_784 = arith.cmpi ne, %sign3A_776, %sign3A_783 : i32
      %rem3A_785 = arith.remsi %select_n3A_767, %jit3A_768 : i32
      %ne3A_786 = arith.constant 0 : i32
      %ne3A_787 = arith.cmpi ne, %rem3A_785, %ne3A_786 : i32
      %and3A_788 = arith.andi %ne3A_784, %ne3A_787 : i1
      %sub3A_789 = arith.constant 1 : i32
      %sub3A_790 = arith.subi %div3A_769, %sub3A_789 : i32
      %select_n3A_791 = arith.select %and3A_788, %sub3A_790, %div3A_769 : i32
      %jit3A_792 = arith.constant 2 : i32
      %eq3A_793 = arith.constant 0 : i32
      %eq3A_794 = arith.cmpi eq, %jit3A_792, %eq3A_793 : i32
      %jit3A_795 = arith.constant 1 : i32
      %select_n3A_796 = arith.select %eq3A_794, %jit3A_795, %jit3A_792 : i32
      %rem3A_797 = arith.remsi %select_n3A_767, %select_n3A_796 : i32
      %ne3A_798 = arith.constant 0 : i32
      %ne3A_799 = arith.cmpi ne, %rem3A_797, %ne3A_798 : i32
      %lt3A_800 = arith.constant 0 : i32
      %lt3A_801 = arith.cmpi slt, %rem3A_797, %lt3A_800 : i32
      %lt3A_802 = arith.constant 0 : i32
      %lt3A_803 = arith.cmpi slt, %select_n3A_796, %lt3A_802 : i32
      %ne3A_804 = arith.xori %lt3A_801, %lt3A_803 : i1
      %and3A_805 = arith.andi %ne3A_804, %ne3A_799 : i1
      %add3A_806 = arith.addi %rem3A_797, %select_n3A_796 : i32
      %select_n3A_807 = arith.select %and3A_805, %add3A_806, %rem3A_797 : i32
      %mul3A_808 = arith.constant 64 : i32
      %mul3A_809 = arith.muli %select_n3A_807, %mul3A_808 : i32
      %dma_start3A_810 = tpu.memref_slice %arg5[%select_n3A_791, %mul3A_809] : memref<32x128xi32, #tpu.memory_space<vmem>> -> memref<1x64xi32, #tpu.memory_space<vmem>>
      %dma_start3A_811 = tpu.memref_squeeze %dma_start3A_810 : memref<1x64xi32, #tpu.memory_space<vmem>> -> memref<64xi32, #tpu.memory_space<vmem>>
      %dma_start3A_812 = arith.constant 0 : i32
      %dma_start3A_813 = arith.constant 0 : i32
      %dma_start3A_814 = tpu.memref_slice %arg9[%dma_start3A_812, %dma_start3A_813] : memref<12288x128xf32, #tpu.memory_space<vmem_shared>> -> memref<12288x128xf32, #tpu.memory_space<vmem_shared>>
      tpu.enqueue_indirect_dma source(%dma_start3A_814 : memref<12288x128xf32, #tpu.memory_space<vmem_shared>>) target(%arg7 : memref<64x128xf32, #tpu.memory_space<vmem>>) offsets(%dma_start3A_811 : memref<64xi32, #tpu.memory_space<vmem>>) semaphore(%arg10 : memref<!tpu.dma_semaphore, #tpu.memory_space<semaphore_mem>>)
      %add3A_815 = arith.constant 1 : i32
      %add3A_816 = arith.addi %add3A_470, %add3A_815 : i32
      %jit3A_817 = arith.constant 16 : i32
      %div3A_818 = arith.divsi %add3A_816, %jit3A_817 : i32
      %sign3A_819 = arith.constant 0 : i32
      %sign3A_820 = arith.cmpi sgt, %add3A_816, %sign3A_819 : i32
      %sign3A_821 = arith.extui %sign3A_820 : i1 to i32
      %sign3A_822 = arith.constant 0 : i32
      %sign3A_823 = arith.cmpi slt, %add3A_816, %sign3A_822 : i32
      %sign3A_824 = arith.extui %sign3A_823 : i1 to i32
      %sign3A_825 = arith.subi %sign3A_821, %sign3A_824 : i32
      %sign3A_826 = arith.constant 0 : i32
      %sign3A_827 = arith.cmpi sgt, %jit3A_817, %sign3A_826 : i32
      %sign3A_828 = arith.extui %sign3A_827 : i1 to i32
      %sign3A_829 = arith.constant 0 : i32
      %sign3A_830 = arith.cmpi slt, %jit3A_817, %sign3A_829 : i32
      %sign3A_831 = arith.extui %sign3A_830 : i1 to i32
      %sign3A_832 = arith.subi %sign3A_828, %sign3A_831 : i32
      %ne3A_833 = arith.cmpi ne, %sign3A_825, %sign3A_832 : i32
      %rem3A_834 = arith.remsi %add3A_816, %jit3A_817 : i32
      %ne3A_835 = arith.constant 0 : i32
      %ne3A_836 = arith.cmpi ne, %rem3A_834, %ne3A_835 : i32
      %and3A_837 = arith.andi %ne3A_833, %ne3A_836 : i1
      %sub3A_838 = arith.constant 1 : i32
      %sub3A_839 = arith.subi %div3A_818, %sub3A_838 : i32
      %select_n3A_840 = arith.select %and3A_837, %sub3A_839, %div3A_818 : i32
      %mul3A_841 = arith.constant 32768 : i32
      %mul3A_842 = arith.muli %select_n3A_840, %mul3A_841 : i32
      %mul3A_843 = arith.constant 1024 : i32
      %mul3A_844 = arith.muli %add3A, %mul3A_843 : i32
      %add3A_845 = arith.addi %mul3A_842, %mul3A_844 : i32
      %jit3A_846 = arith.constant 16 : i32
      %eq3A_847 = arith.constant 0 : i32
      %eq3A_848 = arith.cmpi eq, %jit3A_846, %eq3A_847 : i32
      %jit3A_849 = arith.constant 1 : i32
      %select_n3A_850 = arith.select %eq3A_848, %jit3A_849, %jit3A_846 : i32
      %rem3A_851 = arith.remsi %add3A_816, %select_n3A_850 : i32
      %ne3A_852 = arith.constant 0 : i32
      %ne3A_853 = arith.cmpi ne, %rem3A_851, %ne3A_852 : i32
      %lt3A_854 = arith.constant 0 : i32
      %lt3A_855 = arith.cmpi slt, %rem3A_851, %lt3A_854 : i32
      %lt3A_856 = arith.constant 0 : i32
      %lt3A_857 = arith.cmpi slt, %select_n3A_850, %lt3A_856 : i32
      %ne3A_858 = arith.xori %lt3A_855, %lt3A_857 : i1
      %and3A_859 = arith.andi %ne3A_858, %ne3A_853 : i1
      %add3A_860 = arith.addi %rem3A_851, %select_n3A_850 : i32
      %select_n3A_861 = arith.select %and3A_859, %add3A_860, %rem3A_851 : i32
      %mul3A_862 = arith.constant 64 : i32
      %mul3A_863 = arith.muli %select_n3A_861, %mul3A_862 : i32
      %add3A_864 = arith.addi %add3A_845, %mul3A_863 : i32
      %multiple_of3A_865 = tpu.assume_multiple %add3A_864, 64 : i32
      %dma_wait3A_866 = arith.constant 0 : i32
      %dma_wait3A_867 = tpu.memref_slice %arg4[%multiple_of3A_865, %dma_wait3A_866] : memref<655360x128xf32, #tpu.memory_space<hbm>> -> memref<64x128xf32, #tpu.memory_space<hbm>>
      %dma_wait3A_868 = arith.constant 0 : i32
      %dma_wait3A_869 = tpu.memref_slice %arg4[%multiple_of3A_865, %dma_wait3A_868] : memref<655360x128xf32, #tpu.memory_space<hbm>> -> memref<64x128xf32, #tpu.memory_space<hbm>>
      tpu.wait_dma2 semaphore(%arg13 : memref<!tpu.dma_semaphore, #tpu.memory_space<semaphore_mem>>) src(%arg8 : memref<64x128xf32, #tpu.memory_space<vmem>>) dst(%dma_wait3A_869 : memref<64x128xf32, #tpu.memory_space<hbm>>)
      %add3A_870 = arith.constant 3 : i32
      %add3A_871 = arith.addi %add3A_470, %add3A_870 : i32
      %jit3A_872 = arith.constant 64 : i32
      %eq3A_873 = arith.constant 0 : i32
      %eq3A_874 = arith.cmpi eq, %jit3A_872, %eq3A_873 : i32
      %jit3A_875 = arith.constant 1 : i32
      %select_n3A_876 = arith.select %eq3A_874, %jit3A_875, %jit3A_872 : i32
      %rem3A_877 = arith.remsi %add3A_871, %select_n3A_876 : i32
      %ne3A_878 = arith.constant 0 : i32
      %ne3A_879 = arith.cmpi ne, %rem3A_877, %ne3A_878 : i32
      %lt3A_880 = arith.constant 0 : i32
      %lt3A_881 = arith.cmpi slt, %rem3A_877, %lt3A_880 : i32
      %lt3A_882 = arith.constant 0 : i32
      %lt3A_883 = arith.cmpi slt, %select_n3A_876, %lt3A_882 : i32
      %ne3A_884 = arith.xori %lt3A_881, %lt3A_883 : i1
      %and3A_885 = arith.andi %ne3A_884, %ne3A_879 : i1
      %add3A_886 = arith.addi %rem3A_877, %select_n3A_876 : i32
      %select_n3A_887 = arith.select %and3A_885, %add3A_886, %rem3A_877 : i32
      %jit3A_888 = arith.constant 2 : i32
      %div3A_889 = arith.divsi %select_n3A_887, %jit3A_888 : i32
      %sign3A_890 = arith.constant 0 : i32
      %sign3A_891 = arith.cmpi sgt, %select_n3A_887, %sign3A_890 : i32
      %sign3A_892 = arith.extui %sign3A_891 : i1 to i32
      %sign3A_893 = arith.constant 0 : i32
      %sign3A_894 = arith.cmpi slt, %select_n3A_887, %sign3A_893 : i32
      %sign3A_895 = arith.extui %sign3A_894 : i1 to i32
      %sign3A_896 = arith.subi %sign3A_892, %sign3A_895 : i32
      %sign3A_897 = arith.constant 0 : i32
      %sign3A_898 = arith.cmpi sgt, %jit3A_888, %sign3A_897 : i32
      %sign3A_899 = arith.extui %sign3A_898 : i1 to i32
      %sign3A_900 = arith.constant 0 : i32
      %sign3A_901 = arith.cmpi slt, %jit3A_888, %sign3A_900 : i32
      %sign3A_902 = arith.extui %sign3A_901 : i1 to i32
      %sign3A_903 = arith.subi %sign3A_899, %sign3A_902 : i32
      %ne3A_904 = arith.cmpi ne, %sign3A_896, %sign3A_903 : i32
      %rem3A_905 = arith.remsi %select_n3A_887, %jit3A_888 : i32
      %ne3A_906 = arith.constant 0 : i32
      %ne3A_907 = arith.cmpi ne, %rem3A_905, %ne3A_906 : i32
      %and3A_908 = arith.andi %ne3A_904, %ne3A_907 : i1
      %sub3A_909 = arith.constant 1 : i32
      %sub3A_910 = arith.subi %div3A_889, %sub3A_909 : i32
      %select_n3A_911 = arith.select %and3A_908, %sub3A_910, %div3A_889 : i32
      %jit3A_912 = arith.constant 2 : i32
      %eq3A_913 = arith.constant 0 : i32
      %eq3A_914 = arith.cmpi eq, %jit3A_912, %eq3A_913 : i32
      %jit3A_915 = arith.constant 1 : i32
      %select_n3A_916 = arith.select %eq3A_914, %jit3A_915, %jit3A_912 : i32
      %rem3A_917 = arith.remsi %select_n3A_887, %select_n3A_916 : i32
      %ne3A_918 = arith.constant 0 : i32
      %ne3A_919 = arith.cmpi ne, %rem3A_917, %ne3A_918 : i32
      %lt3A_920 = arith.constant 0 : i32
      %lt3A_921 = arith.cmpi slt, %rem3A_917, %lt3A_920 : i32
      %lt3A_922 = arith.constant 0 : i32
      %lt3A_923 = arith.cmpi slt, %select_n3A_916, %lt3A_922 : i32
      %ne3A_924 = arith.xori %lt3A_921, %lt3A_923 : i1
      %and3A_925 = arith.andi %ne3A_924, %ne3A_919 : i1
      %add3A_926 = arith.addi %rem3A_917, %select_n3A_916 : i32
      %select_n3A_927 = arith.select %and3A_925, %add3A_926, %rem3A_917 : i32
      %mul3A_928 = arith.constant 64 : i32
      %mul3A_929 = arith.muli %select_n3A_927, %mul3A_928 : i32
      %dma_start3A_930 = tpu.memref_slice %arg5[%select_n3A_911, %mul3A_929] : memref<32x128xi32, #tpu.memory_space<vmem>> -> memref<1x64xi32, #tpu.memory_space<vmem>>
      %dma_start3A_931 = tpu.memref_squeeze %dma_start3A_930 : memref<1x64xi32, #tpu.memory_space<vmem>> -> memref<64xi32, #tpu.memory_space<vmem>>
      %dma_start3A_932 = arith.constant 0 : i32
      %dma_start3A_933 = arith.constant 0 : i32
      %dma_start3A_934 = tpu.memref_slice %arg9[%dma_start3A_932, %dma_start3A_933] : memref<12288x128xf32, #tpu.memory_space<vmem_shared>> -> memref<12288x128xf32, #tpu.memory_space<vmem_shared>>
      tpu.enqueue_indirect_dma source(%dma_start3A_934 : memref<12288x128xf32, #tpu.memory_space<vmem_shared>>) target(%arg8 : memref<64x128xf32, #tpu.memory_space<vmem>>) offsets(%dma_start3A_931 : memref<64xi32, #tpu.memory_space<vmem>>) semaphore(%arg11 : memref<!tpu.dma_semaphore, #tpu.memory_space<semaphore_mem>>)
    }
    %scan3A_407 = arith.constant 31 : i32
    %dma_wait3A_408 = arith.constant 31 : i32
    %dma_wait3A_409 = arith.constant 0 : i32
    %dma_wait3A_410 = tpu.memref_slice %arg5[%dma_wait3A_408, %dma_wait3A_409] : memref<32x128xi32, #tpu.memory_space<vmem>> -> memref<1x64xi32, #tpu.memory_space<vmem>>
    %dma_wait3A_411 = tpu.memref_squeeze %dma_wait3A_410 : memref<1x64xi32, #tpu.memory_space<vmem>> -> memref<64xi32, #tpu.memory_space<vmem>>
    %dma_wait3A_412 = arith.constant 0 : i32
    %dma_wait3A_413 = arith.constant 0 : i32
    %dma_wait3A_414 = tpu.memref_slice %arg9[%dma_wait3A_412, %dma_wait3A_413] : memref<12288x128xf32, #tpu.memory_space<vmem_shared>> -> memref<12288x128xf32, #tpu.memory_space<vmem_shared>>
    tpu.wait_indirect_dma semaphore(%arg10 : memref<!tpu.dma_semaphore, #tpu.memory_space<semaphore_mem>>) src(%dma_wait3A_414 : memref<12288x128xf32, #tpu.memory_space<vmem_shared>>) dst(%arg7 : memref<64x128xf32, #tpu.memory_space<vmem>>)
    %mul3A_415 = arith.constant 1024 : i32
    %mul3A_416 = arith.muli %add3A, %mul3A_415 : i32
    %add3A_417 = arith.constant 622592 : i32
    %add3A_418 = arith.addi %add3A_417, %mul3A_416 : i32
    %add3A_419 = arith.constant 896 : i32
    %add3A_420 = arith.addi %add3A_418, %add3A_419 : i32
    %multiple_of3A_421 = tpu.assume_multiple %add3A_420, 64 : i32
    %dma_start3A_422 = arith.constant 0 : i32
    %dma_start3A_423 = tpu.memref_slice %arg4[%multiple_of3A_421, %dma_start3A_422] : memref<655360x128xf32, #tpu.memory_space<hbm>> -> memref<64x128xf32, #tpu.memory_space<hbm>>
    %dma_start3A_424 = arith.constant 0 : i32
    %dma_start3A_425 = tpu.memref_slice %arg4[%multiple_of3A_421, %dma_start3A_424] : memref<655360x128xf32, #tpu.memory_space<hbm>> -> memref<64x128xf32, #tpu.memory_space<hbm>>
    tpu.enqueue_dma source(%arg7 : memref<64x128xf32, #tpu.memory_space<vmem>>) target(%dma_start3A_425 : memref<64x128xf32, #tpu.memory_space<hbm>>) target_semaphore(%arg12 : memref<!tpu.dma_semaphore, #tpu.memory_space<semaphore_mem>>)
    %dma_wait3A_426 = arith.constant 31 : i32
    %dma_wait3A_427 = arith.constant 64 : i32
    %dma_wait3A_428 = tpu.memref_slice %arg5[%dma_wait3A_426, %dma_wait3A_427] : memref<32x128xi32, #tpu.memory_space<vmem>> -> memref<1x64xi32, #tpu.memory_space<vmem>>
    %dma_wait3A_429 = tpu.memref_squeeze %dma_wait3A_428 : memref<1x64xi32, #tpu.memory_space<vmem>> -> memref<64xi32, #tpu.memory_space<vmem>>
    %dma_wait3A_430 = arith.constant 0 : i32
    %dma_wait3A_431 = arith.constant 0 : i32
    %dma_wait3A_432 = tpu.memref_slice %arg9[%dma_wait3A_430, %dma_wait3A_431] : memref<12288x128xf32, #tpu.memory_space<vmem_shared>> -> memref<12288x128xf32, #tpu.memory_space<vmem_shared>>
    tpu.wait_indirect_dma semaphore(%arg11 : memref<!tpu.dma_semaphore, #tpu.memory_space<semaphore_mem>>) src(%dma_wait3A_432 : memref<12288x128xf32, #tpu.memory_space<vmem_shared>>) dst(%arg8 : memref<64x128xf32, #tpu.memory_space<vmem>>)
    %mul3A_433 = arith.constant 1024 : i32
    %mul3A_434 = arith.muli %add3A, %mul3A_433 : i32
    %add3A_435 = arith.constant 622592 : i32
    %add3A_436 = arith.addi %add3A_435, %mul3A_434 : i32
    %add3A_437 = arith.constant 960 : i32
    %add3A_438 = arith.addi %add3A_436, %add3A_437 : i32
    %multiple_of3A_439 = tpu.assume_multiple %add3A_438, 64 : i32
    %dma_start3A_440 = arith.constant 0 : i32
    %dma_start3A_441 = tpu.memref_slice %arg4[%multiple_of3A_439, %dma_start3A_440] : memref<655360x128xf32, #tpu.memory_space<hbm>> -> memref<64x128xf32, #tpu.memory_space<hbm>>
    %dma_start3A_442 = arith.constant 0 : i32
    %dma_start3A_443 = tpu.memref_slice %arg4[%multiple_of3A_439, %dma_start3A_442] : memref<655360x128xf32, #tpu.memory_space<hbm>> -> memref<64x128xf32, #tpu.memory_space<hbm>>
    tpu.enqueue_dma source(%arg8 : memref<64x128xf32, #tpu.memory_space<vmem>>) target(%dma_start3A_443 : memref<64x128xf32, #tpu.memory_space<hbm>>) target_semaphore(%arg13 : memref<!tpu.dma_semaphore, #tpu.memory_space<semaphore_mem>>)
    %mul3A_444 = arith.constant 1024 : i32
    %mul3A_445 = arith.muli %add3A, %mul3A_444 : i32
    %add3A_446 = arith.constant 622592 : i32
    %add3A_447 = arith.addi %add3A_446, %mul3A_445 : i32
    %add3A_448 = arith.constant 896 : i32
    %add3A_449 = arith.addi %add3A_447, %add3A_448 : i32
    %multiple_of3A_450 = tpu.assume_multiple %add3A_449, 64 : i32
    %dma_wait3A_451 = arith.constant 0 : i32
    %dma_wait3A_452 = tpu.memref_slice %arg4[%multiple_of3A_450, %dma_wait3A_451] : memref<655360x128xf32, #tpu.memory_space<hbm>> -> memref<64x128xf32, #tpu.memory_space<hbm>>
    %dma_wait3A_453 = arith.constant 0 : i32
    %dma_wait3A_454 = tpu.memref_slice %arg4[%multiple_of3A_450, %dma_wait3A_453] : memref<655360x128xf32, #tpu.memory_space<hbm>> -> memref<64x128xf32, #tpu.memory_space<hbm>>
    tpu.wait_dma2 semaphore(%arg12 : memref<!tpu.dma_semaphore, #tpu.memory_space<semaphore_mem>>) src(%arg7 : memref<64x128xf32, #tpu.memory_space<vmem>>) dst(%dma_wait3A_454 : memref<64x128xf32, #tpu.memory_space<hbm>>)
    %mul3A_455 = arith.constant 1024 : i32
    %mul3A_456 = arith.muli %add3A, %mul3A_455 : i32
    %add3A_457 = arith.constant 622592 : i32
    %add3A_458 = arith.addi %add3A_457, %mul3A_456 : i32
    %add3A_459 = arith.constant 960 : i32
    %add3A_460 = arith.addi %add3A_458, %add3A_459 : i32
    %multiple_of3A_461 = tpu.assume_multiple %add3A_460, 64 : i32
    %dma_wait3A_462 = arith.constant 0 : i32
    %dma_wait3A_463 = tpu.memref_slice %arg4[%multiple_of3A_461, %dma_wait3A_462] : memref<655360x128xf32, #tpu.memory_space<hbm>> -> memref<64x128xf32, #tpu.memory_space<hbm>>
    %dma_wait3A_464 = arith.constant 0 : i32
    %dma_wait3A_465 = tpu.memref_slice %arg4[%multiple_of3A_461, %dma_wait3A_464] : memref<655360x128xf32, #tpu.memory_space<hbm>> -> memref<64x128xf32, #tpu.memory_space<hbm>>
    tpu.wait_dma2 semaphore(%arg13 : memref<!tpu.dma_semaphore, #tpu.memory_space<semaphore_mem>>) src(%arg8 : memref<64x128xf32, #tpu.memory_space<vmem>>) dst(%dma_wait3A_465 : memref<64x128xf32, #tpu.memory_space<hbm>>)
    return
  }
}

module attributes {stable_mosaic.version = 14 : i64} {
  func.func @_proj_body(%arg0: memref<1000x512xf32, #tpu.memory_space<vmem>>, %arg1: memref<512x512xf32, #tpu.memory_space<vmem>>, %arg2: memref<1x512xf32, #tpu.memory_space<vmem>>, %arg3: memref<1000x512xf32, #tpu.memory_space<vmem>>) attributes {dimension_semantics = [], scalar_prefetch = 0 : i64, scratch_operands = 0 : i64, tpu.core_type = #tpu.core_type<tc>} {
    %get3A = arith.constant 0 : index
    %get3A_0 = arith.constant 0 : index
    %get3A_1 = vector.load %arg0[%get3A, %get3A_0] : memref<1000x512xf32, #tpu.memory_space<vmem>>, vector<1000x512xf32>
    %get3A_2 = arith.constant 0 : index
    %get3A_3 = arith.constant 0 : index
    %get3A_4 = vector.load %arg1[%get3A_2, %get3A_3] : memref<512x512xf32, #tpu.memory_space<vmem>>, vector<512x512xf32>
    %dot_general3A = arith.constant dense<0.000000e+00> : vector<1000x512xf32>
    %dot_general3A_5 = tpu.matmul %get3A_1, %get3A_4, %dot_general3A {dimension_numbers = #tpu.dot_dimension_numbers<[1], [1], [0], [0], [0, 0, 1, 0], [], []>, transpose_lhs_hint = false} : vector<1000x512xf32>, vector<512x512xf32>, vector<1000x512xf32> -> vector<1000x512xf32>
    %get3A_6 = arith.constant 0 : index
    %get3A_7 = arith.constant 0 : index
    %get3A_8 = vector.load %arg2[%get3A_6, %get3A_7] : memref<1x512xf32, #tpu.memory_space<vmem>>, vector<1x512xf32>
    %add3A = vector.broadcast %get3A_8 : vector<1x512xf32> to vector<1000x512xf32>
    %add3A_9 = arith.addf %dot_general3A_5, %add3A : vector<1000x512xf32>
    %swap3A = arith.constant 0 : index
    %swap3A_10 = arith.constant 0 : index
    %swap3A_11 = vector.load %arg3[%swap3A, %swap3A_10] : memref<1000x512xf32, #tpu.memory_space<vmem>>, vector<1000x512xf32>
    tpu.vector_store %arg3[%swap3A, %swap3A_10], %add3A_9 {strides = array<i32>} : memref<1000x512xf32, #tpu.memory_space<vmem>>, vector<1000x512xf32>,
    return
  }
}

</mosaic_0001>

<sc_bundles>
// kernel: kernel.4.cloned.1.call-start
scs
__scs_entry_jumppad:
0x0: {  	(pc) =	sbr.rel $0x88, $3  }
0x1: {  	(tag) =	ssettag $0x0;
	lr =	simm.s32 $0x1  }
0x2: {  	[smem:$0x3F9C] =	sst lr;
	_ =	strace $0xD0000000  }
0x3: {  	_ = 	snop  }
0x4: {  	_ = 	snop  }
0x5: {  	_ = 	snop  }
0x6: {  	_ = 	snop  }
0x7: {  	_ = 	snop  }
__scs_overlays_trampoline_lowered:
0x8: {  	[smem:$0x3FAB] =	sst s0  }
0x9: {  	[smem:$0x3FAC] =	sst s1  }
0xa: {  	[smem:$0x3FAD] =	sst s2  }
0xb: {  	[smem:$0x3FAE] =	sst s3  }
0xc: {  	[smem:$0x3FAF] =	sst s4  }
0xd: {  	[smem:$0x3FB0] =	sst s5  }
0xe: {  	[smem:$0x3FB1] =	sst s6  }
0xf: {  	[smem:$0x3FB2] =	sst s7  }
0x10: {  	[smem:$0x3FB3] =	sst s8  }
0x11: {  	[smem:$0x3FB4] =	sst s9;
	s0 =	simm.s32 @!p0 $0x0  }
0x12: {  	s1 =	sld [smem:$0x3F9A];
	s0 =	simm.s32 @p0 $0x1  }
0x13: {  	[smem:$0x3FB5] =	sst s0;
	s0 =	simm.s32 @!p1 $0x0  }
0x14: {  	s2 =	sld [smem:$0x3F99];
	s0 =	simm.s32 @p1 $0x1  }
0x15: {  	[smem:$0x3FB6] =	sst s0;
	s0 =	simm.s32 @!p2 $0x0  }
0x16: {  	s3 =	sld [smem:$0x3FDB];
	s0 =	simm.s32 @p2 $0x1  }
0x17: {  	s4 =	simm.s32 $0x1BF5;
	[smem:$0x3FB8] =	sst s0  }
0x18: {  	s0 =	sld [smem:$0x3F9B];
	_ =	swait.ge [sflag:s4], $0x0  }
0x19: {  	s7 =	sld [smem:$0x3F9C]  }
0x1a: {  	s8 =	sadd.s32 $0xFFFFE003, lr  }
0x1b: {  	s9 =	sadd.s32 $0xFFFFFEF7, lr;
	s5 =	simm.s32 $0xFFFFFFFF;
	p2 =	slt.u32 s8, $0xFFFFF086  }
0x1c: {  	p1 =	slt.u32 s9, $0xF7A;
	s5 =	simm.s32 @!p2 $0x0  }
0x1d: {  	s5 =	simm.s32 @p1 $0x1;
	p0 =	seq.s32 s7, s2  }
0x1e: {  	s7 =	smul.u32 @!p0 $0xF7A, s2;
	p2 =	seq.s32 @!p0 s5, $0x0  }
0x1f: {  	s9 =	smul.u32 $0xF7A, s1;
	s8 =	simm.s32 @!p0 $0x1BF5;
	p2 =	por !p2, p0  }
0x20: {  	[sflag:s8] =	ssyncset.s32 @!p0 $0xFFFFF086;
	s6 =	sadd.s32 @!p0 s3, s7;
	s7 =	simm.s32 @!p0 $0x108  }
0x21: {  	s3 =	sadd.s32 s3, s9;
	s6 =	sadd.s32 @!p0 $0x88, s6;
	s7 =	simm.s32 @p2 $0x1082  }
0x22: {  	[simem:s7], [sflag:s8] =	dma.local @!p0 [hbm:s6], $0xF7A  }
0x23: {  	s9 =	sor.u32 $0xD0000000, s2;
	s6 =	simm.s32 $0x108;
	_ =	swait.ge @!p0 [sflag:s8], $0x0  }
0x24: {  	s3 =	sadd.s32 $0x88, s3;
	s6 =	simm.s32 @!p1 $0x1082;
	[sflag:s4] =	ssyncset.s32 $0xFFFFF086  }
0x25: {  	[simem:s6], [sflag:s4] =	dma.local [hbm:s3], $0xF7A  }
0x26: {  	[smem:$0x3F9C] =	sst s1;
	(tag) =	ssettag s2;
	_ =	strace s9  }
0x27: {  	s1 =	sld [smem:$0x3FAC]  }
0x28: {  	s2 =	sld [smem:$0x3FAD]  }
0x29: {  	s4 =	sld [smem:$0x3FAF]  }
0x2a: {  	p0 =	seq.s32 s5, $0x0;
	s5 =	sld [smem:$0x3FB0]  }
0x2b: {  	s6 =	sld [smem:$0x3FB1]  }
0x2c: {  	s7 =	sld [smem:$0x3FB2]  }
0x2d: {  	s3 =	simm.s32 $0x108;
	s8 =	sld [smem:$0x3FB3]  }
0x2e: {  	s3 =	simm.s32 @!p0 $0x1082;
	s9 =	sld [smem:$0x3FB4]  }
0x2f: {  	lr =	sadd.s32 s0, s3;
	s0 =	sld [smem:$0x3FAB]  }
0x30: {  	s3 =	sld [smem:$0x3FAE]  }
0x31: {  	[smem:$0x3FB7] =	sst s10  }
0x32: {  	s10 =	sld [smem:$0x3FB5];
	_ =	sdelay $0x3  }
0x33: {  	p0 =	seq.s32 s10, $0x1;
	s10 =	sld [smem:$0x3FB7];
	_ =	sdelay $0x3  }
0x34: {  	[smem:$0x3FB7] =	sst s10  }
0x35: {  	s10 =	sld [smem:$0x3FB6];
	_ =	sdelay $0x3  }
0x36: {  	p1 =	seq.s32 s10, $0x1;
	s10 =	sld [smem:$0x3FB7];
	_ =	sdelay $0x3  }
0x37: {  	[smem:$0x3FB7] =	sst s10  }
0x38: {  	s10 =	sld [smem:$0x3FB8]  }
0x39: {  	_ = 	snop;
	(pc) =	sbr.ind lr, $3  }
0x3a: {  	_ = 	snop  }
0x3b: {  	_ = 	snop  }
0x3c: {  	p2 =	seq.s32 s10, $0x1;
	s10 =	sld [smem:$0x3FB7]  }
0x3d: {  	_ =	shalt  }
0x3e: {  	_ =	shalt  }
0x3f: {  	_ =	shalt  }
0x40: {  	_ =	shalt  }
0x41: {  	_ =	shalt  }
0x42: {  	_ =	shalt  }
0x43: {  	_ =	shalt  }
0x44: {  	_ =	shalt  }
0x45: {  	_ =	shalt  }
0x46: {  	_ =	shalt  }
0x47: {  	_ =	shalt  }
0x48: {  	_ =	shalt  }
0x49: {  	_ =	shalt  }
0x4a: {  	_ =	shalt  }
0x4b: {  	_ =	shalt  }
0x4c: {  	_ =	shalt  }
0x4d: {  	_ =	shalt  }
0x4e: {  	_ =	shalt  }
0x4f: {  	_ =	shalt  }
0x50: {  	_ =	shalt  }
0x51: {  	_ =	shalt  }
0x52: {  	_ =	shalt  }
0x53: {  	_ =	shalt  }
0x54: {  	_ =	shalt  }
0x55: {  	_ =	shalt  }
0x56: {  	_ =	shalt  }
0x57: {  	_ =	shalt  }
0x58: {  	_ =	shalt  }
0x59: {  	_ =	shalt  }
0x5a: {  	_ =	shalt  }
0x5b: {  	_ =	shalt  }
0x5c: {  	_ =	shalt  }
0x5d: {  	_ =	shalt  }
0x5e: {  	_ =	shalt  }
0x5f: {  	_ =	shalt  }
0x60: {  	_ =	shalt  }
0x61: {  	_ =	shalt  }
0x62: {  	_ =	shalt  }
0x63: {  	_ =	shalt  }
0x64: {  	_ =	shalt  }
0x65: {  	_ =	shalt  }
0x66: {  	_ =	shalt  }
0x67: {  	_ =	shalt  }
0x68: {  	_ =	shalt  }
0x69: {  	_ =	shalt  }
0x6a: {  	_ =	shalt  }
0x6b: {  	_ =	shalt  }
0x6c: {  	_ =	shalt  }
0x6d: {  	_ =	shalt  }
0x6e: {  	_ =	shalt  }
0x6f: {  	_ =	shalt  }
0x70: {  	_ =	shalt  }
0x71: {  	_ =	shalt  }
0x72: {  	_ =	shalt  }
0x73: {  	_ =	shalt  }
0x74: {  	_ =	shalt  }
0x75: {  	_ =	shalt  }
0x76: {  	_ =	shalt  }
0x77: {  	_ =	shalt  }
0x78: {  	_ =	shalt  }
0x79: {  	_ =	shalt  }
0x7a: {  	_ =	shalt  }
0x7b: {  	_ =	shalt  }
0x7c: {  	_ =	shalt  }
0x7d: {  	_ =	shalt  }
0x7e: {  	_ =	shalt  }
0x7f: {  	_ =	shalt  }
0x80: {  	_ =	shalt  }
0x81: {  	_ =	shalt  }
0x82: {  	_ =	shalt  }
0x83: {  	_ =	shalt  }
0x84: {  	_ =	shalt  }
0x85: {  	_ =	shalt  }
0x86: {  	_ =	shalt  }
0x87: {  	_ =	shalt  }
.Lfunc_end0:
.L_simem_size_0:
called_computation_lowered:
.L_overlay_start_0:
0x88: {  	s2 =	sld [smem:$0x3FD9]  }
0x89: {  	s3 =	sld [smem:$0x3FFE];
	_ =	sdelay $0x1  }
0x8a: {  	s1 =	srdreg.scid  }
0x8b: {  	s0 =	sand.u32 $0x1, s1  }
0x8c: {  	s17 =	sshll.u32 s0, $0xA;
	s2 =	sadd.s32 s3, s2  }
0x8d: {  	s2 =	sadd.s32 s2, s17  }
0x8e: {  	[smem:$0x3FC3] =	sst s2  }
0x8f: {  	_ = 	snop  }
0x90: {  	s2 =	sld [smem:$0x3FD0];
	(tm) =	ssettm $0x1  }
0x91: {  	s18 =	sld [smem:$0x3FFB];
	_ =	sdelay $0x3  }
0x92: {  	_ =	strace s18  }
0x93: {  	s3 =	sld [smem:$0x3FFC];
	_ =	sdelay $0x3  }
0x94: {  	_ =	strace s3  }
0x95: {  	s3 =	sld [smem:$0x3FFD];
	_ =	sdelay $0x3  }
0x96: {  	_ =	strace s3  }
0x97: {  	_ =	strace $0x8FFFFFFF  }
0x98: {  	s19 =	sld [smem:$0x3FDB];
	_ =	sdelay $0x1  }
0x99: {  	s4 =	simm.s32 $_scs_section_size  }
0x9a: {  	s5 =	simm.s32 $_size__tile_overlayer_lowered;
	s6 =	simm.s32 $_tile_overlayer_lowered  }
0x9b: {  	s22 =	simm.s32 $0x1BFF;
	s21 =	sshll.u32 s6, $0x1;
	s3 =	sadd.s32 s4, s19  }
0x9c: {  	s7 =	simm.s32 $0x0;
	s20 =	sshll.u32 s5, $0x1;
	s5 =	sadd.s32 s21, s3  }
0x9d: {  	[timem:s7], [sflag:s22] =	dma.local [hbm:s5], s20  }
0x9e: {  	_ =	swait.ge [sflag:s22], s20  }
0x9f: {  	s4 =	ssub.s32 $0x0, s20;
	[sflag:s22] =	ssyncset.done $0x0  }
0xa0: {  	[sflag:s22] =	ssyncadd.s32 s4;
	_ =	sdelay $0x1  }
0xa1: {  	s23 =	simm.s32 $0x1B8B  }
0xa2: {  	_ =	swait.ge [sflag:s23], $0x1  }
0xa3: {  	[sflag:s23] =	ssyncset.done $0x0  }
0xa4: {  	s25 =	simm.s32 $0x1B8E;
	s24 =	sld [smem:$0x3FFE];
	[sflag:s23] =	ssyncadd.s32 $0xFFFFFFFF  }
0xa5: {  	s26 =	simm.s32 $execute0_lowered;
	[smem:$0x3FD2] =	sst s25  }
0xa6: {  	s5 =	sshll.u32 s26, $0x1;
	_ =	strace $0x80000046;
	[dreg:$0x1] =	wrdreg $0xFFFFFFFF  }
0xa7: {  	s28 =	simm.s32 $_size_execute0_lowered;
	s3 =	sadd.s32 s3, s5;
	[dreg:$0x0] =	wrdreg $0x0  }
0xa8: {  	s5 =	sshll.u32 s28, $0x1;
	[dreg:$0x2] =	wrdreg s3  }
0xa9: {  	[dreg:$0x3] =	wrdreg s5  }
0xaa: {  	[dreg:$0x4] =	wrdreg $0xC0  }
0xab: {  	_ =	task [dreg:s7], $0x5FFFF  }
0xac: {  	[dreg:$0x1] =	wrdreg $0xFFFFFFFF  }
0xad: {  	[dreg:$0x0] =	wrdreg $0x60  }
0xae: {  	[dreg:$0x2] =	wrdreg s24  }
0xaf: {  	[dreg:$0x3] =	wrdreg s2  }
0xb0: {  	[dreg:$0x4] =	wrdreg $0x60000  }
0xb1: {  	[dreg:$0x5] =	wrdreg $0x9  }
0xb2: {  	_ =	task.clear_ibuf [dreg:s7], $0x6FFFF;
	_ =	strace $0x90000046  }
0xb3: {  	s29 =	simm.s32 $0x9;
	_ =	strace $0x80000048  }
0xb4: {  	_ =	swait.ge [sflag:s29], $0x1  }
0xb5: {  	[sflag:s29] =	ssyncadd.s32 $0xFFFFFFFF  }
0xb6: {  	_ =	strace $0x90000048  }
0xb7: {  	_ =	sfence  }
0xb8: {  	s30 =	sld [smem:$0x0];
	_ =	sdelay $0x2  }
0xb9: {  	s31 =	sshll.u32 s1, $0xD;
	s1 =	sshrl.u32 s1, $0x2  }
0xba: {  	s3 =	sand.u32 $0x4000, s31;
	s1 =	sadd.s32 s1, s30  }
0xbb: {  	s0 =	sor.u32 s3, s0;
	s1 =	sshll.u32 s1, $0x11  }
0xbc: {  	s0 =	sor.u32 s1, s0  }
0xbd: {  	s0 =	sadd.s32 $0x8F2B, s0  }
0xbe: {  	[sflag:s0] =	ssyncadd.remote.s32 $0x1  }
0xbf: {  	_ =	sfence.sel $0xFFFF  }
0xc0: {  	[dreg:$0x0] =	wrdreg $0xFFFFFFFF;
	(pc) =	sbr.abs _section_cstart, $3  }
0xc1: {  	[dreg:$0x1] =	wrdreg $0xFFFFFFFF  }
0xc2: {  	_ =	task.clear_ibuf [dreg:s7], $0x2FFFF;
	_ =	strace $0x9FFFFFFF  }
0xc3: {  	(tm) =	ssettm $0x7FFFFFFF  }
tec
execute0_lowered:
.L_overlay_start_1:
0x0: {  	(tag) =	ssettag $0x1  }
0x1: {  	s0 =	rddreg [dreg:$0x0]  }
0x2: {  	s1 =	srdreg.scid;
	s2 =	rddreg [dreg:$0x1]  }
0x3: {  	s3 =	rddreg [dreg:$0x2];
	s13 =	stileid.u32;
	s4 =	simm.s32 $0x0  }
0x4: {  	s1 =	sand.u32 $0x1, s1;
	[smem:$0x7FF] =	sst s4;
	s7 =	sadd.s32 $0x15400, s0  }
0x5: {  	s10 =	sshll.u32 s13, $0xF;
	s12 =	sshll.u32 s13, $0xC;
	s21 =	sshll.u32 s13, $0x6  }
0x6: {  	s11 =	sshll.u32 s13, $0x10;
	s28 =	sadd.s32 $0x200000, s2;
	s29 =	sadd.s32 $0x400000, s2  }
0x7: {  	s30 =	sadd.s32 $0x600000, s2;
	s31 =	sadd.s32 $0x800000, s2;
	s5 =	sshll.u32 s1, $0x4  }
0x8: {  	_ =	strace $0x80000047;
	s8 =	ssub.s32 $0x2, s1;
	s1 =	sshll.u32 s1, $0x11  }
0x9: {  	s6 =	sor.u32 s13, s5;
	s13 =	sshll.u32 s13, $0xD;
	s1 =	sadd.s32 s1, s7  }
0xa: {  	s11 =	sadd.s32 s11, s3;
	s15 =	sadd.s32 s10, s3;
	s1 =	sadd.s32 s13, s1  }
0xb: {  	s20 =	sadd.s32 s7, s12;
	s22 =	sshll.u32 s6, $0xE;
	s1 =	sadd.s32 $0x10000, s1  }
0xc: {  	s10 =	simm.s32 $0x2;
	[dreg:$0x4] =	wrdreg s1;
	s1 =	sadd.s32 s22, s2  }
0xd: {  	s12 =	simm.s32 $0x3;
	[dreg:$0x10] =	wrdreg s20;
	s25 =	sadd.s32 $0x183800, s1  }
0xe: {  	s9 =	sshrl.u32 s8, $0x1;
	s26 =	sadd.s32 $0x183C00, s1;
	[dreg:$0x7] =	wrdreg s25  }
0xf: {  	s5 =	smul.u32 $0x5000, s6;
	s14 =	sadd.s32 $0x383800, s1;
	[dreg:$0x8] =	wrdreg s26  }
0x10: {  	s7 =	simm.s32 $0x4000;
	s16 =	sadd.s32 $0x383C00, s1;
	[dreg:$0xa] =	wrdreg s14  }
0x11: {  	s5 =	sshrl.u32 s5, $0x3;
	s17 =	sadd.s32 $0x583800, s1;
	[dreg:$0xb] =	wrdreg s16  }
0x12: {  	s0 =	sadd.s32 s5, s0;
	s19 =	sadd.s32 $0x583C00, s1;
	[dreg:$0xc] =	wrdreg s17  }
0x13: {  	s5 =	sor.u32 $0x1C06, s21;
	s21 =	sadd.s32 $0x783800, s1;
	[dreg:$0xe] =	wrdreg s19  }
0x14: {  	s13 =	sadd.s32 $0x80000, s11;
	s22 =	sadd.s32 $0x783C00, s1;
	[dreg:$0x11] =	wrdreg s21  }
0x15: {  	s8 =	ssub.s32 s8, s9;
	s23 =	sadd.s32 $0x1400, s0;
	[dreg:$0x12] =	wrdreg s22  }
0x16: {  	s11 =	sshll.u32 s6, $0xA;
	s24 =	sadd.s32 $0x1600, s0;
	[dreg:$0x5] =	wrdreg s23  }
0x17: {  	s6 =	simm.s32 $0x2000;
	s9 =	sadd.s32 $0x1800, s0;
	[dreg:$0x6] =	wrdreg s24  }
0x18: {  	s18 =	sadd.s32 $0x1A00, s0;
	s0 =	sadd.s32 $0x1C00, s0;
	[dreg:$0x9] =	wrdreg s9  }
0x19: {  	s25 =	smax.u32 s8, $0x1;
	s26 =	sshrl.u32 s15, $0x3;
	[dreg:$0xd] =	wrdreg s18  }
0x1a: {  	s8 =	simm.s32 $0x1000;
	s14 =	simm.s32 $0x5;
	[dreg:$0xf] =	wrdreg s0  }
0x1b: {  	s15 =	simm.s32 $0x0;
	s23 =	sadd.s32 $0x983800, s1;
	[dreg:$0x15] =	wrdreg s25  }
0x1c: {  	s24 =	sadd.s32 $0x983C00, s1;
	[dreg:$0x16] =	wrdreg s26;
	s26 =	sshrl.u32 s13, $0x3  }
0x1d: {  	s0 =	simm.s32 $0x6;
	s1 =	simm.s32 $0x40;
	[dreg:$0x13] =	wrdreg s23  }
0x1e: {  	s9 =	simm.s32 $0x1;
	s13 =	simm.s32 $0x4;
	[dreg:$0x14] =	wrdreg s24  }
.LBB2_1:
0x1f: {  	s16 =	rddreg [dreg:$0x10]  }
0x20: {  	s17 =	rddreg [dreg:$0x16]  }
0x21: {  	[spmem:s17], [sflag:s5] =	dma.local [hbm:s16], $0x1000  }
0x22: {  	_ =	swait.ge [sflag:s0], $0x1000  }
0x23: {  	[sflag:s0] =	ssyncset.done $0x0  }
0x24: {  	s25 =	rddreg [dreg:$0x4];
	[sflag:s0] =	ssyncadd.s32 $0xFFFFF000  }
0x25: {  	[spmem:s26], [sflag:s5] =	dma.local [hbm:s25], $0x2000  }
0x26: {  	_ =	swait.ge [sflag:s0], $0x2000  }
0x27: {  	[sflag:s0] =	ssyncset.done $0x0  }
0x28: {  	s17 =	rddreg [dreg:$0x5];
	[sflag:s0] =	ssyncadd.s32 $0xFFFFE000  }
0x29: {  	[tilespmem:s4], [sflag:$0x6] =	stream.linear.gather [hbm4b:s17+s4], $0x1000, $0x38;
	[tilespmem:$0x1E000] =	vst v63  }
0x2a: {  	_ =	swait.ge [sflag:s0], $0x1000  }
0x2b: {  	[sflag:s0] =	ssyncset.done $0x0  }
0x2c: {  	[sflag:s0] =	ssyncadd.s32 $0xFFFFF000  }
0x2d: {  	[bflag:$0x0] =	sbarrier.arrive $0xFFFF  }
0x2e: {  	[tilespmem:s6], [sflag:$0x1] =	stream.indirect.gather [spmem:s3], $0x80, s4, s1, $0xb8;
	[tilespmem:$0x1E000] =	vst v63  }
0x2f: {  	_ = 	snop  }
0x30: {  	[tilespmem:s7], [sflag:$0x2] =	stream.indirect.gather [spmem:s3], $0x80, s1, s1, $0xb8;
	[tilespmem:$0x1E000] =	vst v63  }
0x31: {  	s19 =	sand.u32 $0x380, s4;
	s20 =	sand.u32 $0x18000, s4;
	s18 =	rddreg [dreg:$0x6]  }
0x32: {  	[tilespmem:s8], [sflag:$0x5] =	stream.linear.gather [hbm4b:s18+s4], $0x1000, $0x38;
	[tilespmem:$0x1E000] =	vst v63  }
0x33: {  	s18 =	sor.u32 s19, s20  }
0x34: {  	_ =	swait.ge [sflag:s9], $0x2000;
	s18 =	sor.u32 s11, s18  }
0x35: {  	s16 =	sor.u32 s19, s11;
	[sflag:s9] =	ssyncset.done $0x0;
	s18 =	sshll.u32 s18, $0x4  }
0x36: {  	s16 =	sor.u32 s20, s16;
	[sflag:s9] =	ssyncadd.s32 $0xFFFFE000;
	s21 =	sadd.s32 s2, s18  }
0x37: {  	[hbm4b:s21+s4] =	stream.linear.scatter [tilespmem:s6], [sflag:$0x3], $0x2000, $0x38;
	[tilespmem:$0x1E000] =	vst v63  }
0x38: {  	s16 =	sshll.u32 s16, $0x4;
	_ =	swait.ge [sflag:s10], $0x2000  }
0x39: {  	s16 =	sadd.s32 s16, s2;
	[sflag:s10] =	ssyncset.done $0x0  }
0x3a: {  	s22 =	simm.s32 $0x80;
	s16 =	sadd.s32 $0x400, s16;
	[sflag:s10] =	ssyncadd.s32 $0xFFFFE000  }
0x3b: {  	[hbm4b:s16+s4] =	stream.linear.scatter [tilespmem:s7], [sflag:$0x4], $0x2000, $0x38;
	[tilespmem:$0x1E000] =	vst v63  }
0x3c: {  	s23 =	simm.s32 $0x1000;
	s25 =	simm.s32 $0x80;
	_ =	swait.ge [sflag:s12], $0x2000  }
0x3d: {  	s17 =	sand.u32 $0x380, s22;
	s22 =	simm.s32 $0x100;
	[sflag:s12] =	ssyncset.done $0x0  }
0x3e: {  	s24 =	sor.u32 s17, s11;
	s19 =	sand.u32 $0x18000, s23;
	[sflag:s12] =	ssyncadd.s32 $0xFFFFE000  }
0x3f: {  	[tilespmem:s6], [sflag:$0x1] =	stream.indirect.gather [spmem:s3], $0x80, s25, s1, $0xb8;
	[tilespmem:$0x1E000] =	vst v63  }
0x40: {  	s20 =	simm.s32 $0xC0;
	s16 =	sor.u32 s19, s24;
	_ =	swait.ge [sflag:s13], $0x2000  }
0x41: {  	s21 =	simm.s32 $0x2000;
	s16 =	sshll.u32 s16, $0x4;
	[sflag:s13] =	ssyncset.done $0x0  }
0x42: {  	s18 =	sadd.s32 s16, s2;
	s16 =	simm.s32 $0x140;
	[sflag:s13] =	ssyncadd.s32 $0xFFFFE000  }
.LBB2_2:
0x43: {  	[tilespmem:s7], [sflag:$0x2] =	stream.indirect.gather [spmem:s3], $0x80, s20, s1, $0xb8;
	[tilespmem:$0x1E000] =	vst v63  }
0x44: {  	s20 =	smov.u32 s22  }
0x45: {  	s20 =	smov.u32 s16  }
0x46: {  	s23 =	sor.u32 s17, s19;
	s17 =	sand.u32 $0x380, s22;
	_ =	swait.ge [sflag:s9], $0x2000  }
0x47: {  	s19 =	sand.u32 $0x18000, s21;
	s23 =	sor.u32 s11, s23;
	[sflag:s9] =	ssyncset.done $0x0  }
0x48: {  	s24 =	sor.u32 s17, s11;
	s23 =	sshll.u32 s23, $0x4;
	[sflag:s9] =	ssyncadd.s32 $0xFFFFE000  }
0x49: {  	s25 =	sadd.s32 $0x80, s22;
	s24 =	sor.u32 s19, s24;
	s23 =	sadd.s32 s2, s23  }
0x4a: {  	[hbm4b:s23+s4] =	stream.linear.scatter [tilespmem:s6], [sflag:$0x3], $0x2000, $0x38;
	[tilespmem:$0x1E000] =	vst v63  }
0x4b: {  	p0 =	sne.s32 s22, $0xF00;
	s23 =	sshll.u32 s24, $0x4;
	_ =	swait.ge [sflag:s10], $0x2000  }
0x4c: {  	s22 =	sadd.s32 s23, s2;
	[sflag:s10] =	ssyncset.done $0x0  }
0x4d: {  	s23 =	sadd.s32 $0x400, s18;
	s18 =	smov.u32 s22;
	[sflag:s10] =	ssyncadd.s32 $0xFFFFE000  }
0x4e: {  	[hbm4b:s23+s4] =	stream.linear.scatter [tilespmem:s7], [sflag:$0x4], $0x2000, $0x38;
	[tilespmem:$0x1E000] =	vst v63  }
0x4f: {  	_ =	swait.ge [sflag:s12], $0x2000  }
0x50: {  	[sflag:s12] =	ssyncset.done $0x0  }
.Ltmp0:
0x51: {  	s22 =	sadd.s32 $0xFFFFFFC0, s16;
	[sflag:s12] =	ssyncadd.s32 $0xFFFFE000;
	(pc) =	sbr.rel @p0 .LBB2_2-.Ltmp0, $4  }
0x52: {  	[tilespmem:s6], [sflag:$0x1] =	stream.indirect.gather [spmem:s3], $0x80, s22, s1, $0xb8;
	[tilespmem:$0x1E000] =	vst v63  }
0x53: {  	_ =	swait.ge [sflag:s13], $0x2000  }
0x54: {  	s21 =	sadd.s32 $0x1000, s21;
	[sflag:s13] =	ssyncset.done $0x0  }
0x55: {  	s16 =	sadd.s32 $0x80, s16;
	s22 =	smov.u32 s25;
	[sflag:s13] =	ssyncadd.s32 $0xFFFFE000  }
0x56: {  	[tilespmem:s7], [sflag:$0x2] =	stream.indirect.gather [spmem:s3], $0x80, s20, s1, $0xb8;
	[tilespmem:$0x1E000] =	vst v63  }
0x57: {  	s17 =	sor.u32 s17, s19  }
0x58: {  	_ =	swait.ge [sflag:s9], $0x2000;
	s17 =	sor.u32 s11, s17  }
0x59: {  	[sflag:s9] =	ssyncset.done $0x0;
	s17 =	sshll.u32 s17, $0x4  }
0x5a: {  	[sflag:s9] =	ssyncadd.s32 $0xFFFFE000;
	s17 =	sadd.s32 s2, s17  }
0x5b: {  	[hbm4b:s17+s4] =	stream.linear.scatter [tilespmem:s6], [sflag:$0x3], $0x2000, $0x38;
	[tilespmem:$0x1E000] =	vst v63  }
0x5c: {  	_ =	swait.ge [sflag:s10], $0x2000  }
0x5d: {  	[sflag:s10] =	ssyncset.done $0x0  }
0x5e: {  	s23 =	sadd.s32 $0x400, s18;
	[sflag:s10] =	ssyncadd.s32 $0xFFFFE000  }
0x5f: {  	[hbm4b:s23+s4] =	stream.linear.scatter [tilespmem:s7], [sflag:$0x4], $0x2000, $0x38;
	[tilespmem:$0x1E000] =	vst v63  }
0x60: {  	_ =	swait.ge [sflag:s12], $0x2000  }
0x61: {  	[sflag:s12] =	ssyncset.done $0x0  }
0x62: {  	s24 =	sadd.s32 $0xFFFFFFC0, s16;
	[sflag:s12] =	ssyncadd.s32 $0xFFFFE000  }
0x63: {  	[tilespmem:s6], [sflag:$0x1] =	stream.indirect.gather [spmem:s3], $0x80, s24, s1, $0xb8;
	[tilespmem:$0x1E000] =	vst v63  }
0x64: {  	_ =	swait.ge [sflag:s13], $0x2000  }
0x65: {  	[sflag:s13] =	ssyncset.done $0x0  }
0x66: {  	[sflag:s13] =	ssyncadd.s32 $0xFFFFE000  }
0x67: {  	[tilespmem:s7], [sflag:$0x2] =	stream.indirect.gather [spmem:s3], $0x80, s16, s1, $0xb8;
	[tilespmem:$0x1E000] =	vst v63  }
0x68: {  	_ =	swait.ge [sflag:s9], $0x2000  }
0x69: {  	[sflag:s9] =	ssyncset.done $0x0  }
0x6a: {  	s25 =	simm.s32 $0x0;
	s18 =	rddreg [dreg:$0x7];
	[sflag:s9] =	ssyncadd.s32 $0xFFFFE000  }
0x6b: {  	[hbm4b:s18+s25] =	stream.linear.scatter [tilespmem:s6], [sflag:$0x3], $0x2000, $0x38;
	[tilespmem:$0x1E000] =	vst v63  }
0x6c: {  	_ =	swait.ge [sflag:s10], $0x2000  }
0x6d: {  	[sflag:s10] =	ssyncset.done $0x0  }
0x6e: {  	s19 =	rddreg [dreg:$0x8];
	[sflag:s10] =	ssyncadd.s32 $0xFFFFE000  }
0x6f: {  	[hbm4b:s19+s25] =	stream.linear.scatter [tilespmem:s7], [sflag:$0x4], $0x2000, $0x38;
	[tilespmem:$0x1E000] =	vst v63  }
0x70: {  	_ =	swait.ge [sflag:s12], $0x2000  }
0x71: {  	[sflag:s12] =	ssyncset.done $0x0  }
0x72: {  	[sflag:s12] =	ssyncadd.s32 $0xFFFFE000  }
0x73: {  	_ =	swait.ge [sflag:s14], $0x1000  }
0x74: {  	[sflag:s14] =	ssyncset.done $0x0  }
0x75: {  	[sflag:s14] =	ssyncadd.s32 $0xFFFFF000  }
0x76: {  	[tilespmem:s6], [sflag:$0x1] =	stream.indirect.gather [spmem:s3], $0x80, s8, s1, $0xb8;
	[tilespmem:$0x1E000] =	vst v63  }
0x77: {  	_ =	swait.ge [sflag:s13], $0x2000  }
0x78: {  	s20 =	simm.s32 $0x1040;
	s22 =	simm.s32 $0x0;
	[sflag:s13] =	ssyncset.done $0x0  }
0x79: {  	s16 =	sand.u32 $0x18000, s25;
	s18 =	sand.u32 $0x380, s22;
	[sflag:s13] =	ssyncadd.s32 $0xFFFFE000  }
0x7a: {  	[tilespmem:s7], [sflag:$0x2] =	stream.indirect.gather [spmem:s3], $0x80, s20, s1, $0xb8;
	[tilespmem:$0x1E000] =	vst v63  }
0x7b: {  	s17 =	sand.u32 $0x3C0, s20;
	s16 =	sor.u32 s18, s16;
	s21 =	rddreg [dreg:$0x9]  }
0x7c: {  	[tilespmem:s25], [sflag:$0x5] =	stream.linear.gather [hbm4b:s21+s25], $0x1000, $0x38;
	[tilespmem:$0x1E000] =	vst v63  }
0x7d: {  	s23 =	simm.s32 $0x20800;
	s16 =	sor.u32 s11, s16;
	_ =	swait.ge [sflag:s9], $0x2000  }
0x7e: {  	s18 =	sand.u32 $0x38000, s23;
	s16 =	sshll.u32 s16, $0x4;
	[sflag:s9] =	ssyncset.done $0x0  }
0x7f: {  	s17 =	sor.u32 s17, s18;
	s16 =	sadd.s32 s16, s28;
	[sflag:s9] =	ssyncadd.s32 $0xFFFFE000  }
0x80: {  	[hbm4b:s16+s4] =	stream.linear.scatter [tilespmem:s6], [sflag:$0x3], $0x2000, $0x38;
	[tilespmem:$0x1E000] =	vst v63  }
0x81: {  	s24 =	sor.u32 s11, s17;
	_ =	swait.ge [sflag:s10], $0x2000  }
0x82: {  	s16 =	sshll.u32 s24, $0x4;
	[sflag:s10] =	ssyncset.done $0x0  }
0x83: {  	s16 =	sadd.s32 s2, s16;
	[sflag:s10] =	ssyncadd.s32 $0xFFFFE000  }
0x84: {  	[hbm4b:s16+s4] =	stream.linear.scatter [tilespmem:s7], [sflag:$0x4], $0x2000, $0x38;
	[tilespmem:$0x1E000] =	vst v63  }
0x85: {  	s18 =	simm.s32 $0x1000;
	_ =	swait.ge [sflag:s12], $0x2000  }
0x86: {  	s17 =	simm.s32 $0x10C0;
	s22 =	sand.u32 $0x18000, s18;
	[sflag:s12] =	ssyncset.done $0x0  }
0x87: {  	s19 =	simm.s32 $0x10C0;
	s25 =	simm.s32 $0x1080;
	[sflag:s12] =	ssyncadd.s32 $0xFFFFE000  }
0x88: {  	[tilespmem:s6], [sflag:$0x1] =	stream.indirect.gather [spmem:s3], $0x80, s25, s1, $0xb8;
	[tilespmem:$0x1E000] =	vst v63  }
0x89: {  	s20 =	simm.s32 $0x1140;
	s21 =	simm.s32 $0x80;
	_ =	swait.ge [sflag:s13], $0x2000  }
0x8a: {  	s21 =	sand.u32 $0x380, s21;
	s16 =	simm.s32 $0x1140;
	[sflag:s13] =	ssyncset.done $0x0  }
.LBB2_4:
0x8b: {  	s21 =	sor.u32 s21, s22  }
0x8c: {  	s22 =	sand.u32 $0x3C0, s17;
	[sflag:s13] =	ssyncadd.s32 $0xFFFFE000;
	s17 =	smov.u32 s20  }
0x8d: {  	[tilespmem:s7], [sflag:$0x2] =	stream.indirect.gather [spmem:s3], $0x80, s19, s1, $0xb8;
	[tilespmem:$0x1E000] =	vst v63  }
0x8e: {  	s19 =	sor.u32 s11, s21;
	s21 =	sadd.s32 $0x20800, s18;
	_ =	swait.ge [sflag:s9], $0x2000  }
0x8f: {  	s19 =	sshll.u32 s19, $0x4;
	s21 =	sand.u32 $0x38000, s21;
	[sflag:s9] =	ssyncset.done $0x0  }
0x90: {  	s19 =	sadd.s32 s19, s28;
	s21 =	sor.u32 s22, s21;
	[sflag:s9] =	ssyncadd.s32 $0xFFFFE000  }
0x91: {  	[hbm4b:s19+s4] =	stream.linear.scatter [tilespmem:s6], [sflag:$0x3], $0x2000, $0x38;
	[tilespmem:$0x1E000] =	vst v63  }
0x92: {  	s23 =	sadd.s32 $0x80, s20;
	s19 =	sor.u32 s11, s21;
	_ =	swait.ge [sflag:s10], $0x2000  }
0x93: {  	p0 =	sne.s32 s20, $0x1F40;
	s19 =	sshll.u32 s19, $0x4;
	[sflag:s10] =	ssyncset.done $0x0  }
0x94: {  	s20 =	sadd.s32 s2, s19;
	s19 =	smov.u32 s16;
	[sflag:s10] =	ssyncadd.s32 $0xFFFFE000  }
0x95: {  	[hbm4b:s20+s4] =	stream.linear.scatter [tilespmem:s7], [sflag:$0x4], $0x2000, $0x38;
	[tilespmem:$0x1E000] =	vst v63  }
0x96: {  	_ =	swait.ge [sflag:s12], $0x2000  }
.Ltmp1:
0x97: {  	s20 =	sadd.s32 $0xFFFFFFC0, s16;
	[sflag:s12] =	ssyncset.done $0x0;
	(pc) =	sbr.rel @p0 .LBB2_4-.Ltmp1, $4  }
0x98: {  	s18 =	sadd.s32 $0x1000, s18;
	s16 =	sadd.s32 $0x80, s16;
	[sflag:s12] =	ssyncadd.s32 $0xFFFFE000  }
0x99: {  	[tilespmem:s6], [sflag:$0x1] =	stream.indirect.gather [spmem:s3], $0x80, s20, s1, $0xb8;
	[tilespmem:$0x1E000] =	vst v63  }
0x9a: {  	s22 =	sand.u32 $0x18000, s18;
	s20 =	sadd.s32 $0xFFFFEFC0, s17;
	_ =	swait.ge [sflag:s13], $0x2000  }
0x9b: {  	s21 =	sand.u32 $0x380, s20;
	s20 =	smov.u32 s23;
	[sflag:s13] =	ssyncset.done $0x0  }
0x9c: {  	s20 =	sor.u32 s21, s22;
	s17 =	sand.u32 $0x3C0, s17;
	[sflag:s13] =	ssyncadd.s32 $0xFFFFE000  }
0x9d: {  	[tilespmem:s7], [sflag:$0x2] =	stream.indirect.gather [spmem:s3], $0x80, s19, s1, $0xb8;
	[tilespmem:$0x1E000] =	vst v63  }
0x9e: {  	s18 =	sadd.s32 $0x20800, s18;
	s21 =	sor.u32 s11, s20;
	_ =	swait.ge [sflag:s9], $0x2000  }
0x9f: {  	s18 =	sand.u32 $0x38000, s18;
	s19 =	sshll.u32 s21, $0x4;
	[sflag:s9] =	ssyncset.done $0x0  }
0xa0: {  	s17 =	sor.u32 s17, s18;
	s19 =	sadd.s32 s19, s28;
	[sflag:s9] =	ssyncadd.s32 $0xFFFFE000  }
0xa1: {  	[hbm4b:s19+s4] =	stream.linear.scatter [tilespmem:s6], [sflag:$0x3], $0x2000, $0x38;
	[tilespmem:$0x1E000] =	vst v63  }
0xa2: {  	s17 =	sor.u32 s11, s17;
	_ =	swait.ge [sflag:s10], $0x2000  }
0xa3: {  	s17 =	sshll.u32 s17, $0x4;
	[sflag:s10] =	ssyncset.done $0x0  }
0xa4: {  	s17 =	sadd.s32 s2, s17;
	[sflag:s10] =	ssyncadd.s32 $0xFFFFE000  }
0xa5: {  	[hbm4b:s17+s4] =	stream.linear.scatter [tilespmem:s7], [sflag:$0x4], $0x2000, $0x38;
	[tilespmem:$0x1E000] =	vst v63  }
0xa6: {  	_ =	swait.ge [sflag:s12], $0x2000  }
0xa7: {  	[sflag:s12] =	ssyncset.done $0x0  }
0xa8: {  	s22 =	sadd.s32 $0xFFFFFFC0, s16;
	[sflag:s12] =	ssyncadd.s32 $0xFFFFE000  }
0xa9: {  	[tilespmem:s6], [sflag:$0x1] =	stream.indirect.gather [spmem:s3], $0x80, s22, s1, $0xb8;
	[tilespmem:$0x1E000] =	vst v63  }
0xaa: {  	_ =	swait.ge [sflag:s13], $0x2000  }
0xab: {  	[sflag:s13] =	ssyncset.done $0x0  }
0xac: {  	[sflag:s13] =	ssyncadd.s32 $0xFFFFE000  }
0xad: {  	[tilespmem:s7], [sflag:$0x2] =	stream.indirect.gather [spmem:s3], $0x80, s16, s1, $0xb8;
	[tilespmem:$0x1E000] =	vst v63  }
0xae: {  	_ =	swait.ge [sflag:s9], $0x2000  }
0xaf: {  	[sflag:s9] =	ssyncset.done $0x0  }
0xb0: {  	s23 =	simm.s32 $0x0;
	s24 =	rddreg [dreg:$0xa];
	[sflag:s9] =	ssyncadd.s32 $0xFFFFE000  }
0xb1: {  	[hbm4b:s24+s23] =	stream.linear.scatter [tilespmem:s6], [sflag:$0x3], $0x2000, $0x38;
	[tilespmem:$0x1E000] =	vst v63  }
0xb2: {  	_ =	swait.ge [sflag:s10], $0x2000  }
0xb3: {  	[sflag:s10] =	ssyncset.done $0x0  }
0xb4: {  	s25 =	rddreg [dreg:$0xb];
	[sflag:s10] =	ssyncadd.s32 $0xFFFFE000  }
0xb5: {  	[hbm4b:s25+s23] =	stream.linear.scatter [tilespmem:s7], [sflag:$0x4], $0x2000, $0x38;
	[tilespmem:$0x1E000] =	vst v63  }
0xb6: {  	_ =	swait.ge [sflag:s12], $0x2000  }
0xb7: {  	[sflag:s12] =	ssyncset.done $0x0  }
0xb8: {  	[sflag:s12] =	ssyncadd.s32 $0xFFFFE000  }
0xb9: {  	_ =	swait.ge [sflag:s14], $0x1000  }
0xba: {  	[sflag:s14] =	ssyncset.done $0x0  }
0xbb: {  	[sflag:s14] =	ssyncadd.s32 $0xFFFFF000  }
0xbc: {  	[tilespmem:s6], [sflag:$0x1] =	stream.indirect.gather [spmem:s3], $0x80, s23, s1, $0xb8;
	[tilespmem:$0x1E000] =	vst v63  }
0xbd: {  	_ =	swait.ge [sflag:s13], $0x2000  }
0xbe: {  	s20 =	simm.s32 $0x2040;
	s19 =	simm.s32 $0x0;
	[sflag:s13] =	ssyncset.done $0x0  }
0xbf: {  	s17 =	sand.u32 $0x380, s19;
	s16 =	sand.u32 $0x18000, s23;
	[sflag:s13] =	ssyncadd.s32 $0xFFFFE000  }
0xc0: {  	[tilespmem:s7], [sflag:$0x2] =	stream.indirect.gather [spmem:s3], $0x80, s1, s1, $0xb8;
	[tilespmem:$0x1E000] =	vst v63  }
0xc1: {  	s21 =	sand.u32 $0x3C0, s20;
	s16 =	sor.u32 s17, s16;
	s18 =	rddreg [dreg:$0xd]  }
0xc2: {  	[tilespmem:s8], [sflag:$0x5] =	stream.linear.gather [hbm4b:s18+s23], $0x1000, $0x38;
	[tilespmem:$0x1E000] =	vst v63  }
0xc3: {  	s22 =	simm.s32 $0x40800;
	s16 =	sor.u32 s11, s16;
	_ =	swait.ge [sflag:s9], $0x2000  }
0xc4: {  	s16 =	sshll.u32 s16, $0x4;
	s18 =	sand.u32 $0x58000, s22;
	[sflag:s9] =	ssyncset.done $0x0  }
0xc5: {  	s16 =	sadd.s32 s16, s29;
	s17 =	sor.u32 s21, s18;
	[sflag:s9] =	ssyncadd.s32 $0xFFFFE000  }
0xc6: {  	[hbm4b:s16+s4] =	stream.linear.scatter [tilespmem:s6], [sflag:$0x3], $0x2000, $0x38;
	[tilespmem:$0x1E000] =	vst v63  }
0xc7: {  	s23 =	sor.u32 s11, s17;
	_ =	swait.ge [sflag:s10], $0x2000  }
0xc8: {  	s16 =	sshll.u32 s23, $0x4;
	[sflag:s10] =	ssyncset.done $0x0  }
0xc9: {  	s16 =	sadd.s32 s2, s16;
	[sflag:s10] =	ssyncadd.s32 $0xFFFFE000  }
0xca: {  	[hbm4b:s16+s4] =	stream.linear.scatter [tilespmem:s7], [sflag:$0x4], $0x2000, $0x38;
	[tilespmem:$0x1E000] =	vst v63  }
0xcb: {  	s20 =	simm.s32 $0x2140;
	_ =	swait.ge [sflag:s12], $0x2000  }
0xcc: {  	s19 =	simm.s32 $0xC0;
	s24 =	simm.s32 $0x80;
	[sflag:s12] =	ssyncset.done $0x0  }
0xcd: {  	s25 =	simm.s32 $0x80;
	s18 =	simm.s32 $0x1000;
	[sflag:s12] =	ssyncadd.s32 $0xFFFFE000  }
0xce: {  	[tilespmem:s6], [sflag:$0x1] =	stream.indirect.gather [spmem:s3], $0x80, s24, s1, $0xb8;
	[tilespmem:$0x1E000] =	vst v63  }
0xcf: {  	s21 =	sand.u32 $0x380, s25;
	s17 =	simm.s32 $0x20C0;
	_ =	swait.ge [sflag:s13], $0x2000  }
0xd0: {  	s22 =	sand.u32 $0x18000, s18;
	s16 =	simm.s32 $0x140;
	[sflag:s13] =	ssyncset.done $0x0  }
.LBB2_6:
0xd1: {  	s21 =	sor.u32 s21, s22  }
0xd2: {  	s22 =	sand.u32 $0x3C0, s17;
	[sflag:s13] =	ssyncadd.s32 $0xFFFFE000;
	s17 =	smov.u32 s20  }
0xd3: {  	[tilespmem:s7], [sflag:$0x2] =	stream.indirect.gather [spmem:s3], $0x80, s19, s1, $0xb8;
	[tilespmem:$0x1E000] =	vst v63  }
0xd4: {  	s19 =	sor.u32 s11, s21;
	s21 =	sadd.s32 $0x40800, s18;
	_ =	swait.ge [sflag:s9], $0x2000  }
0xd5: {  	s19 =	sshll.u32 s19, $0x4;
	s21 =	sand.u32 $0x58000, s21;
	[sflag:s9] =	ssyncset.done $0x0  }
0xd6: {  	s19 =	sadd.s32 s19, s29;
	s21 =	sor.u32 s22, s21;
	[sflag:s9] =	ssyncadd.s32 $0xFFFFE000  }
0xd7: {  	[hbm4b:s19+s4] =	stream.linear.scatter [tilespmem:s6], [sflag:$0x3], $0x2000, $0x38;
	[tilespmem:$0x1E000] =	vst v63  }
0xd8: {  	s23 =	sadd.s32 $0x80, s20;
	s19 =	sor.u32 s11, s21;
	_ =	swait.ge [sflag:s10], $0x2000  }
0xd9: {  	p0 =	sne.s32 s20, $0x2F40;
	s19 =	sshll.u32 s19, $0x4;
	[sflag:s10] =	ssyncset.done $0x0  }
0xda: {  	s20 =	sadd.s32 s2, s19;
	s19 =	smov.u32 s16;
	[sflag:s10] =	ssyncadd.s32 $0xFFFFE000  }
0xdb: {  	[hbm4b:s20+s4] =	stream.linear.scatter [tilespmem:s7], [sflag:$0x4], $0x2000, $0x38;
	[tilespmem:$0x1E000] =	vst v63  }
0xdc: {  	_ =	swait.ge [sflag:s12], $0x2000  }
.Ltmp2:
0xdd: {  	s20 =	sadd.s32 $0xFFFFFFC0, s16;
	[sflag:s12] =	ssyncset.done $0x0;
	(pc) =	sbr.rel @p0 .LBB2_6-.Ltmp2, $4  }
0xde: {  	s18 =	sadd.s32 $0x1000, s18;
	s16 =	sadd.s32 $0x80, s16;
	[sflag:s12] =	ssyncadd.s32 $0xFFFFE000  }
0xdf: {  	[tilespmem:s6], [sflag:$0x1] =	stream.indirect.gather [spmem:s3], $0x80, s20, s1, $0xb8;
	[tilespmem:$0x1E000] =	vst v63  }
0xe0: {  	s22 =	sand.u32 $0x18000, s18;
	s20 =	sadd.s32 $0xFFFFDFC0, s17;
	_ =	swait.ge [sflag:s13], $0x2000  }
0xe1: {  	s21 =	sand.u32 $0x380, s20;
	s20 =	smov.u32 s23;
	[sflag:s13] =	ssyncset.done $0x0  }
0xe2: {  	s20 =	sor.u32 s21, s22;
	s17 =	sand.u32 $0x3C0, s17;
	[sflag:s13] =	ssyncadd.s32 $0xFFFFE000  }
0xe3: {  	[tilespmem:s7], [sflag:$0x2] =	stream.indirect.gather [spmem:s3], $0x80, s19, s1, $0xb8;
	[tilespmem:$0x1E000] =	vst v63  }
0xe4: {  	s18 =	sadd.s32 $0x40800, s18;
	s20 =	sor.u32 s11, s20;
	_ =	swait.ge [sflag:s9], $0x2000  }
0xe5: {  	s18 =	sand.u32 $0x58000, s18;
	s19 =	sshll.u32 s20, $0x4;
	[sflag:s9] =	ssyncset.done $0x0  }
0xe6: {  	s17 =	sor.u32 s17, s18;
	s19 =	sadd.s32 s19, s29;
	[sflag:s9] =	ssyncadd.s32 $0xFFFFE000  }
0xe7: {  	[hbm4b:s19+s4] =	stream.linear.scatter [tilespmem:s6], [sflag:$0x3], $0x2000, $0x38;
	[tilespmem:$0x1E000] =	vst v63  }
0xe8: {  	s17 =	sor.u32 s11, s17;
	_ =	swait.ge [sflag:s10], $0x2000  }
0xe9: {  	s17 =	sshll.u32 s17, $0x4;
	[sflag:s10] =	ssyncset.done $0x0  }
0xea: {  	s17 =	sadd.s32 s2, s17;
	[sflag:s10] =	ssyncadd.s32 $0xFFFFE000  }
0xeb: {  	[hbm4b:s17+s4] =	stream.linear.scatter [tilespmem:s7], [sflag:$0x4], $0x2000, $0x38;
	[tilespmem:$0x1E000] =	vst v63  }
0xec: {  	_ =	swait.ge [sflag:s12], $0x2000  }
0xed: {  	[sflag:s12] =	ssyncset.done $0x0  }
0xee: {  	s21 =	sadd.s32 $0xFFFFFFC0, s16;
	[sflag:s12] =	ssyncadd.s32 $0xFFFFE000  }
0xef: {  	[tilespmem:s6], [sflag:$0x1] =	stream.indirect.gather [spmem:s3], $0x80, s21, s1, $0xb8;
	[tilespmem:$0x1E000] =	vst v63  }
0xf0: {  	_ =	swait.ge [sflag:s13], $0x2000  }
0xf1: {  	[sflag:s13] =	ssyncset.done $0x0  }
0xf2: {  	[sflag:s13] =	ssyncadd.s32 $0xFFFFE000  }
0xf3: {  	[tilespmem:s7], [sflag:$0x2] =	stream.indirect.gather [spmem:s3], $0x80, s16, s1, $0xb8;
	[tilespmem:$0x1E000] =	vst v63  }
0xf4: {  	_ =	swait.ge [sflag:s9], $0x2000  }
0xf5: {  	[sflag:s9] =	ssyncset.done $0x0  }
0xf6: {  	s22 =	simm.s32 $0x0;
	s23 =	rddreg [dreg:$0xc];
	[sflag:s9] =	ssyncadd.s32 $0xFFFFE000  }
0xf7: {  	[hbm4b:s23+s22] =	stream.linear.scatter [tilespmem:s6], [sflag:$0x3], $0x2000, $0x38;
	[tilespmem:$0x1E000] =	vst v63  }
0xf8: {  	_ =	swait.ge [sflag:s10], $0x2000  }
0xf9: {  	[sflag:s10] =	ssyncset.done $0x0  }
0xfa: {  	s24 =	rddreg [dreg:$0xe];
	[sflag:s10] =	ssyncadd.s32 $0xFFFFE000  }
0xfb: {  	[hbm4b:s24+s22] =	stream.linear.scatter [tilespmem:s7], [sflag:$0x4], $0x2000, $0x38;
	[tilespmem:$0x1E000] =	vst v63  }
0xfc: {  	_ =	swait.ge [sflag:s12], $0x2000  }
0xfd: {  	[sflag:s12] =	ssyncset.done $0x0  }
0xfe: {  	[sflag:s12] =	ssyncadd.s32 $0xFFFFE000  }
0xff: {  	_ =	swait.ge [sflag:s14], $0x1000  }
0x100: {  	[sflag:s14] =	ssyncset.done $0x0  }
0x101: {  	[sflag:s14] =	ssyncadd.s32 $0xFFFFF000  }
0x102: {  	[tilespmem:s6], [sflag:$0x1] =	stream.indirect.gather [spmem:s3], $0x80, s8, s1, $0xb8;
	[tilespmem:$0x1E000] =	vst v63  }
0x103: {  	s25 =	simm.s32 $0x1040;
	_ =	swait.ge [sflag:s13], $0x2000  }
0x104: {  	s20 =	simm.s32 $0x3040;
	s19 =	simm.s32 $0x0;
	[sflag:s13] =	ssyncset.done $0x0  }
0x105: {  	s17 =	sand.u32 $0x380, s19;
	s16 =	sand.u32 $0x18000, s22;
	[sflag:s13] =	ssyncadd.s32 $0xFFFFE000  }
0x106: {  	[tilespmem:s7], [sflag:$0x2] =	stream.indirect.gather [spmem:s3], $0x80, s25, s1, $0xb8;
	[tilespmem:$0x1E000] =	vst v63  }
0x107: {  	s21 =	sand.u32 $0x3C0, s20;
	s16 =	sor.u32 s17, s16;
	s18 =	rddreg [dreg:$0xf]  }
0x108: {  	[tilespmem:s22], [sflag:$0x5] =	stream.linear.gather [hbm4b:s18+s22], $0x1000, $0x38;
	[tilespmem:$0x1E000] =	vst v63  }
0x109: {  	s16 =	sor.u32 s11, s16;
	s22 =	simm.s32 $0x60800;
	_ =	swait.ge [sflag:s9], $0x2000  }
0x10a: {  	s16 =	sshll.u32 s16, $0x4;
	s18 =	sand.u32 $0x78000, s22;
	[sflag:s9] =	ssyncset.done $0x0  }
0x10b: {  	s16 =	sadd.s32 s16, s30;
	s17 =	sor.u32 s21, s18;
	[sflag:s9] =	ssyncadd.s32 $0xFFFFE000  }
0x10c: {  	[hbm4b:s16+s4] =	stream.linear.scatter [tilespmem:s6], [sflag:$0x3], $0x2000, $0x38;
	[tilespmem:$0x1E000] =	vst v63  }
0x10d: {  	s23 =	sor.u32 s11, s17;
	_ =	swait.ge [sflag:s10], $0x2000  }
0x10e: {  	s16 =	sshll.u32 s23, $0x4;
	[sflag:s10] =	ssyncset.done $0x0  }
0x10f: {  	s16 =	sadd.s32 s2, s16;
	[sflag:s10] =	ssyncadd.s32 $0xFFFFE000  }
0x110: {  	[hbm4b:s16+s4] =	stream.linear.scatter [tilespmem:s7], [sflag:$0x4], $0x2000, $0x38;
	[tilespmem:$0x1E000] =	vst v63  }
0x111: {  	s19 =	simm.s32 $0x10C0;
	_ =	swait.ge [sflag:s12], $0x2000  }
0x112: {  	s20 =	simm.s32 $0x3140;
	s24 =	simm.s32 $0x1080;
	[sflag:s12] =	ssyncset.done $0x0  }
0x113: {  	s25 =	simm.s32 $0x80;
	s18 =	simm.s32 $0x1000;
	[sflag:s12] =	ssyncadd.s32 $0xFFFFE000  }
0x114: {  	[tilespmem:s6], [sflag:$0x1] =	stream.indirect.gather [spmem:s3], $0x80, s24, s1, $0xb8;
	[tilespmem:$0x1E000] =	vst v63  }
0x115: {  	s21 =	sand.u32 $0x380, s25;
	s17 =	simm.s32 $0x30C0;
	_ =	swait.ge [sflag:s13], $0x2000  }
0x116: {  	s22 =	sand.u32 $0x18000, s18;
	s16 =	simm.s32 $0x1140;
	[sflag:s13] =	ssyncset.done $0x0  }
.LBB2_8:
0x117: {  	s21 =	sor.u32 s21, s22  }
0x118: {  	s22 =	sand.u32 $0x3C0, s17;
	[sflag:s13] =	ssyncadd.s32 $0xFFFFE000;
	s17 =	smov.u32 s20  }
0x119: {  	[tilespmem:s7], [sflag:$0x2] =	stream.indirect.gather [spmem:s3], $0x80, s19, s1, $0xb8;
	[tilespmem:$0x1E000] =	vst v63  }
0x11a: {  	s19 =	sor.u32 s11, s21;
	s21 =	sadd.s32 $0x60800, s18;
	_ =	swait.ge [sflag:s9], $0x2000  }
0x11b: {  	s19 =	sshll.u32 s19, $0x4;
	s21 =	sand.u32 $0x78000, s21;
	[sflag:s9] =	ssyncset.done $0x0  }
0x11c: {  	s19 =	sadd.s32 s19, s30;
	s21 =	sor.u32 s22, s21;
	[sflag:s9] =	ssyncadd.s32 $0xFFFFE000  }
0x11d: {  	[hbm4b:s19+s4] =	stream.linear.scatter [tilespmem:s6], [sflag:$0x3], $0x2000, $0x38;
	[tilespmem:$0x1E000] =	vst v63  }
0x11e: {  	s23 =	sadd.s32 $0x80, s20;
	s19 =	sor.u32 s11, s21;
	_ =	swait.ge [sflag:s10], $0x2000  }
0x11f: {  	p0 =	sne.s32 s20, $0x3F40;
	s19 =	sshll.u32 s19, $0x4;
	[sflag:s10] =	ssyncset.done $0x0  }
0x120: {  	s20 =	sadd.s32 s2, s19;
	s19 =	smov.u32 s16;
	[sflag:s10] =	ssyncadd.s32 $0xFFFFE000  }
0x121: {  	[hbm4b:s20+s4] =	stream.linear.scatter [tilespmem:s7], [sflag:$0x4], $0x2000, $0x38;
	[tilespmem:$0x1E000] =	vst v63  }
0x122: {  	_ =	swait.ge [sflag:s12], $0x2000  }
.Ltmp3:
0x123: {  	s20 =	sadd.s32 $0xFFFFFFC0, s16;
	[sflag:s12] =	ssyncset.done $0x0;
	(pc) =	sbr.rel @p0 .LBB2_8-.Ltmp3, $4  }
0x124: {  	s18 =	sadd.s32 $0x1000, s18;
	s16 =	sadd.s32 $0x80, s16;
	[sflag:s12] =	ssyncadd.s32 $0xFFFFE000  }
0x125: {  	[tilespmem:s6], [sflag:$0x1] =	stream.indirect.gather [spmem:s3], $0x80, s20, s1, $0xb8;
	[tilespmem:$0x1E000] =	vst v63  }
0x126: {  	s22 =	sand.u32 $0x18000, s18;
	s20 =	sadd.s32 $0xFFFFCFC0, s17;
	_ =	swait.ge [sflag:s13], $0x2000  }
0x127: {  	s21 =	sand.u32 $0x380, s20;
	s20 =	smov.u32 s23;
	[sflag:s13] =	ssyncset.done $0x0  }
0x128: {  	s20 =	sor.u32 s21, s22;
	s17 =	sand.u32 $0x3C0, s17;
	[sflag:s13] =	ssyncadd.s32 $0xFFFFE000  }
0x129: {  	[tilespmem:s7], [sflag:$0x2] =	stream.indirect.gather [spmem:s3], $0x80, s19, s1, $0xb8;
	[tilespmem:$0x1E000] =	vst v63  }
0x12a: {  	s18 =	sadd.s32 $0x60800, s18;
	s22 =	sor.u32 s11, s20;
	_ =	swait.ge [sflag:s9], $0x2000  }
0x12b: {  	s18 =	sand.u32 $0x78000, s18;
	s19 =	sshll.u32 s22, $0x4;
	[sflag:s9] =	ssyncset.done $0x0  }
0x12c: {  	s17 =	sor.u32 s17, s18;
	s19 =	sadd.s32 s19, s30;
	[sflag:s9] =	ssyncadd.s32 $0xFFFFE000  }
0x12d: {  	[hbm4b:s19+s4] =	stream.linear.scatter [tilespmem:s6], [sflag:$0x3], $0x2000, $0x38;
	[tilespmem:$0x1E000] =	vst v63  }
0x12e: {  	s17 =	sor.u32 s11, s17;
	_ =	swait.ge [sflag:s10], $0x2000  }
0x12f: {  	s17 =	sshll.u32 s17, $0x4;
	[sflag:s10] =	ssyncset.done $0x0  }
0x130: {  	s17 =	sadd.s32 s2, s17;
	[sflag:s10] =	ssyncadd.s32 $0xFFFFE000  }
0x131: {  	[hbm4b:s17+s4] =	stream.linear.scatter [tilespmem:s7], [sflag:$0x4], $0x2000, $0x38;
	[tilespmem:$0x1E000] =	vst v63  }
0x132: {  	_ =	swait.ge [sflag:s12], $0x2000  }
0x133: {  	[sflag:s12] =	ssyncset.done $0x0  }
0x134: {  	s23 =	sadd.s32 $0xFFFFFFC0, s16;
	[sflag:s12] =	ssyncadd.s32 $0xFFFFE000  }
0x135: {  	[tilespmem:s6], [sflag:$0x1] =	stream.indirect.gather [spmem:s3], $0x80, s23, s1, $0xb8;
	[tilespmem:$0x1E000] =	vst v63  }
0x136: {  	_ =	swait.ge [sflag:s13], $0x2000  }
0x137: {  	[sflag:s13] =	ssyncset.done $0x0  }
0x138: {  	[sflag:s13] =	ssyncadd.s32 $0xFFFFE000  }
0x139: {  	[tilespmem:s7], [sflag:$0x2] =	stream.indirect.gather [spmem:s3], $0x80, s16, s1, $0xb8;
	[tilespmem:$0x1E000] =	vst v63  }
0x13a: {  	_ =	swait.ge [sflag:s9], $0x2000  }
0x13b: {  	[sflag:s9] =	ssyncset.done $0x0  }
0x13c: {  	s24 =	simm.s32 $0x0;
	s25 =	rddreg [dreg:$0x11];
	[sflag:s9] =	ssyncadd.s32 $0xFFFFE000  }
0x13d: {  	[hbm4b:s25+s24] =	stream.linear.scatter [tilespmem:s6], [sflag:$0x3], $0x2000, $0x38;
	[tilespmem:$0x1E000] =	vst v63  }
0x13e: {  	_ =	swait.ge [sflag:s10], $0x2000  }
0x13f: {  	[sflag:s10] =	ssyncset.done $0x0  }
0x140: {  	s18 =	rddreg [dreg:$0x12];
	[sflag:s10] =	ssyncadd.s32 $0xFFFFE000  }
0x141: {  	[hbm4b:s18+s24] =	stream.linear.scatter [tilespmem:s7], [sflag:$0x4], $0x2000, $0x38;
	[tilespmem:$0x1E000] =	vst v63  }
0x142: {  	_ =	swait.ge [sflag:s12], $0x2000  }
0x143: {  	[sflag:s12] =	ssyncset.done $0x0  }
0x144: {  	[sflag:s12] =	ssyncadd.s32 $0xFFFFE000  }
0x145: {  	_ =	swait.ge [sflag:s14], $0x1000  }
0x146: {  	[sflag:s14] =	ssyncset.done $0x0  }
0x147: {  	[sflag:s14] =	ssyncadd.s32 $0xFFFFF000  }
0x148: {  	[tilespmem:s6], [sflag:$0x1] =	stream.indirect.gather [spmem:s3], $0x80, s24, s1, $0xb8;
	[tilespmem:$0x1E000] =	vst v63  }
0x149: {  	s20 =	simm.s32 $0x4040;
	s19 =	simm.s32 $0x0;
	_ =	swait.ge [sflag:s13], $0x2000  }
0x14a: {  	s17 =	sand.u32 $0x380, s19;
	s16 =	sand.u32 $0x18000, s24;
	[sflag:s13] =	ssyncset.done $0x0  }
0x14b: {  	s21 =	sand.u32 $0x3C0, s20;
	s16 =	sor.u32 s17, s16;
	[sflag:s13] =	ssyncadd.s32 $0xFFFFE000  }
0x14c: {  	[tilespmem:s7], [sflag:$0x2] =	stream.indirect.gather [spmem:s3], $0x80, s1, s1, $0xb8;
	[tilespmem:$0x1E000] =	vst v63  }
0x14d: {  	s22 =	simm.s32 $0x80800;
	s16 =	sor.u32 s11, s16;
	_ =	swait.ge [sflag:s9], $0x2000  }
0x14e: {  	s16 =	sshll.u32 s16, $0x4;
	s18 =	sand.u32 $0x98000, s22;
	[sflag:s9] =	ssyncset.done $0x0  }
0x14f: {  	s16 =	sadd.s32 s16, s31;
	s17 =	sor.u32 s21, s18;
	[sflag:s9] =	ssyncadd.s32 $0xFFFFE000  }
0x150: {  	[hbm4b:s16+s4] =	stream.linear.scatter [tilespmem:s6], [sflag:$0x3], $0x2000, $0x38;
	[tilespmem:$0x1E000] =	vst v63  }
0x151: {  	s23 =	sor.u32 s11, s17;
	_ =	swait.ge [sflag:s10], $0x2000  }
0x152: {  	s16 =	sshll.u32 s23, $0x4;
	[sflag:s10] =	ssyncset.done $0x0  }
0x153: {  	s16 =	sadd.s32 s2, s16;
	[sflag:s10] =	ssyncadd.s32 $0xFFFFE000  }
0x154: {  	[hbm4b:s16+s4] =	stream.linear.scatter [tilespmem:s7], [sflag:$0x4], $0x2000, $0x38;
	[tilespmem:$0x1E000] =	vst v63  }
0x155: {  	s20 =	simm.s32 $0x4140;
	_ =	swait.ge [sflag:s12], $0x2000  }
0x156: {  	s19 =	simm.s32 $0xC0;
	s25 =	simm.s32 $0x80;
	[sflag:s12] =	ssyncset.done $0x0  }
0x157: {  	s18 =	simm.s32 $0x1000;
	s24 =	simm.s32 $0x80;
	[sflag:s12] =	ssyncadd.s32 $0xFFFFE000  }
0x158: {  	[tilespmem:s6], [sflag:$0x1] =	stream.indirect.gather [spmem:s3], $0x80, s24, s1, $0xb8;
	[tilespmem:$0x1E000] =	vst v63  }
0x159: {  	s21 =	sand.u32 $0x380, s25;
	s17 =	simm.s32 $0x40C0;
	_ =	swait.ge [sflag:s13], $0x2000  }
0x15a: {  	s22 =	sand.u32 $0x18000, s18;
	s16 =	simm.s32 $0x140;
	[sflag:s13] =	ssyncset.done $0x0  }
.LBB2_10:
0x15b: {  	s21 =	sor.u32 s21, s22  }
0x15c: {  	s22 =	sand.u32 $0x3C0, s17;
	[sflag:s13] =	ssyncadd.s32 $0xFFFFE000;
	s17 =	smov.u32 s20  }
0x15d: {  	[tilespmem:s7], [sflag:$0x2] =	stream.indirect.gather [spmem:s3], $0x80, s19, s1, $0xb8;
	[tilespmem:$0x1E000] =	vst v63  }
0x15e: {  	s19 =	sor.u32 s11, s21;
	s21 =	sadd.s32 $0x80800, s18;
	_ =	swait.ge [sflag:s9], $0x2000  }
0x15f: {  	s19 =	sshll.u32 s19, $0x4;
	s21 =	sand.u32 $0x98000, s21;
	[sflag:s9] =	ssyncset.done $0x0  }
0x160: {  	s19 =	sadd.s32 s19, s31;
	s21 =	sor.u32 s22, s21;
	[sflag:s9] =	ssyncadd.s32 $0xFFFFE000  }
0x161: {  	[hbm4b:s19+s4] =	stream.linear.scatter [tilespmem:s6], [sflag:$0x3], $0x2000, $0x38;
	[tilespmem:$0x1E000] =	vst v63  }
0x162: {  	s23 =	sadd.s32 $0x80, s20;
	s19 =	sor.u32 s11, s21;
	_ =	swait.ge [sflag:s10], $0x2000  }
0x163: {  	p0 =	sne.s32 s20, $0x4F40;
	s19 =	sshll.u32 s19, $0x4;
	[sflag:s10] =	ssyncset.done $0x0  }
0x164: {  	s20 =	sadd.s32 s2, s19;
	s19 =	smov.u32 s16;
	[sflag:s10] =	ssyncadd.s32 $0xFFFFE000  }
0x165: {  	[hbm4b:s20+s4] =	stream.linear.scatter [tilespmem:s7], [sflag:$0x4], $0x2000, $0x38;
	[tilespmem:$0x1E000] =	vst v63  }
0x166: {  	_ =	swait.ge [sflag:s12], $0x2000  }
.Ltmp4:
0x167: {  	s20 =	sadd.s32 $0xFFFFFFC0, s16;
	[sflag:s12] =	ssyncset.done $0x0;
	(pc) =	sbr.rel @p0 .LBB2_10-.Ltmp4, $4  }
0x168: {  	s18 =	sadd.s32 $0x1000, s18;
	s16 =	sadd.s32 $0x80, s16;
	[sflag:s12] =	ssyncadd.s32 $0xFFFFE000  }
0x169: {  	[tilespmem:s6], [sflag:$0x1] =	stream.indirect.gather [spmem:s3], $0x80, s20, s1, $0xb8;
	[tilespmem:$0x1E000] =	vst v63  }
0x16a: {  	s22 =	sand.u32 $0x18000, s18;
	s20 =	sadd.s32 $0xFFFFBFC0, s17;
	_ =	swait.ge [sflag:s13], $0x2000  }
0x16b: {  	s21 =	sand.u32 $0x380, s20;
	s20 =	smov.u32 s23;
	[sflag:s13] =	ssyncset.done $0x0  }
0x16c: {  	s20 =	sor.u32 s21, s22;
	s17 =	sand.u32 $0x3C0, s17;
	[sflag:s13] =	ssyncadd.s32 $0xFFFFE000  }
0x16d: {  	[tilespmem:s7], [sflag:$0x2] =	stream.indirect.gather [spmem:s3], $0x80, s19, s1, $0xb8;
	[tilespmem:$0x1E000] =	vst v63  }
0x16e: {  	s18 =	sadd.s32 $0x80800, s18;
	s21 =	sor.u32 s11, s20;
	_ =	swait.ge [sflag:s9], $0x2000  }
0x16f: {  	s18 =	sand.u32 $0x98000, s18;
	s19 =	sshll.u32 s21, $0x4;
	[sflag:s9] =	ssyncset.done $0x0  }
0x170: {  	s17 =	sor.u32 s17, s18;
	s19 =	sadd.s32 s19, s31;
	[sflag:s9] =	ssyncadd.s32 $0xFFFFE000  }
0x171: {  	[hbm4b:s19+s4] =	stream.linear.scatter [tilespmem:s6], [sflag:$0x3], $0x2000, $0x38;
	[tilespmem:$0x1E000] =	vst v63  }
0x172: {  	s17 =	sor.u32 s11, s17;
	_ =	swait.ge [sflag:s10], $0x2000  }
0x173: {  	s17 =	sshll.u32 s17, $0x4;
	[sflag:s10] =	ssyncset.done $0x0  }
0x174: {  	s17 =	sadd.s32 s2, s17;
	[sflag:s10] =	ssyncadd.s32 $0xFFFFE000  }
0x175: {  	[hbm4b:s17+s4] =	stream.linear.scatter [tilespmem:s7], [sflag:$0x4], $0x2000, $0x38;
	[tilespmem:$0x1E000] =	vst v63  }
0x176: {  	_ =	swait.ge [sflag:s12], $0x2000  }
0x177: {  	[sflag:s12] =	ssyncset.done $0x0  }
0x178: {  	s22 =	sadd.s32 $0xFFFFFFC0, s16;
	[sflag:s12] =	ssyncadd.s32 $0xFFFFE000  }
0x179: {  	[tilespmem:s6], [sflag:$0x1] =	stream.indirect.gather [spmem:s3], $0x80, s22, s1, $0xb8;
	[tilespmem:$0x1E000] =	vst v63  }
0x17a: {  	_ =	swait.ge [sflag:s13], $0x2000  }
0x17b: {  	[sflag:s13] =	ssyncset.done $0x0  }
0x17c: {  	[sflag:s13] =	ssyncadd.s32 $0xFFFFE000  }
0x17d: {  	[tilespmem:s7], [sflag:$0x2] =	stream.indirect.gather [spmem:s3], $0x80, s16, s1, $0xb8;
	[tilespmem:$0x1E000] =	vst v63  }
0x17e: {  	_ =	swait.ge [sflag:s9], $0x2000  }
0x17f: {  	[sflag:s9] =	ssyncset.done $0x0  }
0x180: {  	s23 =	rddreg [dreg:$0x13];
	[sflag:s9] =	ssyncadd.s32 $0xFFFFE000  }
0x181: {  	[hbm4b:s23+s4] =	stream.linear.scatter [tilespmem:s6], [sflag:$0x3], $0x2000, $0x38;
	[tilespmem:$0x1E000] =	vst v63  }
0x182: {  	_ =	swait.ge [sflag:s10], $0x2000  }
0x183: {  	[sflag:s10] =	ssyncset.done $0x0  }
0x184: {  	s24 =	rddreg [dreg:$0x14];
	[sflag:s10] =	ssyncadd.s32 $0xFFFFE000  }
0x185: {  	[hbm4b:s24+s4] =	stream.linear.scatter [tilespmem:s7], [sflag:$0x4], $0x2000, $0x38;
	[tilespmem:$0x1E000] =	vst v63  }
0x186: {  	_ =	swait.ge [sflag:s12], $0x2000  }
0x187: {  	[sflag:s12] =	ssyncset.done $0x0  }
0x188: {  	[sflag:s12] =	ssyncadd.s32 $0xFFFFE000  }
0x189: {  	_ =	swait.ge [sflag:s13], $0x2000  }
0x18a: {  	s15 =	sadd.s32 $0x1, s15;
	s25 =	rddreg [dreg:$0x15]  }
0x18b: {  	p0 =	sne.s32 s15, s25  }
.Ltmp5:
0x18c: {  	_ = 	snop;
	(pc) =	sbr.rel @p0 .LBB2_1-.Ltmp5, $3  }
0x18d: {  	_ =	sdelay $0x1  }
0x18e: {  	[sflag:s13] =	ssyncset.done $0x0  }
0x18f: {  	[sflag:s13] =	ssyncadd.s32 $0xFFFFE000  }
0x190: {  	_ =	sfence.sel $0x180000  }
0x191: {  	[bflag:$0x0] =	sbarrier.arrive $0xFFFF  }
0x192: {  	_ =	strace $0x90000047  }
0x193: {  	s0 =	stileid.u32;
	[bflag:$0x2] =	sbarrier.arrive $0xFFFF  }
0x194: {  	p0 =	sne.s32 s0, $0x0;
	s0 =	rddreg [dreg:$0x3]  }
0x195: {  	s0 =	sadd.s32 @!p0 $0x100000, s0  }
0x196: {  	[sflag:s0] =	ssyncadd.tile.s32 @!p0 $0x1;
	_ =	shalt  }
.Lfunc_end2:
_tile_overlayer_lowered:
.L_overlay_start_2:
0x197: {  	(tag) =	ssettag $0x2  }
0x198: {  	s0 =	rddreg [dreg:$0x0];
	s2 =	stileid.u32  }
0x199: {  	s1 =	rddreg [dreg:$0x1];
	p0 =	sne.s32 s2, $0x0  }
0x19a: {  	s3 =	rddreg [dreg:$0x2];
	[bflag:$0x3] =	sbarrier.arrive $0xFFFF;
	s2 =	simm.s32 @!p0 $0x1C06  }
0x19b: {  	[timem:s3], [sflag:s2] =	dma.local @!p0 [hbm:s0], s1  }
0x19c: {  	s0 =	simm.s32 @!p0 $0x6  }
0x19d: {  	_ =	swait.ge @!p0 [sflag:s0], s1  }
0x19e: {  	s1 =	ssub.s32 @!p0 $0x0, s1;
	[sflag:s0] =	ssyncset.done @!p0 $0x0  }
0x19f: {  	[sflag:s0] =	ssyncadd.s32 @!p0 s1  }
0x1a0: {  	[bflag:$0x3] =	sbarrier.arrive $0xFFFF  }
0x1a1: {  	_ =	shalt  }

</sc_bundles>
